<compile_context>
chip_gen: v7x
topology: tpu7x:2x2x1
jax: 0.10.2.dev20260603
libtpu: 0.0.44.dev20260713+nightly
codegen_flags: <defaults>
</compile_context>

<pallas_src>
import functools
import jax
import jax.numpy as jnp
from jax import lax
from jax.experimental import pallas as pl
from jax.experimental.pallas import tpu as pltpu, tpu_sc as plsc

DIM = 128
BATCH = 16384
CHUNK = 64
LANES = 16
NW = 32
PER_W = BATCH // NW
NCHUNKS = PER_W // CHUNK

_GDN = lax.GatherDimensionNumbers(
    offset_dims=(), collapsed_slice_dims=(0,), start_index_map=(0,))


def _shuffle(x, idx):
    return lax.gather(x, idx[:, None], dimension_numbers=_GDN,
                      slice_sizes=(1,),
                      mode=lax.GatherScatterMode.PROMISE_IN_BOUNDS)


def _score_body(ent_hbm, rel_hbm, h_idx, r_idx, t_idx, out_hbm,
                hix, rix, tix, hbuf, rbuf, tbuf, qbuf, outv,
                hsem0, rsem0, tsem0, hsem1, rsem1, tsem1):
    sems = ((hsem0, rsem0, tsem0), (hsem1, rsem1, tsem1))
    nc = 2
    wid = lax.axis_index("s") * nc + lax.axis_index("c")
    base = wid * PER_W

    ih = pltpu.make_async_copy(h_idx.at[pl.ds(base, PER_W)], hix, hsem0)
    ir = pltpu.make_async_copy(r_idx.at[pl.ds(base, PER_W)], rix, rsem0)
    it = pltpu.make_async_copy(t_idx.at[pl.ds(base, PER_W)], tix, tsem0)
    ih.start(); ir.start(); it.start()
    ih.wait(); ir.wait(); it.wait()

    iota = lax.iota(jnp.int32, LANES)
    perms = {s: iota ^ s for s in (8, 4, 2, 1)}

    def copies(c, b):
        hs, rs, ts = sems[b]
        sl = pl.ds(c * CHUNK, CHUNK)
        return (pltpu.make_async_copy(ent_hbm.at[hix.at[sl]], hbuf.at[b], hs),
                pltpu.make_async_copy(rel_hbm.at[rix.at[sl]], rbuf.at[b], rs),
                pltpu.make_async_copy(ent_hbm.at[tix.at[sl]], tbuf.at[b], ts))

    def start(c, b):
        for cp in copies(c, b):
            cp.start()

    def wait(c, b):
        for cp in copies(c, b):
            cp.wait()

    def combine(a, bb, s):
        keep = (iota & s) == 0
        return jnp.where(keep, a + _shuffle(a, perms[s]),
                         bb + _shuffle(bb, perms[s]))

    def pair(c, b, i):
        g = lax.shift_right_logical(i, 3)
        ii = jnp.bitwise_and(i, 7)
        j0 = jnp.bitwise_or(
            jnp.bitwise_or(lax.shift_left(jnp.bitwise_and(ii, 1), 2),
                           jnp.bitwise_and(ii, 2)),
            jnp.bitwise_and(lax.shift_right_logical(ii, 2), 1))
        qbase = g * LANES + j0
        accs = []
        for m_off in (0, 8):
            row = qbase + m_off
            acc = jnp.zeros((LANES,), jnp.float32)
            for k in range(DIM // LANES):
                sl_r = pl.ds(k * LANES, LANES)
                sl_i = pl.ds(DIM + k * LANES, LANES)
                hr = hbuf[b, row, sl_r]; hi = hbuf[b, row, sl_i]
                tr = tbuf[b, row, sl_r]; ti = tbuf[b, row, sl_i]
                p = hr * tr + hi * ti
                q = hr * ti - hi * tr
                rr = rbuf[b, row, sl_r]; ri = rbuf[b, row, sl_i]
                acc = acc + (rr * p + ri * q)
            accs.append(acc)
        qbuf[i, :] = combine(accs[0], accs[1], 8)

    start(0, 0)

    def chunk_pair(cc, carry):
        for b in (0, 1):
            c = 2 * cc + b
            if b == 0:
                start(c + 1, 1)
            else:
                @pl.when(cc < NCHUNKS // 2 - 1)
                def _():
                    start(c + 1, 0)
            wait(c, b)

            def qstep(i, inner):
                pair(c, b, i)
                return inner
            lax.fori_loop(0, CHUNK // 2, qstep, jnp.int32(0))

            def gstep(g, inner):
                l2 = [combine(qbuf[8 * g + 2 * i, :],
                              qbuf[8 * g + 2 * i + 1, :], 4)
                      for i in range(4)]
                vec = combine(combine(l2[0], l2[1], 2),
                              combine(l2[2], l2[3], 2), 1)
                outv[pl.ds(c * CHUNK + g * LANES, LANES)] = vec
                return inner
            lax.fori_loop(0, CHUNK // LANES, gstep, jnp.int32(0))
        return carry

    lax.fori_loop(0, NCHUNKS // 2, chunk_pair, jnp.int32(0))

    pltpu.sync_copy(outv, out_hbm.at[pl.ds(base, PER_W)])


def kernel(ent, rel, h, r, t):
    mesh = plsc.VectorSubcoreMesh(core_axis_name="c", subcore_axis_name="s")
    run = functools.partial(
        pl.kernel,
        mesh=mesh,
        out_type=jax.ShapeDtypeStruct((BATCH,), jnp.float32),
        scratch_types=[
            pltpu.VMEM((PER_W,), jnp.int32),
            pltpu.VMEM((PER_W,), jnp.int32),
            pltpu.VMEM((PER_W,), jnp.int32),
            pltpu.VMEM((2, CHUNK, 2 * DIM), jnp.float32),
            pltpu.VMEM((2, CHUNK, 2 * DIM), jnp.float32),
            pltpu.VMEM((2, CHUNK, 2 * DIM), jnp.float32),
            pltpu.VMEM((CHUNK // 2, LANES), jnp.float32),
            pltpu.VMEM((PER_W,), jnp.float32),
            pltpu.SemaphoreType.DMA,
            pltpu.SemaphoreType.DMA,
            pltpu.SemaphoreType.DMA,
            pltpu.SemaphoreType.DMA,
            pltpu.SemaphoreType.DMA,
            pltpu.SemaphoreType.DMA,
        ],
    )(_score_body)
    return run(ent, rel, h, r, t)

# --- scband reference (transcript-rebuilt; emitter-appended) ---
"""Pipeline reference for scband-compl-ex-80917183857178 (READ-ONLY COPY).

The authoritative reference and input builder live on the scoring server;
editing this copy changes nothing except your own understanding.
"""

import jax, jax.numpy as jnp
import numpy as np

NUM_ENTITIES = 100000
NUM_RELATIONS = 1000
DIM = 128
BATCH = 16384


def setup_inputs(seed: int = 0) -> dict:
    key = jax.random.key(seed)
    k1, k2, k3, k4, k5 = jax.random.split(key, 5)
    # xavier_uniform for [num, 2*dim]: bound = sqrt(6/(fan_in+fan_out))
    bound_e = float(np.sqrt(6.0 / (NUM_ENTITIES + 2 * DIM)))
    bound_r = float(np.sqrt(6.0 / (NUM_RELATIONS + 2 * DIM)))
    ent = jax.random.uniform(k1, (NUM_ENTITIES, 2 * DIM), dtype=jnp.float32, minval=-bound_e, maxval=bound_e)
    rel = jax.random.uniform(k2, (NUM_RELATIONS, 2 * DIM), dtype=jnp.float32, minval=-bound_r, maxval=bound_r)
    h = jax.random.randint(k3, (BATCH,), 0, NUM_ENTITIES, dtype=jnp.int64 if jax.config.jax_enable_x64 else jnp.int32)
    r = jax.random.randint(k4, (BATCH,), 0, NUM_RELATIONS, dtype=jnp.int64 if jax.config.jax_enable_x64 else jnp.int32)
    t = jax.random.randint(k5, (BATCH,), 0, NUM_ENTITIES, dtype=jnp.int64 if jax.config.jax_enable_x64 else jnp.int32)
    return {"ent": ent, "rel": rel, "h": h, "r": r, "t": t}


def reference(ent, rel, h, r, t):
    he = jnp.take(ent, h, axis=0)
    re = jnp.take(rel, r, axis=0)
    te = jnp.take(ent, t, axis=0)
    hr, hi = jnp.split(he, 2, axis=-1)
    rr, ri = jnp.split(re, 2, axis=-1)
    tr, ti = jnp.split(te, 2, axis=-1)
    score = (hr * rr * tr + hr * ri * ti + hi * rr * ti - hi * ri * tr).sum(-1)
    return score

if __name__ == "__main__":
    import jax
    _d = setup_inputs()
    print(jax.jit(kernel)(*tuple(_d.values())))

</pallas_src>

<mosaic_0001>
#map = affine_map<(d0, d1) -> (0, 0)>
#map1 = affine_map<(d0, d1) -> (0)>
module attributes {stable_mosaic.version = 14 : i64} {
  func.func @_score_body(%arg0: i32, %arg1: i32, %arg2: memref<100000x256xf32, #tpu.memory_space<hbm>>, %arg3: memref<1000x256xf32, #tpu.memory_space<hbm>>, %arg4: memref<16384xi32, #tpu.memory_space<hbm>>, %arg5: memref<16384xi32, #tpu.memory_space<hbm>>, %arg6: memref<16384xi32, #tpu.memory_space<hbm>>, %arg7: memref<16384xf32, #tpu.memory_space<hbm>>, %arg8: memref<512xi32, #tpu.memory_space<vmem>>, %arg9: memref<512xi32, #tpu.memory_space<vmem>>, %arg10: memref<512xi32, #tpu.memory_space<vmem>>, %arg11: memref<2x64x256xf32, #tpu.memory_space<vmem>>, %arg12: memref<2x64x256xf32, #tpu.memory_space<vmem>>, %arg13: memref<2x64x256xf32, #tpu.memory_space<vmem>>, %arg14: memref<32x16xf32, #tpu.memory_space<vmem>>, %arg15: memref<512xf32, #tpu.memory_space<vmem>>, %arg16: memref<!tpu.dma_semaphore, #tpu.memory_space<semaphore_mem>>, %arg17: memref<!tpu.dma_semaphore, #tpu.memory_space<semaphore_mem>>, %arg18: memref<!tpu.dma_semaphore, #tpu.memory_space<semaphore_mem>>, %arg19: memref<!tpu.dma_semaphore, #tpu.memory_space<semaphore_mem>>, %arg20: memref<!tpu.dma_semaphore, #tpu.memory_space<semaphore_mem>>, %arg21: memref<!tpu.dma_semaphore, #tpu.memory_space<semaphore_mem>>) attributes {dimension_semantics = [#tpu.dimension_semantics<core_parallel>, #tpu.dimension_semantics<subcore_parallel>], iteration_bounds = array<i64: 2, 16>, scalar_prefetch = 0 : i64, scratch_operands = 14 : i64, tpu.core_type = #tpu.core_type<sc_vector_subcore>, window_params = [{transform_indices = #map}, {transform_indices = #map}, {transform_indices = #map1}, {transform_indices = #map1}, {transform_indices = #map1}, {transform_indices = #map1}]} {
    %mul3A = arith.constant 2 : i32
    %mul3A_0 = arith.muli %arg1, %mul3A : i32
    %add3A = arith.addi %mul3A_0, %arg0 : i32
    %mul3A_1 = arith.constant 512 : i32
    %mul3A_2 = arith.muli %add3A, %mul3A_1 : i32
    %dma_start3A = tpu.memref_slice %arg4[%mul3A_2] : memref<16384xi32, #tpu.memory_space<hbm>> -> memref<512xi32, #tpu.memory_space<hbm>>
    %dma_start3A_3 = tpu.memref_slice %arg4[%mul3A_2] : memref<16384xi32, #tpu.memory_space<hbm>> -> memref<512xi32, #tpu.memory_space<hbm>>
    tpu.enqueue_dma source(%dma_start3A_3 : memref<512xi32, #tpu.memory_space<hbm>>) target(%arg8 : memref<512xi32, #tpu.memory_space<vmem>>) target_semaphore(%arg16 : memref<!tpu.dma_semaphore, #tpu.memory_space<semaphore_mem>>)
    %dma_start3A_4 = tpu.memref_slice %arg5[%mul3A_2] : memref<16384xi32, #tpu.memory_space<hbm>> -> memref<512xi32, #tpu.memory_space<hbm>>
    %dma_start3A_5 = tpu.memref_slice %arg5[%mul3A_2] : memref<16384xi32, #tpu.memory_space<hbm>> -> memref<512xi32, #tpu.memory_space<hbm>>
    tpu.enqueue_dma source(%dma_start3A_5 : memref<512xi32, #tpu.memory_space<hbm>>) target(%arg9 : memref<512xi32, #tpu.memory_space<vmem>>) target_semaphore(%arg17 : memref<!tpu.dma_semaphore, #tpu.memory_space<semaphore_mem>>)
    %dma_start3A_6 = tpu.memref_slice %arg6[%mul3A_2] : memref<16384xi32, #tpu.memory_space<hbm>> -> memref<512xi32, #tpu.memory_space<hbm>>
    %dma_start3A_7 = tpu.memref_slice %arg6[%mul3A_2] : memref<16384xi32, #tpu.memory_space<hbm>> -> memref<512xi32, #tpu.memory_space<hbm>>
    tpu.enqueue_dma source(%dma_start3A_7 : memref<512xi32, #tpu.memory_space<hbm>>) target(%arg10 : memref<512xi32, #tpu.memory_space<vmem>>) target_semaphore(%arg18 : memref<!tpu.dma_semaphore, #tpu.memory_space<semaphore_mem>>)
    %dma_wait3A = tpu.memref_slice %arg4[%mul3A_2] : memref<16384xi32, #tpu.memory_space<hbm>> -> memref<512xi32, #tpu.memory_space<hbm>>
    %dma_wait3A_8 = tpu.memref_slice %arg4[%mul3A_2] : memref<16384xi32, #tpu.memory_space<hbm>> -> memref<512xi32, #tpu.memory_space<hbm>>
    tpu.wait_dma2 semaphore(%arg16 : memref<!tpu.dma_semaphore, #tpu.memory_space<semaphore_mem>>) src(%dma_wait3A_8 : memref<512xi32, #tpu.memory_space<hbm>>) dst(%arg8 : memref<512xi32, #tpu.memory_space<vmem>>)
    %dma_wait3A_9 = tpu.memref_slice %arg5[%mul3A_2] : memref<16384xi32, #tpu.memory_space<hbm>> -> memref<512xi32, #tpu.memory_space<hbm>>
    %dma_wait3A_10 = tpu.memref_slice %arg5[%mul3A_2] : memref<16384xi32, #tpu.memory_space<hbm>> -> memref<512xi32, #tpu.memory_space<hbm>>
    tpu.wait_dma2 semaphore(%arg17 : memref<!tpu.dma_semaphore, #tpu.memory_space<semaphore_mem>>) src(%dma_wait3A_10 : memref<512xi32, #tpu.memory_space<hbm>>) dst(%arg9 : memref<512xi32, #tpu.memory_space<vmem>>)
    %dma_wait3A_11 = tpu.memref_slice %arg6[%mul3A_2] : memref<16384xi32, #tpu.memory_space<hbm>> -> memref<512xi32, #tpu.memory_space<hbm>>
    %dma_wait3A_12 = tpu.memref_slice %arg6[%mul3A_2] : memref<16384xi32, #tpu.memory_space<hbm>> -> memref<512xi32, #tpu.memory_space<hbm>>
    tpu.wait_dma2 semaphore(%arg18 : memref<!tpu.dma_semaphore, #tpu.memory_space<semaphore_mem>>) src(%dma_wait3A_12 : memref<512xi32, #tpu.memory_space<hbm>>) dst(%arg10 : memref<512xi32, #tpu.memory_space<vmem>>)
    %iota3A = tpu.iota {dimensions = array<i32: 0>} : vector<16xi32>
    %xor3A = arith.constant 8 : i32
    %xor3A_13 = vector.broadcast %xor3A : i32 to vector<16xi32>
    %xor3A_14 = arith.xori %iota3A, %xor3A_13 : vector<16xi32>
    %xor3A_15 = arith.constant 4 : i32
    %xor3A_16 = vector.broadcast %xor3A_15 : i32 to vector<16xi32>
    %xor3A_17 = arith.xori %iota3A, %xor3A_16 : vector<16xi32>
    %xor3A_18 = arith.constant 2 : i32
    %xor3A_19 = vector.broadcast %xor3A_18 : i32 to vector<16xi32>
    %xor3A_20 = arith.xori %iota3A, %xor3A_19 : vector<16xi32>
    %xor3A_21 = arith.constant 1 : i32
    %xor3A_22 = vector.broadcast %xor3A_21 : i32 to vector<16xi32>
    %xor3A_23 = arith.xori %iota3A, %xor3A_22 : vector<16xi32>
    %dma_start3A_24 = arith.constant 0 : i32
    %dma_start3A_25 = arith.constant 0 : i32
    %dma_start3A_26 = arith.constant 0 : i32
    %dma_start3A_27 = tpu.memref_slice %arg11[%dma_start3A_24, %dma_start3A_25, %dma_start3A_26] : memref<2x64x256xf32, #tpu.memory_space<vmem>> -> memref<1x64x256xf32, #tpu.memory_space<vmem>>
    %dma_start3A_28 = tpu.memref_squeeze %dma_start3A_27 : memref<1x64x256xf32, #tpu.memory_space<vmem>> -> memref<64x256xf32, #tpu.memory_space<vmem>>
    %dma_start3A_29 = arith.constant 0 : i32
    %dma_start3A_30 = tpu.memref_slice %arg8[%dma_start3A_29] : memref<512xi32, #tpu.memory_space<vmem>> -> memref<64xi32, #tpu.memory_space<vmem>>
    %dma_start3A_31 = arith.constant 0 : i32
    %dma_start3A_32 = arith.constant 0 : i32
    %dma_start3A_33 = tpu.memref_slice %arg2[%dma_start3A_31, %dma_start3A_32] : memref<100000x256xf32, #tpu.memory_space<hbm>> -> memref<100000x256xf32, #tpu.memory_space<hbm>>
    tpu.enqueue_indirect_dma source(%dma_start3A_33 : memref<100000x256xf32, #tpu.memory_space<hbm>>) target(%dma_start3A_28 : memref<64x256xf32, #tpu.memory_space<vmem>>) offsets(%dma_start3A_30 : memref<64xi32, #tpu.memory_space<vmem>>) semaphore(%arg16 : memref<!tpu.dma_semaphore, #tpu.memory_space<semaphore_mem>>)
    %dma_start3A_34 = arith.constant 0 : i32
    %dma_start3A_35 = arith.constant 0 : i32
    %dma_start3A_36 = arith.constant 0 : i32
    %dma_start3A_37 = tpu.memref_slice %arg12[%dma_start3A_34, %dma_start3A_35, %dma_start3A_36] : memref<2x64x256xf32, #tpu.memory_space<vmem>> -> memref<1x64x256xf32, #tpu.memory_space<vmem>>
    %dma_start3A_38 = tpu.memref_squeeze %dma_start3A_37 : memref<1x64x256xf32, #tpu.memory_space<vmem>> -> memref<64x256xf32, #tpu.memory_space<vmem>>
    %dma_start3A_39 = arith.constant 0 : i32
    %dma_start3A_40 = tpu.memref_slice %arg9[%dma_start3A_39] : memref<512xi32, #tpu.memory_space<vmem>> -> memref<64xi32, #tpu.memory_space<vmem>>
    %dma_start3A_41 = arith.constant 0 : i32
    %dma_start3A_42 = arith.constant 0 : i32
    %dma_start3A_43 = tpu.memref_slice %arg3[%dma_start3A_41, %dma_start3A_42] : memref<1000x256xf32, #tpu.memory_space<hbm>> -> memref<1000x256xf32, #tpu.memory_space<hbm>>
    tpu.enqueue_indirect_dma source(%dma_start3A_43 : memref<1000x256xf32, #tpu.memory_space<hbm>>) target(%dma_start3A_38 : memref<64x256xf32, #tpu.memory_space<vmem>>) offsets(%dma_start3A_40 : memref<64xi32, #tpu.memory_space<vmem>>) semaphore(%arg17 : memref<!tpu.dma_semaphore, #tpu.memory_space<semaphore_mem>>)
    %dma_start3A_44 = arith.constant 0 : i32
    %dma_start3A_45 = arith.constant 0 : i32
    %dma_start3A_46 = arith.constant 0 : i32
    %dma_start3A_47 = tpu.memref_slice %arg13[%dma_start3A_44, %dma_start3A_45, %dma_start3A_46] : memref<2x64x256xf32, #tpu.memory_space<vmem>> -> memref<1x64x256xf32, #tpu.memory_space<vmem>>
    %dma_start3A_48 = tpu.memref_squeeze %dma_start3A_47 : memref<1x64x256xf32, #tpu.memory_space<vmem>> -> memref<64x256xf32, #tpu.memory_space<vmem>>
    %dma_start3A_49 = arith.constant 0 : i32
    %dma_start3A_50 = tpu.memref_slice %arg10[%dma_start3A_49] : memref<512xi32, #tpu.memory_space<vmem>> -> memref<64xi32, #tpu.memory_space<vmem>>
    %dma_start3A_51 = arith.constant 0 : i32
    %dma_start3A_52 = arith.constant 0 : i32
    %dma_start3A_53 = tpu.memref_slice %arg2[%dma_start3A_51, %dma_start3A_52] : memref<100000x256xf32, #tpu.memory_space<hbm>> -> memref<100000x256xf32, #tpu.memory_space<hbm>>
    tpu.enqueue_indirect_dma source(%dma_start3A_53 : memref<100000x256xf32, #tpu.memory_space<hbm>>) target(%dma_start3A_48 : memref<64x256xf32, #tpu.memory_space<vmem>>) offsets(%dma_start3A_50 : memref<64xi32, #tpu.memory_space<vmem>>) semaphore(%arg18 : memref<!tpu.dma_semaphore, #tpu.memory_space<semaphore_mem>>)
    %scan3A = arith.constant 0 : i32
    %scan3A_54 = arith.constant 0 : i32
    %scan3A_55 = arith.constant 4 : i32
    %scan3A_56 = arith.addi %scan3A_54, %scan3A_55 : i32
    %scan3A_57 = arith.constant 1 : i32
    scf.for %scan3A_59 = %scan3A_54 to %scan3A_56 step %scan3A_57  : i32 {
      %mul3A_60 = arith.constant 2 : i32
      %mul3A_61 = arith.muli %mul3A_60, %scan3A_59 : i32
      %add3A_62 = arith.constant 0 : i32
      %add3A_63 = arith.addi %mul3A_61, %add3A_62 : i32
      %add3A_64 = arith.constant 1 : i32
      %add3A_65 = arith.addi %add3A_63, %add3A_64 : i32
      %mul3A_66 = arith.constant 64 : i32
      %mul3A_67 = arith.muli %add3A_65, %mul3A_66 : i32
      %dma_start3A_68 = arith.constant 1 : i32
      %dma_start3A_69 = arith.constant 0 : i32
      %dma_start3A_70 = arith.constant 0 : i32
      %dma_start3A_71 = tpu.memref_slice %arg11[%dma_start3A_68, %dma_start3A_69, %dma_start3A_70] : memref<2x64x256xf32, #tpu.memory_space<vmem>> -> memref<1x64x256xf32, #tpu.memory_space<vmem>>
      %dma_start3A_72 = tpu.memref_squeeze %dma_start3A_71 : memref<1x64x256xf32, #tpu.memory_space<vmem>> -> memref<64x256xf32, #tpu.memory_space<vmem>>
      %dma_start3A_73 = tpu.memref_slice %arg8[%mul3A_67] : memref<512xi32, #tpu.memory_space<vmem>> -> memref<64xi32, #tpu.memory_space<vmem>>
      %dma_start3A_74 = arith.constant 0 : i32
      %dma_start3A_75 = arith.constant 0 : i32
      %dma_start3A_76 = tpu.memref_slice %arg2[%dma_start3A_74, %dma_start3A_75] : memref<100000x256xf32, #tpu.memory_space<hbm>> -> memref<100000x256xf32, #tpu.memory_space<hbm>>
      tpu.enqueue_indirect_dma source(%dma_start3A_76 : memref<100000x256xf32, #tpu.memory_space<hbm>>) target(%dma_start3A_72 : memref<64x256xf32, #tpu.memory_space<vmem>>) offsets(%dma_start3A_73 : memref<64xi32, #tpu.memory_space<vmem>>) semaphore(%arg19 : memref<!tpu.dma_semaphore, #tpu.memory_space<semaphore_mem>>)
      %dma_start3A_77 = arith.constant 1 : i32
      %dma_start3A_78 = arith.constant 0 : i32
      %dma_start3A_79 = arith.constant 0 : i32
      %dma_start3A_80 = tpu.memref_slice %arg12[%dma_start3A_77, %dma_start3A_78, %dma_start3A_79] : memref<2x64x256xf32, #tpu.memory_space<vmem>> -> memref<1x64x256xf32, #tpu.memory_space<vmem>>
      %dma_start3A_81 = tpu.memref_squeeze %dma_start3A_80 : memref<1x64x256xf32, #tpu.memory_space<vmem>> -> memref<64x256xf32, #tpu.memory_space<vmem>>
      %dma_start3A_82 = tpu.memref_slice %arg9[%mul3A_67] : memref<512xi32, #tpu.memory_space<vmem>> -> memref<64xi32, #tpu.memory_space<vmem>>
      %dma_start3A_83 = arith.constant 0 : i32
      %dma_start3A_84 = arith.constant 0 : i32
      %dma_start3A_85 = tpu.memref_slice %arg3[%dma_start3A_83, %dma_start3A_84] : memref<1000x256xf32, #tpu.memory_space<hbm>> -> memref<1000x256xf32, #tpu.memory_space<hbm>>
      tpu.enqueue_indirect_dma source(%dma_start3A_85 : memref<1000x256xf32, #tpu.memory_space<hbm>>) target(%dma_start3A_81 : memref<64x256xf32, #tpu.memory_space<vmem>>) offsets(%dma_start3A_82 : memref<64xi32, #tpu.memory_space<vmem>>) semaphore(%arg20 : memref<!tpu.dma_semaphore, #tpu.memory_space<semaphore_mem>>)
      %dma_start3A_86 = arith.constant 1 : i32
      %dma_start3A_87 = arith.constant 0 : i32
      %dma_start3A_88 = arith.constant 0 : i32
      %dma_start3A_89 = tpu.memref_slice %arg13[%dma_start3A_86, %dma_start3A_87, %dma_start3A_88] : memref<2x64x256xf32, #tpu.memory_space<vmem>> -> memref<1x64x256xf32, #tpu.memory_space<vmem>>
      %dma_start3A_90 = tpu.memref_squeeze %dma_start3A_89 : memref<1x64x256xf32, #tpu.memory_space<vmem>> -> memref<64x256xf32, #tpu.memory_space<vmem>>
      %dma_start3A_91 = tpu.memref_slice %arg10[%mul3A_67] : memref<512xi32, #tpu.memory_space<vmem>> -> memref<64xi32, #tpu.memory_space<vmem>>
      %dma_start3A_92 = arith.constant 0 : i32
      %dma_start3A_93 = arith.constant 0 : i32
      %dma_start3A_94 = tpu.memref_slice %arg2[%dma_start3A_92, %dma_start3A_93] : memref<100000x256xf32, #tpu.memory_space<hbm>> -> memref<100000x256xf32, #tpu.memory_space<hbm>>
      tpu.enqueue_indirect_dma source(%dma_start3A_94 : memref<100000x256xf32, #tpu.memory_space<hbm>>) target(%dma_start3A_90 : memref<64x256xf32, #tpu.memory_space<vmem>>) offsets(%dma_start3A_91 : memref<64xi32, #tpu.memory_space<vmem>>) semaphore(%arg21 : memref<!tpu.dma_semaphore, #tpu.memory_space<semaphore_mem>>)
      %mul3A_95 = arith.constant 64 : i32
      %mul3A_96 = arith.muli %add3A_63, %mul3A_95 : i32
      %dma_wait3A_97 = arith.constant 0 : i32
      %dma_wait3A_98 = arith.constant 0 : i32
      %dma_wait3A_99 = arith.constant 0 : i32
      %dma_wait3A_100 = tpu.memref_slice %arg11[%dma_wait3A_97, %dma_wait3A_98, %dma_wait3A_99] : memref<2x64x256xf32, #tpu.memory_space<vmem>> -> memref<1x64x256xf32, #tpu.memory_space<vmem>>
      %dma_wait3A_101 = tpu.memref_squeeze %dma_wait3A_100 : memref<1x64x256xf32, #tpu.memory_space<vmem>> -> memref<64x256xf32, #tpu.memory_space<vmem>>
      %dma_wait3A_102 = tpu.memref_slice %arg8[%mul3A_96] : memref<512xi32, #tpu.memory_space<vmem>> -> memref<64xi32, #tpu.memory_space<vmem>>
      %dma_wait3A_103 = arith.constant 0 : i32
      %dma_wait3A_104 = arith.constant 0 : i32
      %dma_wait3A_105 = tpu.memref_slice %arg2[%dma_wait3A_103, %dma_wait3A_104] : memref<100000x256xf32, #tpu.memory_space<hbm>> -> memref<100000x256xf32, #tpu.memory_space<hbm>>
      tpu.wait_indirect_dma semaphore(%arg16 : memref<!tpu.dma_semaphore, #tpu.memory_space<semaphore_mem>>) src(%dma_wait3A_105 : memref<100000x256xf32, #tpu.memory_space<hbm>>) dst(%dma_wait3A_101 : memref<64x256xf32, #tpu.memory_space<vmem>>)
      %dma_wait3A_106 = arith.constant 0 : i32
      %dma_wait3A_107 = arith.constant 0 : i32
      %dma_wait3A_108 = arith.constant 0 : i32
      %dma_wait3A_109 = tpu.memref_slice %arg12[%dma_wait3A_106, %dma_wait3A_107, %dma_wait3A_108] : memref<2x64x256xf32, #tpu.memory_space<vmem>> -> memref<1x64x256xf32, #tpu.memory_space<vmem>>
      %dma_wait3A_110 = tpu.memref_squeeze %dma_wait3A_109 : memref<1x64x256xf32, #tpu.memory_space<vmem>> -> memref<64x256xf32, #tpu.memory_space<vmem>>
      %dma_wait3A_111 = tpu.memref_slice %arg9[%mul3A_96] : memref<512xi32, #tpu.memory_space<vmem>> -> memref<64xi32, #tpu.memory_space<vmem>>
      %dma_wait3A_112 = arith.constant 0 : i32
      %dma_wait3A_113 = arith.constant 0 : i32
      %dma_wait3A_114 = tpu.memref_slice %arg3[%dma_wait3A_112, %dma_wait3A_113] : memref<1000x256xf32, #tpu.memory_space<hbm>> -> memref<1000x256xf32, #tpu.memory_space<hbm>>
      tpu.wait_indirect_dma semaphore(%arg17 : memref<!tpu.dma_semaphore, #tpu.memory_space<semaphore_mem>>) src(%dma_wait3A_114 : memref<1000x256xf32, #tpu.memory_space<hbm>>) dst(%dma_wait3A_110 : memref<64x256xf32, #tpu.memory_space<vmem>>)
      %dma_wait3A_115 = arith.constant 0 : i32
      %dma_wait3A_116 = arith.constant 0 : i32
      %dma_wait3A_117 = arith.constant 0 : i32
      %dma_wait3A_118 = tpu.memref_slice %arg13[%dma_wait3A_115, %dma_wait3A_116, %dma_wait3A_117] : memref<2x64x256xf32, #tpu.memory_space<vmem>> -> memref<1x64x256xf32, #tpu.memory_space<vmem>>
      %dma_wait3A_119 = tpu.memref_squeeze %dma_wait3A_118 : memref<1x64x256xf32, #tpu.memory_space<vmem>> -> memref<64x256xf32, #tpu.memory_space<vmem>>
      %dma_wait3A_120 = tpu.memref_slice %arg10[%mul3A_96] : memref<512xi32, #tpu.memory_space<vmem>> -> memref<64xi32, #tpu.memory_space<vmem>>
      %dma_wait3A_121 = arith.constant 0 : i32
      %dma_wait3A_122 = arith.constant 0 : i32
      %dma_wait3A_123 = tpu.memref_slice %arg2[%dma_wait3A_121, %dma_wait3A_122] : memref<100000x256xf32, #tpu.memory_space<hbm>> -> memref<100000x256xf32, #tpu.memory_space<hbm>>
      tpu.wait_indirect_dma semaphore(%arg18 : memref<!tpu.dma_semaphore, #tpu.memory_space<semaphore_mem>>) src(%dma_wait3A_123 : memref<100000x256xf32, #tpu.memory_space<hbm>>) dst(%dma_wait3A_119 : memref<64x256xf32, #tpu.memory_space<vmem>>)
      %scan3A_124 = arith.constant 0 : i32
      %scan3A_125 = arith.constant 0 : i32
      %scan3A_126 = arith.constant 32 : i32
      %scan3A_127 = arith.addi %scan3A_125, %scan3A_126 : i32
      %scan3A_128 = arith.constant 1 : i32
      scf.for %scan3A_183 = %scan3A_125 to %scan3A_127 step %scan3A_128  : i32 {
        %shift_right_logical3A = arith.constant 3 : i32
        %shift_right_logical3A_184 = arith.shrui %scan3A_183, %shift_right_logical3A : i32
        %and3A = arith.constant 7 : i32
        %and3A_185 = arith.andi %scan3A_183, %and3A : i32
        %and3A_186 = arith.constant 1 : i32
        %and3A_187 = arith.andi %and3A_185, %and3A_186 : i32
        %shift_left3A = arith.constant 2 : i32
        %shift_left3A_188 = arith.shli %and3A_187, %shift_left3A : i32
        %and3A_189 = arith.constant 2 : i32
        %and3A_190 = arith.andi %and3A_185, %and3A_189 : i32
        %or3A = arith.ori %shift_left3A_188, %and3A_190 : i32
        %shift_right_logical3A_191 = arith.constant 2 : i32
        %shift_right_logical3A_192 = arith.shrui %and3A_185, %shift_right_logical3A_191 : i32
        %and3A_193 = arith.constant 1 : i32
        %and3A_194 = arith.andi %shift_right_logical3A_192, %and3A_193 : i32
        %or3A_195 = arith.ori %or3A, %and3A_194 : i32
        %mul3A_196 = arith.constant 16 : i32
        %mul3A_197 = arith.muli %shift_right_logical3A_184, %mul3A_196 : i32
        %add3A_198 = arith.addi %mul3A_197, %or3A_195 : i32
        %add3A_199 = arith.constant 0 : i32
        %add3A_200 = arith.addi %add3A_198, %add3A_199 : i32
        %broadcast_in_dim3A = arith.constant 0.000000e+00 : f32
        %broadcast_in_dim3A_201 = vector.broadcast %broadcast_in_dim3A : f32 to vector<16xf32>
        %get3A = arith.constant 0 : i32
        %get3A_202 = arith.index_cast %get3A : i32 to index
        %get3A_203 = arith.index_cast %add3A_200 : i32 to index
        %get3A_204 = arith.constant 0 : index
        %get3A_205 = tpu.vector_load %arg11[%get3A_202, %get3A_203, %get3A_204] {strides = array<i32>} : memref<2x64x256xf32, #tpu.memory_space<vmem>>, vector<1x1x16xf32>,
        %get3A_206 = vector.shape_cast %get3A_205 : vector<1x1x16xf32> to vector<16xf32>
        %get3A_207 = arith.constant 0 : i32
        %get3A_208 = arith.index_cast %get3A_207 : i32 to index
        %get3A_209 = arith.index_cast %add3A_200 : i32 to index
        %get3A_210 = arith.constant 128 : index
        %get3A_211 = tpu.vector_load %arg11[%get3A_208, %get3A_209, %get3A_210] {strides = array<i32>} : memref<2x64x256xf32, #tpu.memory_space<vmem>>, vector<1x1x16xf32>,
        %get3A_212 = vector.shape_cast %get3A_211 : vector<1x1x16xf32> to vector<16xf32>
        %get3A_213 = arith.constant 0 : i32
        %get3A_214 = arith.index_cast %get3A_213 : i32 to index
        %get3A_215 = arith.index_cast %add3A_200 : i32 to index
        %get3A_216 = arith.constant 0 : index
        %get3A_217 = tpu.vector_load %arg13[%get3A_214, %get3A_215, %get3A_216] {strides = array<i32>} : memref<2x64x256xf32, #tpu.memory_space<vmem>>, vector<1x1x16xf32>,
        %get3A_218 = vector.shape_cast %get3A_217 : vector<1x1x16xf32> to vector<16xf32>
        %get3A_219 = arith.constant 0 : i32
        %get3A_220 = arith.index_cast %get3A_219 : i32 to index
        %get3A_221 = arith.index_cast %add3A_200 : i32 to index
        %get3A_222 = arith.constant 128 : index
        %get3A_223 = tpu.vector_load %arg13[%get3A_220, %get3A_221, %get3A_222] {strides = array<i32>} : memref<2x64x256xf32, #tpu.memory_space<vmem>>, vector<1x1x16xf32>,
        %get3A_224 = vector.shape_cast %get3A_223 : vector<1x1x16xf32> to vector<16xf32>
        %mul3A_225 = arith.mulf %get3A_206, %get3A_218 : vector<16xf32>
        %mul3A_226 = arith.mulf %get3A_212, %get3A_224 : vector<16xf32>
        %add3A_227 = arith.addf %mul3A_225, %mul3A_226 : vector<16xf32>
        %mul3A_228 = arith.mulf %get3A_206, %get3A_224 : vector<16xf32>
        %mul3A_229 = arith.mulf %get3A_212, %get3A_218 : vector<16xf32>
        %sub3A = arith.subf %mul3A_228, %mul3A_229 : vector<16xf32>
        %get3A_230 = arith.constant 0 : i32
        %get3A_231 = arith.index_cast %get3A_230 : i32 to index
        %get3A_232 = arith.index_cast %add3A_200 : i32 to index
        %get3A_233 = arith.constant 0 : index
        %get3A_234 = tpu.vector_load %arg12[%get3A_231, %get3A_232, %get3A_233] {strides = array<i32>} : memref<2x64x256xf32, #tpu.memory_space<vmem>>, vector<1x1x16xf32>,
        %get3A_235 = vector.shape_cast %get3A_234 : vector<1x1x16xf32> to vector<16xf32>
        %get3A_236 = arith.constant 0 : i32
        %get3A_237 = arith.index_cast %get3A_236 : i32 to index
        %get3A_238 = arith.index_cast %add3A_200 : i32 to index
        %get3A_239 = arith.constant 128 : index
        %get3A_240 = tpu.vector_load %arg12[%get3A_237, %get3A_238, %get3A_239] {strides = array<i32>} : memref<2x64x256xf32, #tpu.memory_space<vmem>>, vector<1x1x16xf32>,
        %get3A_241 = vector.shape_cast %get3A_240 : vector<1x1x16xf32> to vector<16xf32>
        %mul3A_242 = arith.mulf %get3A_235, %add3A_227 : vector<16xf32>
        %mul3A_243 = arith.mulf %get3A_241, %sub3A : vector<16xf32>
        %add3A_244 = arith.addf %mul3A_242, %mul3A_243 : vector<16xf32>
        %add3A_245 = arith.addf %broadcast_in_dim3A_201, %add3A_244 : vector<16xf32>
        %get3A_246 = arith.constant 0 : i32
        %get3A_247 = arith.index_cast %get3A_246 : i32 to index
        %get3A_248 = arith.index_cast %add3A_200 : i32 to index
        %get3A_249 = arith.constant 16 : index
        %get3A_250 = tpu.vector_load %arg11[%get3A_247, %get3A_248, %get3A_249] {strides = array<i32>} : memref<2x64x256xf32, #tpu.memory_space<vmem>>, vector<1x1x16xf32>,
        %get3A_251 = vector.shape_cast %get3A_250 : vector<1x1x16xf32> to vector<16xf32>
        %get3A_252 = arith.constant 0 : i32
        %get3A_253 = arith.index_cast %get3A_252 : i32 to index
        %get3A_254 = arith.index_cast %add3A_200 : i32 to index
        %get3A_255 = arith.constant 144 : index
        %get3A_256 = tpu.vector_load %arg11[%get3A_253, %get3A_254, %get3A_255] {strides = array<i32>} : memref<2x64x256xf32, #tpu.memory_space<vmem>>, vector<1x1x16xf32>,
        %get3A_257 = vector.shape_cast %get3A_256 : vector<1x1x16xf32> to vector<16xf32>
        %get3A_258 = arith.constant 0 : i32
        %get3A_259 = arith.index_cast %get3A_258 : i32 to index
        %get3A_260 = arith.index_cast %add3A_200 : i32 to index
        %get3A_261 = arith.constant 16 : index
        %get3A_262 = tpu.vector_load %arg13[%get3A_259, %get3A_260, %get3A_261] {strides = array<i32>} : memref<2x64x256xf32, #tpu.memory_space<vmem>>, vector<1x1x16xf32>,
        %get3A_263 = vector.shape_cast %get3A_262 : vector<1x1x16xf32> to vector<16xf32>
        %get3A_264 = arith.constant 0 : i32
        %get3A_265 = arith.index_cast %get3A_264 : i32 to index
        %get3A_266 = arith.index_cast %add3A_200 : i32 to index
        %get3A_267 = arith.constant 144 : index
        %get3A_268 = tpu.vector_load %arg13[%get3A_265, %get3A_266, %get3A_267] {strides = array<i32>} : memref<2x64x256xf32, #tpu.memory_space<vmem>>, vector<1x1x16xf32>,
        %get3A_269 = vector.shape_cast %get3A_268 : vector<1x1x16xf32> to vector<16xf32>
        %mul3A_270 = arith.mulf %get3A_251, %get3A_263 : vector<16xf32>
        %mul3A_271 = arith.mulf %get3A_257, %get3A_269 : vector<16xf32>
        %add3A_272 = arith.addf %mul3A_270, %mul3A_271 : vector<16xf32>
        %mul3A_273 = arith.mulf %get3A_251, %get3A_269 : vector<16xf32>
        %mul3A_274 = arith.mulf %get3A_257, %get3A_263 : vector<16xf32>
        %sub3A_275 = arith.subf %mul3A_273, %mul3A_274 : vector<16xf32>
        %get3A_276 = arith.constant 0 : i32
        %get3A_277 = arith.index_cast %get3A_276 : i32 to index
        %get3A_278 = arith.index_cast %add3A_200 : i32 to index
        %get3A_279 = arith.constant 16 : index
        %get3A_280 = tpu.vector_load %arg12[%get3A_277, %get3A_278, %get3A_279] {strides = array<i32>} : memref<2x64x256xf32, #tpu.memory_space<vmem>>, vector<1x1x16xf32>,
        %get3A_281 = vector.shape_cast %get3A_280 : vector<1x1x16xf32> to vector<16xf32>
        %get3A_282 = arith.constant 0 : i32
        %get3A_283 = arith.index_cast %get3A_282 : i32 to index
        %get3A_284 = arith.index_cast %add3A_200 : i32 to index
        %get3A_285 = arith.constant 144 : index
        %get3A_286 = tpu.vector_load %arg12[%get3A_283, %get3A_284, %get3A_285] {strides = array<i32>} : memref<2x64x256xf32, #tpu.memory_space<vmem>>, vector<1x1x16xf32>,
        %get3A_287 = vector.shape_cast %get3A_286 : vector<1x1x16xf32> to vector<16xf32>
        %mul3A_288 = arith.mulf %get3A_281, %add3A_272 : vector<16xf32>
        %mul3A_289 = arith.mulf %get3A_287, %sub3A_275 : vector<16xf32>
        %add3A_290 = arith.addf %mul3A_288, %mul3A_289 : vector<16xf32>
        %add3A_291 = arith.addf %add3A_245, %add3A_290 : vector<16xf32>
        %get3A_292 = arith.constant 0 : i32
        %get3A_293 = arith.index_cast %get3A_292 : i32 to index
        %get3A_294 = arith.index_cast %add3A_200 : i32 to index
        %get3A_295 = arith.constant 32 : index
        %get3A_296 = tpu.vector_load %arg11[%get3A_293, %get3A_294, %get3A_295] {strides = array<i32>} : memref<2x64x256xf32, #tpu.memory_space<vmem>>, vector<1x1x16xf32>,
        %get3A_297 = vector.shape_cast %get3A_296 : vector<1x1x16xf32> to vector<16xf32>
        %get3A_298 = arith.constant 0 : i32
        %get3A_299 = arith.index_cast %get3A_298 : i32 to index
        %get3A_300 = arith.index_cast %add3A_200 : i32 to index
        %get3A_301 = arith.constant 160 : index
        %get3A_302 = tpu.vector_load %arg11[%get3A_299, %get3A_300, %get3A_301] {strides = array<i32>} : memref<2x64x256xf32, #tpu.memory_space<vmem>>, vector<1x1x16xf32>,
        %get3A_303 = vector.shape_cast %get3A_302 : vector<1x1x16xf32> to vector<16xf32>
        %get3A_304 = arith.constant 0 : i32
        %get3A_305 = arith.index_cast %get3A_304 : i32 to index
        %get3A_306 = arith.index_cast %add3A_200 : i32 to index
        %get3A_307 = arith.constant 32 : index
        %get3A_308 = tpu.vector_load %arg13[%get3A_305, %get3A_306, %get3A_307] {strides = array<i32>} : memref<2x64x256xf32, #tpu.memory_space<vmem>>, vector<1x1x16xf32>,
        %get3A_309 = vector.shape_cast %get3A_308 : vector<1x1x16xf32> to vector<16xf32>
        %get3A_310 = arith.constant 0 : i32
        %get3A_311 = arith.index_cast %get3A_310 : i32 to index
        %get3A_312 = arith.index_cast %add3A_200 : i32 to index
        %get3A_313 = arith.constant 160 : index
        %get3A_314 = tpu.vector_load %arg13[%get3A_311, %get3A_312, %get3A_313] {strides = array<i32>} : memref<2x64x256xf32, #tpu.memory_space<vmem>>, vector<1x1x16xf32>,
        %get3A_315 = vector.shape_cast %get3A_314 : vector<1x1x16xf32> to vector<16xf32>
        %mul3A_316 = arith.mulf %get3A_297, %get3A_309 : vector<16xf32>
        %mul3A_317 = arith.mulf %get3A_303, %get3A_315 : vector<16xf32>
        %add3A_318 = arith.addf %mul3A_316, %mul3A_317 : vector<16xf32>
        %mul3A_319 = arith.mulf %get3A_297, %get3A_315 : vector<16xf32>
        %mul3A_320 = arith.mulf %get3A_303, %get3A_309 : vector<16xf32>
        %sub3A_321 = arith.subf %mul3A_319, %mul3A_320 : vector<16xf32>
        %get3A_322 = arith.constant 0 : i32
        %get3A_323 = arith.index_cast %get3A_322 : i32 to index
        %get3A_324 = arith.index_cast %add3A_200 : i32 to index
        %get3A_325 = arith.constant 32 : index
        %get3A_326 = tpu.vector_load %arg12[%get3A_323, %get3A_324, %get3A_325] {strides = array<i32>} : memref<2x64x256xf32, #tpu.memory_space<vmem>>, vector<1x1x16xf32>,
        %get3A_327 = vector.shape_cast %get3A_326 : vector<1x1x16xf32> to vector<16xf32>
        %get3A_328 = arith.constant 0 : i32
        %get3A_329 = arith.index_cast %get3A_328 : i32 to index
        %get3A_330 = arith.index_cast %add3A_200 : i32 to index
        %get3A_331 = arith.constant 160 : index
        %get3A_332 = tpu.vector_load %arg12[%get3A_329, %get3A_330, %get3A_331] {strides = array<i32>} : memref<2x64x256xf32, #tpu.memory_space<vmem>>, vector<1x1x16xf32>,
        %get3A_333 = vector.shape_cast %get3A_332 : vector<1x1x16xf32> to vector<16xf32>
        %mul3A_334 = arith.mulf %get3A_327, %add3A_318 : vector<16xf32>
        %mul3A_335 = arith.mulf %get3A_333, %sub3A_321 : vector<16xf32>
        %add3A_336 = arith.addf %mul3A_334, %mul3A_335 : vector<16xf32>
        %add3A_337 = arith.addf %add3A_291, %add3A_336 : vector<16xf32>
        %get3A_338 = arith.constant 0 : i32
        %get3A_339 = arith.index_cast %get3A_338 : i32 to index
        %get3A_340 = arith.index_cast %add3A_200 : i32 to index
        %get3A_341 = arith.constant 48 : index
        %get3A_342 = tpu.vector_load %arg11[%get3A_339, %get3A_340, %get3A_341] {strides = array<i32>} : memref<2x64x256xf32, #tpu.memory_space<vmem>>, vector<1x1x16xf32>,
        %get3A_343 = vector.shape_cast %get3A_342 : vector<1x1x16xf32> to vector<16xf32>
        %get3A_344 = arith.constant 0 : i32
        %get3A_345 = arith.index_cast %get3A_344 : i32 to index
        %get3A_346 = arith.index_cast %add3A_200 : i32 to index
        %get3A_347 = arith.constant 176 : index
        %get3A_348 = tpu.vector_load %arg11[%get3A_345, %get3A_346, %get3A_347] {strides = array<i32>} : memref<2x64x256xf32, #tpu.memory_space<vmem>>, vector<1x1x16xf32>,
        %get3A_349 = vector.shape_cast %get3A_348 : vector<1x1x16xf32> to vector<16xf32>
        %get3A_350 = arith.constant 0 : i32
        %get3A_351 = arith.index_cast %get3A_350 : i32 to index
        %get3A_352 = arith.index_cast %add3A_200 : i32 to index
        %get3A_353 = arith.constant 48 : index
        %get3A_354 = tpu.vector_load %arg13[%get3A_351, %get3A_352, %get3A_353] {strides = array<i32>} : memref<2x64x256xf32, #tpu.memory_space<vmem>>, vector<1x1x16xf32>,
        %get3A_355 = vector.shape_cast %get3A_354 : vector<1x1x16xf32> to vector<16xf32>
        %get3A_356 = arith.constant 0 : i32
        %get3A_357 = arith.index_cast %get3A_356 : i32 to index
        %get3A_358 = arith.index_cast %add3A_200 : i32 to index
        %get3A_359 = arith.constant 176 : index
        %get3A_360 = tpu.vector_load %arg13[%get3A_357, %get3A_358, %get3A_359] {strides = array<i32>} : memref<2x64x256xf32, #tpu.memory_space<vmem>>, vector<1x1x16xf32>,
        %get3A_361 = vector.shape_cast %get3A_360 : vector<1x1x16xf32> to vector<16xf32>
        %mul3A_362 = arith.mulf %get3A_343, %get3A_355 : vector<16xf32>
        %mul3A_363 = arith.mulf %get3A_349, %get3A_361 : vector<16xf32>
        %add3A_364 = arith.addf %mul3A_362, %mul3A_363 : vector<16xf32>
        %mul3A_365 = arith.mulf %get3A_343, %get3A_361 : vector<16xf32>
        %mul3A_366 = arith.mulf %get3A_349, %get3A_355 : vector<16xf32>
        %sub3A_367 = arith.subf %mul3A_365, %mul3A_366 : vector<16xf32>
        %get3A_368 = arith.constant 0 : i32
        %get3A_369 = arith.index_cast %get3A_368 : i32 to index
        %get3A_370 = arith.index_cast %add3A_200 : i32 to index
        %get3A_371 = arith.constant 48 : index
        %get3A_372 = tpu.vector_load %arg12[%get3A_369, %get3A_370, %get3A_371] {strides = array<i32>} : memref<2x64x256xf32, #tpu.memory_space<vmem>>, vector<1x1x16xf32>,
        %get3A_373 = vector.shape_cast %get3A_372 : vector<1x1x16xf32> to vector<16xf32>
        %get3A_374 = arith.constant 0 : i32
        %get3A_375 = arith.index_cast %get3A_374 : i32 to index
        %get3A_376 = arith.index_cast %add3A_200 : i32 to index
        %get3A_377 = arith.constant 176 : index
        %get3A_378 = tpu.vector_load %arg12[%get3A_375, %get3A_376, %get3A_377] {strides = array<i32>} : memref<2x64x256xf32, #tpu.memory_space<vmem>>, vector<1x1x16xf32>,
        %get3A_379 = vector.shape_cast %get3A_378 : vector<1x1x16xf32> to vector<16xf32>
        %mul3A_380 = arith.mulf %get3A_373, %add3A_364 : vector<16xf32>
        %mul3A_381 = arith.mulf %get3A_379, %sub3A_367 : vector<16xf32>
        %add3A_382 = arith.addf %mul3A_380, %mul3A_381 : vector<16xf32>
        %add3A_383 = arith.addf %add3A_337, %add3A_382 : vector<16xf32>
        %get3A_384 = arith.constant 0 : i32
        %get3A_385 = arith.index_cast %get3A_384 : i32 to index
        %get3A_386 = arith.index_cast %add3A_200 : i32 to index
        %get3A_387 = arith.constant 64 : index
        %get3A_388 = tpu.vector_load %arg11[%get3A_385, %get3A_386, %get3A_387] {strides = array<i32>} : memref<2x64x256xf32, #tpu.memory_space<vmem>>, vector<1x1x16xf32>,
        %get3A_389 = vector.shape_cast %get3A_388 : vector<1x1x16xf32> to vector<16xf32>
        %get3A_390 = arith.constant 0 : i32
        %get3A_391 = arith.index_cast %get3A_390 : i32 to index
        %get3A_392 = arith.index_cast %add3A_200 : i32 to index
        %get3A_393 = arith.constant 192 : index
        %get3A_394 = tpu.vector_load %arg11[%get3A_391, %get3A_392, %get3A_393] {strides = array<i32>} : memref<2x64x256xf32, #tpu.memory_space<vmem>>, vector<1x1x16xf32>,
        %get3A_395 = vector.shape_cast %get3A_394 : vector<1x1x16xf32> to vector<16xf32>
        %get3A_396 = arith.constant 0 : i32
        %get3A_397 = arith.index_cast %get3A_396 : i32 to index
        %get3A_398 = arith.index_cast %add3A_200 : i32 to index
        %get3A_399 = arith.constant 64 : index
        %get3A_400 = tpu.vector_load %arg13[%get3A_397, %get3A_398, %get3A_399] {strides = array<i32>} : memref<2x64x256xf32, #tpu.memory_space<vmem>>, vector<1x1x16xf32>,
        %get3A_401 = vector.shape_cast %get3A_400 : vector<1x1x16xf32> to vector<16xf32>
        %get3A_402 = arith.constant 0 : i32
        %get3A_403 = arith.index_cast %get3A_402 : i32 to index
        %get3A_404 = arith.index_cast %add3A_200 : i32 to index
        %get3A_405 = arith.constant 192 : index
        %get3A_406 = tpu.vector_load %arg13[%get3A_403, %get3A_404, %get3A_405] {strides = array<i32>} : memref<2x64x256xf32, #tpu.memory_space<vmem>>, vector<1x1x16xf32>,
        %get3A_407 = vector.shape_cast %get3A_406 : vector<1x1x16xf32> to vector<16xf32>
        %mul3A_408 = arith.mulf %get3A_389, %get3A_401 : vector<16xf32>
        %mul3A_409 = arith.mulf %get3A_395, %get3A_407 : vector<16xf32>
        %add3A_410 = arith.addf %mul3A_408, %mul3A_409 : vector<16xf32>
        %mul3A_411 = arith.mulf %get3A_389, %get3A_407 : vector<16xf32>
        %mul3A_412 = arith.mulf %get3A_395, %get3A_401 : vector<16xf32>
        %sub3A_413 = arith.subf %mul3A_411, %mul3A_412 : vector<16xf32>
        %get3A_414 = arith.constant 0 : i32
        %get3A_415 = arith.index_cast %get3A_414 : i32 to index
        %get3A_416 = arith.index_cast %add3A_200 : i32 to index
        %get3A_417 = arith.constant 64 : index
        %get3A_418 = tpu.vector_load %arg12[%get3A_415, %get3A_416, %get3A_417] {strides = array<i32>} : memref<2x64x256xf32, #tpu.memory_space<vmem>>, vector<1x1x16xf32>,
        %get3A_419 = vector.shape_cast %get3A_418 : vector<1x1x16xf32> to vector<16xf32>
        %get3A_420 = arith.constant 0 : i32
        %get3A_421 = arith.index_cast %get3A_420 : i32 to index
        %get3A_422 = arith.index_cast %add3A_200 : i32 to index
        %get3A_423 = arith.constant 192 : index
        %get3A_424 = tpu.vector_load %arg12[%get3A_421, %get3A_422, %get3A_423] {strides = array<i32>} : memref<2x64x256xf32, #tpu.memory_space<vmem>>, vector<1x1x16xf32>,
        %get3A_425 = vector.shape_cast %get3A_424 : vector<1x1x16xf32> to vector<16xf32>
        %mul3A_426 = arith.mulf %get3A_419, %add3A_410 : vector<16xf32>
        %mul3A_427 = arith.mulf %get3A_425, %sub3A_413 : vector<16xf32>
        %add3A_428 = arith.addf %mul3A_426, %mul3A_427 : vector<16xf32>
        %add3A_429 = arith.addf %add3A_383, %add3A_428 : vector<16xf32>
        %get3A_430 = arith.constant 0 : i32
        %get3A_431 = arith.index_cast %get3A_430 : i32 to index
        %get3A_432 = arith.index_cast %add3A_200 : i32 to index
        %get3A_433 = arith.constant 80 : index
        %get3A_434 = tpu.vector_load %arg11[%get3A_431, %get3A_432, %get3A_433] {strides = array<i32>} : memref<2x64x256xf32, #tpu.memory_space<vmem>>, vector<1x1x16xf32>,
        %get3A_435 = vector.shape_cast %get3A_434 : vector<1x1x16xf32> to vector<16xf32>
        %get3A_436 = arith.constant 0 : i32
        %get3A_437 = arith.index_cast %get3A_436 : i32 to index
        %get3A_438 = arith.index_cast %add3A_200 : i32 to index
        %get3A_439 = arith.constant 208 : index
        %get3A_440 = tpu.vector_load %arg11[%get3A_437, %get3A_438, %get3A_439] {strides = array<i32>} : memref<2x64x256xf32, #tpu.memory_space<vmem>>, vector<1x1x16xf32>,
        %get3A_441 = vector.shape_cast %get3A_440 : vector<1x1x16xf32> to vector<16xf32>
        %get3A_442 = arith.constant 0 : i32
        %get3A_443 = arith.index_cast %get3A_442 : i32 to index
        %get3A_444 = arith.index_cast %add3A_200 : i32 to index
        %get3A_445 = arith.constant 80 : index
        %get3A_446 = tpu.vector_load %arg13[%get3A_443, %get3A_444, %get3A_445] {strides = array<i32>} : memref<2x64x256xf32, #tpu.memory_space<vmem>>, vector<1x1x16xf32>,
        %get3A_447 = vector.shape_cast %get3A_446 : vector<1x1x16xf32> to vector<16xf32>
        %get3A_448 = arith.constant 0 : i32
        %get3A_449 = arith.index_cast %get3A_448 : i32 to index
        %get3A_450 = arith.index_cast %add3A_200 : i32 to index
        %get3A_451 = arith.constant 208 : index
        %get3A_452 = tpu.vector_load %arg13[%get3A_449, %get3A_450, %get3A_451] {strides = array<i32>} : memref<2x64x256xf32, #tpu.memory_space<vmem>>, vector<1x1x16xf32>,
        %get3A_453 = vector.shape_cast %get3A_452 : vector<1x1x16xf32> to vector<16xf32>
        %mul3A_454 = arith.mulf %get3A_435, %get3A_447 : vector<16xf32>
        %mul3A_455 = arith.mulf %get3A_441, %get3A_453 : vector<16xf32>
        %add3A_456 = arith.addf %mul3A_454, %mul3A_455 : vector<16xf32>
        %mul3A_457 = arith.mulf %get3A_435, %get3A_453 : vector<16xf32>
        %mul3A_458 = arith.mulf %get3A_441, %get3A_447 : vector<16xf32>
        %sub3A_459 = arith.subf %mul3A_457, %mul3A_458 : vector<16xf32>
        %get3A_460 = arith.constant 0 : i32
        %get3A_461 = arith.index_cast %get3A_460 : i32 to index
        %get3A_462 = arith.index_cast %add3A_200 : i32 to index
        %get3A_463 = arith.constant 80 : index
        %get3A_464 = tpu.vector_load %arg12[%get3A_461, %get3A_462, %get3A_463] {strides = array<i32>} : memref<2x64x256xf32, #tpu.memory_space<vmem>>, vector<1x1x16xf32>,
        %get3A_465 = vector.shape_cast %get3A_464 : vector<1x1x16xf32> to vector<16xf32>
        %get3A_466 = arith.constant 0 : i32
        %get3A_467 = arith.index_cast %get3A_466 : i32 to index
        %get3A_468 = arith.index_cast %add3A_200 : i32 to index
        %get3A_469 = arith.constant 208 : index
        %get3A_470 = tpu.vector_load %arg12[%get3A_467, %get3A_468, %get3A_469] {strides = array<i32>} : memref<2x64x256xf32, #tpu.memory_space<vmem>>, vector<1x1x16xf32>,
        %get3A_471 = vector.shape_cast %get3A_470 : vector<1x1x16xf32> to vector<16xf32>
        %mul3A_472 = arith.mulf %get3A_465, %add3A_456 : vector<16xf32>
        %mul3A_473 = arith.mulf %get3A_471, %sub3A_459 : vector<16xf32>
        %add3A_474 = arith.addf %mul3A_472, %mul3A_473 : vector<16xf32>
        %add3A_475 = arith.addf %add3A_429, %add3A_474 : vector<16xf32>
        %get3A_476 = arith.constant 0 : i32
        %get3A_477 = arith.index_cast %get3A_476 : i32 to index
        %get3A_478 = arith.index_cast %add3A_200 : i32 to index
        %get3A_479 = arith.constant 96 : index
        %get3A_480 = tpu.vector_load %arg11[%get3A_477, %get3A_478, %get3A_479] {strides = array<i32>} : memref<2x64x256xf32, #tpu.memory_space<vmem>>, vector<1x1x16xf32>,
        %get3A_481 = vector.shape_cast %get3A_480 : vector<1x1x16xf32> to vector<16xf32>
        %get3A_482 = arith.constant 0 : i32
        %get3A_483 = arith.index_cast %get3A_482 : i32 to index
        %get3A_484 = arith.index_cast %add3A_200 : i32 to index
        %get3A_485 = arith.constant 224 : index
        %get3A_486 = tpu.vector_load %arg11[%get3A_483, %get3A_484, %get3A_485] {strides = array<i32>} : memref<2x64x256xf32, #tpu.memory_space<vmem>>, vector<1x1x16xf32>,
        %get3A_487 = vector.shape_cast %get3A_486 : vector<1x1x16xf32> to vector<16xf32>
        %get3A_488 = arith.constant 0 : i32
        %get3A_489 = arith.index_cast %get3A_488 : i32 to index
        %get3A_490 = arith.index_cast %add3A_200 : i32 to index
        %get3A_491 = arith.constant 96 : index
        %get3A_492 = tpu.vector_load %arg13[%get3A_489, %get3A_490, %get3A_491] {strides = array<i32>} : memref<2x64x256xf32, #tpu.memory_space<vmem>>, vector<1x1x16xf32>,
        %get3A_493 = vector.shape_cast %get3A_492 : vector<1x1x16xf32> to vector<16xf32>
        %get3A_494 = arith.constant 0 : i32
        %get3A_495 = arith.index_cast %get3A_494 : i32 to index
        %get3A_496 = arith.index_cast %add3A_200 : i32 to index
        %get3A_497 = arith.constant 224 : index
        %get3A_498 = tpu.vector_load %arg13[%get3A_495, %get3A_496, %get3A_497] {strides = array<i32>} : memref<2x64x256xf32, #tpu.memory_space<vmem>>, vector<1x1x16xf32>,
        %get3A_499 = vector.shape_cast %get3A_498 : vector<1x1x16xf32> to vector<16xf32>
        %mul3A_500 = arith.mulf %get3A_481, %get3A_493 : vector<16xf32>
        %mul3A_501 = arith.mulf %get3A_487, %get3A_499 : vector<16xf32>
        %add3A_502 = arith.addf %mul3A_500, %mul3A_501 : vector<16xf32>
        %mul3A_503 = arith.mulf %get3A_481, %get3A_499 : vector<16xf32>
        %mul3A_504 = arith.mulf %get3A_487, %get3A_493 : vector<16xf32>
        %sub3A_505 = arith.subf %mul3A_503, %mul3A_504 : vector<16xf32>
        %get3A_506 = arith.constant 0 : i32
        %get3A_507 = arith.index_cast %get3A_506 : i32 to index
        %get3A_508 = arith.index_cast %add3A_200 : i32 to index
        %get3A_509 = arith.constant 96 : index
        %get3A_510 = tpu.vector_load %arg12[%get3A_507, %get3A_508, %get3A_509] {strides = array<i32>} : memref<2x64x256xf32, #tpu.memory_space<vmem>>, vector<1x1x16xf32>,
        %get3A_511 = vector.shape_cast %get3A_510 : vector<1x1x16xf32> to vector<16xf32>
        %get3A_512 = arith.constant 0 : i32
        %get3A_513 = arith.index_cast %get3A_512 : i32 to index
        %get3A_514 = arith.index_cast %add3A_200 : i32 to index
        %get3A_515 = arith.constant 224 : index
        %get3A_516 = tpu.vector_load %arg12[%get3A_513, %get3A_514, %get3A_515] {strides = array<i32>} : memref<2x64x256xf32, #tpu.memory_space<vmem>>, vector<1x1x16xf32>,
        %get3A_517 = vector.shape_cast %get3A_516 : vector<1x1x16xf32> to vector<16xf32>
        %mul3A_518 = arith.mulf %get3A_511, %add3A_502 : vector<16xf32>
        %mul3A_519 = arith.mulf %get3A_517, %sub3A_505 : vector<16xf32>
        %add3A_520 = arith.addf %mul3A_518, %mul3A_519 : vector<16xf32>
        %add3A_521 = arith.addf %add3A_475, %add3A_520 : vector<16xf32>
        %get3A_522 = arith.constant 0 : i32
        %get3A_523 = arith.index_cast %get3A_522 : i32 to index
        %get3A_524 = arith.index_cast %add3A_200 : i32 to index
        %get3A_525 = arith.constant 112 : index
        %get3A_526 = tpu.vector_load %arg11[%get3A_523, %get3A_524, %get3A_525] {strides = array<i32>} : memref<2x64x256xf32, #tpu.memory_space<vmem>>, vector<1x1x16xf32>,
        %get3A_527 = vector.shape_cast %get3A_526 : vector<1x1x16xf32> to vector<16xf32>
        %get3A_528 = arith.constant 0 : i32
        %get3A_529 = arith.index_cast %get3A_528 : i32 to index
        %get3A_530 = arith.index_cast %add3A_200 : i32 to index
        %get3A_531 = arith.constant 240 : index
        %get3A_532 = tpu.vector_load %arg11[%get3A_529, %get3A_530, %get3A_531] {strides = array<i32>} : memref<2x64x256xf32, #tpu.memory_space<vmem>>, vector<1x1x16xf32>,
        %get3A_533 = vector.shape_cast %get3A_532 : vector<1x1x16xf32> to vector<16xf32>
        %get3A_534 = arith.constant 0 : i32
        %get3A_535 = arith.index_cast %get3A_534 : i32 to index
        %get3A_536 = arith.index_cast %add3A_200 : i32 to index
        %get3A_537 = arith.constant 112 : index
        %get3A_538 = tpu.vector_load %arg13[%get3A_535, %get3A_536, %get3A_537] {strides = array<i32>} : memref<2x64x256xf32, #tpu.memory_space<vmem>>, vector<1x1x16xf32>,
        %get3A_539 = vector.shape_cast %get3A_538 : vector<1x1x16xf32> to vector<16xf32>
        %get3A_540 = arith.constant 0 : i32
        %get3A_541 = arith.index_cast %get3A_540 : i32 to index
        %get3A_542 = arith.index_cast %add3A_200 : i32 to index
        %get3A_543 = arith.constant 240 : index
        %get3A_544 = tpu.vector_load %arg13[%get3A_541, %get3A_542, %get3A_543] {strides = array<i32>} : memref<2x64x256xf32, #tpu.memory_space<vmem>>, vector<1x1x16xf32>,
        %get3A_545 = vector.shape_cast %get3A_544 : vector<1x1x16xf32> to vector<16xf32>
        %mul3A_546 = arith.mulf %get3A_527, %get3A_539 : vector<16xf32>
        %mul3A_547 = arith.mulf %get3A_533, %get3A_545 : vector<16xf32>
        %add3A_548 = arith.addf %mul3A_546, %mul3A_547 : vector<16xf32>
        %mul3A_549 = arith.mulf %get3A_527, %get3A_545 : vector<16xf32>
        %mul3A_550 = arith.mulf %get3A_533, %get3A_539 : vector<16xf32>
        %sub3A_551 = arith.subf %mul3A_549, %mul3A_550 : vector<16xf32>
        %get3A_552 = arith.constant 0 : i32
        %get3A_553 = arith.index_cast %get3A_552 : i32 to index
        %get3A_554 = arith.index_cast %add3A_200 : i32 to index
        %get3A_555 = arith.constant 112 : index
        %get3A_556 = tpu.vector_load %arg12[%get3A_553, %get3A_554, %get3A_555] {strides = array<i32>} : memref<2x64x256xf32, #tpu.memory_space<vmem>>, vector<1x1x16xf32>,
        %get3A_557 = vector.shape_cast %get3A_556 : vector<1x1x16xf32> to vector<16xf32>
        %get3A_558 = arith.constant 0 : i32
        %get3A_559 = arith.index_cast %get3A_558 : i32 to index
        %get3A_560 = arith.index_cast %add3A_200 : i32 to index
        %get3A_561 = arith.constant 240 : index
        %get3A_562 = tpu.vector_load %arg12[%get3A_559, %get3A_560, %get3A_561] {strides = array<i32>} : memref<2x64x256xf32, #tpu.memory_space<vmem>>, vector<1x1x16xf32>,
        %get3A_563 = vector.shape_cast %get3A_562 : vector<1x1x16xf32> to vector<16xf32>
        %mul3A_564 = arith.mulf %get3A_557, %add3A_548 : vector<16xf32>
        %mul3A_565 = arith.mulf %get3A_563, %sub3A_551 : vector<16xf32>
        %add3A_566 = arith.addf %mul3A_564, %mul3A_565 : vector<16xf32>
        %add3A_567 = arith.addf %add3A_521, %add3A_566 : vector<16xf32>
        %add3A_568 = arith.constant 8 : i32
        %add3A_569 = arith.addi %add3A_198, %add3A_568 : i32
        %broadcast_in_dim3A_570 = arith.constant 0.000000e+00 : f32
        %broadcast_in_dim3A_571 = vector.broadcast %broadcast_in_dim3A_570 : f32 to vector<16xf32>
        %get3A_572 = arith.constant 0 : i32
        %get3A_573 = arith.index_cast %get3A_572 : i32 to index
        %get3A_574 = arith.index_cast %add3A_569 : i32 to index
        %get3A_575 = arith.constant 0 : index
        %get3A_576 = tpu.vector_load %arg11[%get3A_573, %get3A_574, %get3A_575] {strides = array<i32>} : memref<2x64x256xf32, #tpu.memory_space<vmem>>, vector<1x1x16xf32>,
        %get3A_577 = vector.shape_cast %get3A_576 : vector<1x1x16xf32> to vector<16xf32>
        %get3A_578 = arith.constant 0 : i32
        %get3A_579 = arith.index_cast %get3A_578 : i32 to index
        %get3A_580 = arith.index_cast %add3A_569 : i32 to index
        %get3A_581 = arith.constant 128 : index
        %get3A_582 = tpu.vector_load %arg11[%get3A_579, %get3A_580, %get3A_581] {strides = array<i32>} : memref<2x64x256xf32, #tpu.memory_space<vmem>>, vector<1x1x16xf32>,
        %get3A_583 = vector.shape_cast %get3A_582 : vector<1x1x16xf32> to vector<16xf32>
        %get3A_584 = arith.constant 0 : i32
        %get3A_585 = arith.index_cast %get3A_584 : i32 to index
        %get3A_586 = arith.index_cast %add3A_569 : i32 to index
        %get3A_587 = arith.constant 0 : index
        %get3A_588 = tpu.vector_load %arg13[%get3A_585, %get3A_586, %get3A_587] {strides = array<i32>} : memref<2x64x256xf32, #tpu.memory_space<vmem>>, vector<1x1x16xf32>,
        %get3A_589 = vector.shape_cast %get3A_588 : vector<1x1x16xf32> to vector<16xf32>
        %get3A_590 = arith.constant 0 : i32
        %get3A_591 = arith.index_cast %get3A_590 : i32 to index
        %get3A_592 = arith.index_cast %add3A_569 : i32 to index
        %get3A_593 = arith.constant 128 : index
        %get3A_594 = tpu.vector_load %arg13[%get3A_591, %get3A_592, %get3A_593] {strides = array<i32>} : memref<2x64x256xf32, #tpu.memory_space<vmem>>, vector<1x1x16xf32>,
        %get3A_595 = vector.shape_cast %get3A_594 : vector<1x1x16xf32> to vector<16xf32>
        %mul3A_596 = arith.mulf %get3A_577, %get3A_589 : vector<16xf32>
        %mul3A_597 = arith.mulf %get3A_583, %get3A_595 : vector<16xf32>
        %add3A_598 = arith.addf %mul3A_596, %mul3A_597 : vector<16xf32>
        %mul3A_599 = arith.mulf %get3A_577, %get3A_595 : vector<16xf32>
        %mul3A_600 = arith.mulf %get3A_583, %get3A_589 : vector<16xf32>
        %sub3A_601 = arith.subf %mul3A_599, %mul3A_600 : vector<16xf32>
        %get3A_602 = arith.constant 0 : i32
        %get3A_603 = arith.index_cast %get3A_602 : i32 to index
        %get3A_604 = arith.index_cast %add3A_569 : i32 to index
        %get3A_605 = arith.constant 0 : index
        %get3A_606 = tpu.vector_load %arg12[%get3A_603, %get3A_604, %get3A_605] {strides = array<i32>} : memref<2x64x256xf32, #tpu.memory_space<vmem>>, vector<1x1x16xf32>,
        %get3A_607 = vector.shape_cast %get3A_606 : vector<1x1x16xf32> to vector<16xf32>
        %get3A_608 = arith.constant 0 : i32
        %get3A_609 = arith.index_cast %get3A_608 : i32 to index
        %get3A_610 = arith.index_cast %add3A_569 : i32 to index
        %get3A_611 = arith.constant 128 : index
        %get3A_612 = tpu.vector_load %arg12[%get3A_609, %get3A_610, %get3A_611] {strides = array<i32>} : memref<2x64x256xf32, #tpu.memory_space<vmem>>, vector<1x1x16xf32>,
        %get3A_613 = vector.shape_cast %get3A_612 : vector<1x1x16xf32> to vector<16xf32>
        %mul3A_614 = arith.mulf %get3A_607, %add3A_598 : vector<16xf32>
        %mul3A_615 = arith.mulf %get3A_613, %sub3A_601 : vector<16xf32>
        %add3A_616 = arith.addf %mul3A_614, %mul3A_615 : vector<16xf32>
        %add3A_617 = arith.addf %broadcast_in_dim3A_571, %add3A_616 : vector<16xf32>
        %get3A_618 = arith.constant 0 : i32
        %get3A_619 = arith.index_cast %get3A_618 : i32 to index
        %get3A_620 = arith.index_cast %add3A_569 : i32 to index
        %get3A_621 = arith.constant 16 : index
        %get3A_622 = tpu.vector_load %arg11[%get3A_619, %get3A_620, %get3A_621] {strides = array<i32>} : memref<2x64x256xf32, #tpu.memory_space<vmem>>, vector<1x1x16xf32>,
        %get3A_623 = vector.shape_cast %get3A_622 : vector<1x1x16xf32> to vector<16xf32>
        %get3A_624 = arith.constant 0 : i32
        %get3A_625 = arith.index_cast %get3A_624 : i32 to index
        %get3A_626 = arith.index_cast %add3A_569 : i32 to index
        %get3A_627 = arith.constant 144 : index
        %get3A_628 = tpu.vector_load %arg11[%get3A_625, %get3A_626, %get3A_627] {strides = array<i32>} : memref<2x64x256xf32, #tpu.memory_space<vmem>>, vector<1x1x16xf32>,
        %get3A_629 = vector.shape_cast %get3A_628 : vector<1x1x16xf32> to vector<16xf32>
        %get3A_630 = arith.constant 0 : i32
        %get3A_631 = arith.index_cast %get3A_630 : i32 to index
        %get3A_632 = arith.index_cast %add3A_569 : i32 to index
        %get3A_633 = arith.constant 16 : index
        %get3A_634 = tpu.vector_load %arg13[%get3A_631, %get3A_632, %get3A_633] {strides = array<i32>} : memref<2x64x256xf32, #tpu.memory_space<vmem>>, vector<1x1x16xf32>,
        %get3A_635 = vector.shape_cast %get3A_634 : vector<1x1x16xf32> to vector<16xf32>
        %get3A_636 = arith.constant 0 : i32
        %get3A_637 = arith.index_cast %get3A_636 : i32 to index
        %get3A_638 = arith.index_cast %add3A_569 : i32 to index
        %get3A_639 = arith.constant 144 : index
        %get3A_640 = tpu.vector_load %arg13[%get3A_637, %get3A_638, %get3A_639] {strides = array<i32>} : memref<2x64x256xf32, #tpu.memory_space<vmem>>, vector<1x1x16xf32>,
        %get3A_641 = vector.shape_cast %get3A_640 : vector<1x1x16xf32> to vector<16xf32>
        %mul3A_642 = arith.mulf %get3A_623, %get3A_635 : vector<16xf32>
        %mul3A_643 = arith.mulf %get3A_629, %get3A_641 : vector<16xf32>
        %add3A_644 = arith.addf %mul3A_642, %mul3A_643 : vector<16xf32>
        %mul3A_645 = arith.mulf %get3A_623, %get3A_641 : vector<16xf32>
        %mul3A_646 = arith.mulf %get3A_629, %get3A_635 : vector<16xf32>
        %sub3A_647 = arith.subf %mul3A_645, %mul3A_646 : vector<16xf32>
        %get3A_648 = arith.constant 0 : i32
        %get3A_649 = arith.index_cast %get3A_648 : i32 to index
        %get3A_650 = arith.index_cast %add3A_569 : i32 to index
        %get3A_651 = arith.constant 16 : index
        %get3A_652 = tpu.vector_load %arg12[%get3A_649, %get3A_650, %get3A_651] {strides = array<i32>} : memref<2x64x256xf32, #tpu.memory_space<vmem>>, vector<1x1x16xf32>,
        %get3A_653 = vector.shape_cast %get3A_652 : vector<1x1x16xf32> to vector<16xf32>
        %get3A_654 = arith.constant 0 : i32
        %get3A_655 = arith.index_cast %get3A_654 : i32 to index
        %get3A_656 = arith.index_cast %add3A_569 : i32 to index
        %get3A_657 = arith.constant 144 : index
        %get3A_658 = tpu.vector_load %arg12[%get3A_655, %get3A_656, %get3A_657] {strides = array<i32>} : memref<2x64x256xf32, #tpu.memory_space<vmem>>, vector<1x1x16xf32>,
        %get3A_659 = vector.shape_cast %get3A_658 : vector<1x1x16xf32> to vector<16xf32>
        %mul3A_660 = arith.mulf %get3A_653, %add3A_644 : vector<16xf32>
        %mul3A_661 = arith.mulf %get3A_659, %sub3A_647 : vector<16xf32>
        %add3A_662 = arith.addf %mul3A_660, %mul3A_661 : vector<16xf32>
        %add3A_663 = arith.addf %add3A_617, %add3A_662 : vector<16xf32>
        %get3A_664 = arith.constant 0 : i32
        %get3A_665 = arith.index_cast %get3A_664 : i32 to index
        %get3A_666 = arith.index_cast %add3A_569 : i32 to index
        %get3A_667 = arith.constant 32 : index
        %get3A_668 = tpu.vector_load %arg11[%get3A_665, %get3A_666, %get3A_667] {strides = array<i32>} : memref<2x64x256xf32, #tpu.memory_space<vmem>>, vector<1x1x16xf32>,
        %get3A_669 = vector.shape_cast %get3A_668 : vector<1x1x16xf32> to vector<16xf32>
        %get3A_670 = arith.constant 0 : i32
        %get3A_671 = arith.index_cast %get3A_670 : i32 to index
        %get3A_672 = arith.index_cast %add3A_569 : i32 to index
        %get3A_673 = arith.constant 160 : index
        %get3A_674 = tpu.vector_load %arg11[%get3A_671, %get3A_672, %get3A_673] {strides = array<i32>} : memref<2x64x256xf32, #tpu.memory_space<vmem>>, vector<1x1x16xf32>,
        %get3A_675 = vector.shape_cast %get3A_674 : vector<1x1x16xf32> to vector<16xf32>
        %get3A_676 = arith.constant 0 : i32
        %get3A_677 = arith.index_cast %get3A_676 : i32 to index
        %get3A_678 = arith.index_cast %add3A_569 : i32 to index
        %get3A_679 = arith.constant 32 : index
        %get3A_680 = tpu.vector_load %arg13[%get3A_677, %get3A_678, %get3A_679] {strides = array<i32>} : memref<2x64x256xf32, #tpu.memory_space<vmem>>, vector<1x1x16xf32>,
        %get3A_681 = vector.shape_cast %get3A_680 : vector<1x1x16xf32> to vector<16xf32>
        %get3A_682 = arith.constant 0 : i32
        %get3A_683 = arith.index_cast %get3A_682 : i32 to index
        %get3A_684 = arith.index_cast %add3A_569 : i32 to index
        %get3A_685 = arith.constant 160 : index
        %get3A_686 = tpu.vector_load %arg13[%get3A_683, %get3A_684, %get3A_685] {strides = array<i32>} : memref<2x64x256xf32, #tpu.memory_space<vmem>>, vector<1x1x16xf32>,
        %get3A_687 = vector.shape_cast %get3A_686 : vector<1x1x16xf32> to vector<16xf32>
        %mul3A_688 = arith.mulf %get3A_669, %get3A_681 : vector<16xf32>
        %mul3A_689 = arith.mulf %get3A_675, %get3A_687 : vector<16xf32>
        %add3A_690 = arith.addf %mul3A_688, %mul3A_689 : vector<16xf32>
        %mul3A_691 = arith.mulf %get3A_669, %get3A_687 : vector<16xf32>
        %mul3A_692 = arith.mulf %get3A_675, %get3A_681 : vector<16xf32>
        %sub3A_693 = arith.subf %mul3A_691, %mul3A_692 : vector<16xf32>
        %get3A_694 = arith.constant 0 : i32
        %get3A_695 = arith.index_cast %get3A_694 : i32 to index
        %get3A_696 = arith.index_cast %add3A_569 : i32 to index
        %get3A_697 = arith.constant 32 : index
        %get3A_698 = tpu.vector_load %arg12[%get3A_695, %get3A_696, %get3A_697] {strides = array<i32>} : memref<2x64x256xf32, #tpu.memory_space<vmem>>, vector<1x1x16xf32>,
        %get3A_699 = vector.shape_cast %get3A_698 : vector<1x1x16xf32> to vector<16xf32>
        %get3A_700 = arith.constant 0 : i32
        %get3A_701 = arith.index_cast %get3A_700 : i32 to index
        %get3A_702 = arith.index_cast %add3A_569 : i32 to index
        %get3A_703 = arith.constant 160 : index
        %get3A_704 = tpu.vector_load %arg12[%get3A_701, %get3A_702, %get3A_703] {strides = array<i32>} : memref<2x64x256xf32, #tpu.memory_space<vmem>>, vector<1x1x16xf32>,
        %get3A_705 = vector.shape_cast %get3A_704 : vector<1x1x16xf32> to vector<16xf32>
        %mul3A_706 = arith.mulf %get3A_699, %add3A_690 : vector<16xf32>
        %mul3A_707 = arith.mulf %get3A_705, %sub3A_693 : vector<16xf32>
        %add3A_708 = arith.addf %mul3A_706, %mul3A_707 : vector<16xf32>
        %add3A_709 = arith.addf %add3A_663, %add3A_708 : vector<16xf32>
        %get3A_710 = arith.constant 0 : i32
        %get3A_711 = arith.index_cast %get3A_710 : i32 to index
        %get3A_712 = arith.index_cast %add3A_569 : i32 to index
        %get3A_713 = arith.constant 48 : index
        %get3A_714 = tpu.vector_load %arg11[%get3A_711, %get3A_712, %get3A_713] {strides = array<i32>} : memref<2x64x256xf32, #tpu.memory_space<vmem>>, vector<1x1x16xf32>,
        %get3A_715 = vector.shape_cast %get3A_714 : vector<1x1x16xf32> to vector<16xf32>
        %get3A_716 = arith.constant 0 : i32
        %get3A_717 = arith.index_cast %get3A_716 : i32 to index
        %get3A_718 = arith.index_cast %add3A_569 : i32 to index
        %get3A_719 = arith.constant 176 : index
        %get3A_720 = tpu.vector_load %arg11[%get3A_717, %get3A_718, %get3A_719] {strides = array<i32>} : memref<2x64x256xf32, #tpu.memory_space<vmem>>, vector<1x1x16xf32>,
        %get3A_721 = vector.shape_cast %get3A_720 : vector<1x1x16xf32> to vector<16xf32>
        %get3A_722 = arith.constant 0 : i32
        %get3A_723 = arith.index_cast %get3A_722 : i32 to index
        %get3A_724 = arith.index_cast %add3A_569 : i32 to index
        %get3A_725 = arith.constant 48 : index
        %get3A_726 = tpu.vector_load %arg13[%get3A_723, %get3A_724, %get3A_725] {strides = array<i32>} : memref<2x64x256xf32, #tpu.memory_space<vmem>>, vector<1x1x16xf32>,
        %get3A_727 = vector.shape_cast %get3A_726 : vector<1x1x16xf32> to vector<16xf32>
        %get3A_728 = arith.constant 0 : i32
        %get3A_729 = arith.index_cast %get3A_728 : i32 to index
        %get3A_730 = arith.index_cast %add3A_569 : i32 to index
        %get3A_731 = arith.constant 176 : index
        %get3A_732 = tpu.vector_load %arg13[%get3A_729, %get3A_730, %get3A_731] {strides = array<i32>} : memref<2x64x256xf32, #tpu.memory_space<vmem>>, vector<1x1x16xf32>,
        %get3A_733 = vector.shape_cast %get3A_732 : vector<1x1x16xf32> to vector<16xf32>
        %mul3A_734 = arith.mulf %get3A_715, %get3A_727 : vector<16xf32>
        %mul3A_735 = arith.mulf %get3A_721, %get3A_733 : vector<16xf32>
        %add3A_736 = arith.addf %mul3A_734, %mul3A_735 : vector<16xf32>
        %mul3A_737 = arith.mulf %get3A_715, %get3A_733 : vector<16xf32>
        %mul3A_738 = arith.mulf %get3A_721, %get3A_727 : vector<16xf32>
        %sub3A_739 = arith.subf %mul3A_737, %mul3A_738 : vector<16xf32>
        %get3A_740 = arith.constant 0 : i32
        %get3A_741 = arith.index_cast %get3A_740 : i32 to index
        %get3A_742 = arith.index_cast %add3A_569 : i32 to index
        %get3A_743 = arith.constant 48 : index
        %get3A_744 = tpu.vector_load %arg12[%get3A_741, %get3A_742, %get3A_743] {strides = array<i32>} : memref<2x64x256xf32, #tpu.memory_space<vmem>>, vector<1x1x16xf32>,
        %get3A_745 = vector.shape_cast %get3A_744 : vector<1x1x16xf32> to vector<16xf32>
        %get3A_746 = arith.constant 0 : i32
        %get3A_747 = arith.index_cast %get3A_746 : i32 to index
        %get3A_748 = arith.index_cast %add3A_569 : i32 to index
        %get3A_749 = arith.constant 176 : index
        %get3A_750 = tpu.vector_load %arg12[%get3A_747, %get3A_748, %get3A_749] {strides = array<i32>} : memref<2x64x256xf32, #tpu.memory_space<vmem>>, vector<1x1x16xf32>,
        %get3A_751 = vector.shape_cast %get3A_750 : vector<1x1x16xf32> to vector<16xf32>
        %mul3A_752 = arith.mulf %get3A_745, %add3A_736 : vector<16xf32>
        %mul3A_753 = arith.mulf %get3A_751, %sub3A_739 : vector<16xf32>
        %add3A_754 = arith.addf %mul3A_752, %mul3A_753 : vector<16xf32>
        %add3A_755 = arith.addf %add3A_709, %add3A_754 : vector<16xf32>
        %get3A_756 = arith.constant 0 : i32
        %get3A_757 = arith.index_cast %get3A_756 : i32 to index
        %get3A_758 = arith.index_cast %add3A_569 : i32 to index
        %get3A_759 = arith.constant 64 : index
        %get3A_760 = tpu.vector_load %arg11[%get3A_757, %get3A_758, %get3A_759] {strides = array<i32>} : memref<2x64x256xf32, #tpu.memory_space<vmem>>, vector<1x1x16xf32>,
        %get3A_761 = vector.shape_cast %get3A_760 : vector<1x1x16xf32> to vector<16xf32>
        %get3A_762 = arith.constant 0 : i32
        %get3A_763 = arith.index_cast %get3A_762 : i32 to index
        %get3A_764 = arith.index_cast %add3A_569 : i32 to index
        %get3A_765 = arith.constant 192 : index
        %get3A_766 = tpu.vector_load %arg11[%get3A_763, %get3A_764, %get3A_765] {strides = array<i32>} : memref<2x64x256xf32, #tpu.memory_space<vmem>>, vector<1x1x16xf32>,
        %get3A_767 = vector.shape_cast %get3A_766 : vector<1x1x16xf32> to vector<16xf32>
        %get3A_768 = arith.constant 0 : i32
        %get3A_769 = arith.index_cast %get3A_768 : i32 to index
        %get3A_770 = arith.index_cast %add3A_569 : i32 to index
        %get3A_771 = arith.constant 64 : index
        %get3A_772 = tpu.vector_load %arg13[%get3A_769, %get3A_770, %get3A_771] {strides = array<i32>} : memref<2x64x256xf32, #tpu.memory_space<vmem>>, vector<1x1x16xf32>,
        %get3A_773 = vector.shape_cast %get3A_772 : vector<1x1x16xf32> to vector<16xf32>
        %get3A_774 = arith.constant 0 : i32
        %get3A_775 = arith.index_cast %get3A_774 : i32 to index
        %get3A_776 = arith.index_cast %add3A_569 : i32 to index
        %get3A_777 = arith.constant 192 : index
        %get3A_778 = tpu.vector_load %arg13[%get3A_775, %get3A_776, %get3A_777] {strides = array<i32>} : memref<2x64x256xf32, #tpu.memory_space<vmem>>, vector<1x1x16xf32>,
        %get3A_779 = vector.shape_cast %get3A_778 : vector<1x1x16xf32> to vector<16xf32>
        %mul3A_780 = arith.mulf %get3A_761, %get3A_773 : vector<16xf32>
        %mul3A_781 = arith.mulf %get3A_767, %get3A_779 : vector<16xf32>
        %add3A_782 = arith.addf %mul3A_780, %mul3A_781 : vector<16xf32>
        %mul3A_783 = arith.mulf %get3A_761, %get3A_779 : vector<16xf32>
        %mul3A_784 = arith.mulf %get3A_767, %get3A_773 : vector<16xf32>
        %sub3A_785 = arith.subf %mul3A_783, %mul3A_784 : vector<16xf32>
        %get3A_786 = arith.constant 0 : i32
        %get3A_787 = arith.index_cast %get3A_786 : i32 to index
        %get3A_788 = arith.index_cast %add3A_569 : i32 to index
        %get3A_789 = arith.constant 64 : index
        %get3A_790 = tpu.vector_load %arg12[%get3A_787, %get3A_788, %get3A_789] {strides = array<i32>} : memref<2x64x256xf32, #tpu.memory_space<vmem>>, vector<1x1x16xf32>,
        %get3A_791 = vector.shape_cast %get3A_790 : vector<1x1x16xf32> to vector<16xf32>
        %get3A_792 = arith.constant 0 : i32
        %get3A_793 = arith.index_cast %get3A_792 : i32 to index
        %get3A_794 = arith.index_cast %add3A_569 : i32 to index
        %get3A_795 = arith.constant 192 : index
        %get3A_796 = tpu.vector_load %arg12[%get3A_793, %get3A_794, %get3A_795] {strides = array<i32>} : memref<2x64x256xf32, #tpu.memory_space<vmem>>, vector<1x1x16xf32>,
        %get3A_797 = vector.shape_cast %get3A_796 : vector<1x1x16xf32> to vector<16xf32>
        %mul3A_798 = arith.mulf %get3A_791, %add3A_782 : vector<16xf32>
        %mul3A_799 = arith.mulf %get3A_797, %sub3A_785 : vector<16xf32>
        %add3A_800 = arith.addf %mul3A_798, %mul3A_799 : vector<16xf32>
        %add3A_801 = arith.addf %add3A_755, %add3A_800 : vector<16xf32>
        %get3A_802 = arith.constant 0 : i32
        %get3A_803 = arith.index_cast %get3A_802 : i32 to index
        %get3A_804 = arith.index_cast %add3A_569 : i32 to index
        %get3A_805 = arith.constant 80 : index
        %get3A_806 = tpu.vector_load %arg11[%get3A_803, %get3A_804, %get3A_805] {strides = array<i32>} : memref<2x64x256xf32, #tpu.memory_space<vmem>>, vector<1x1x16xf32>,
        %get3A_807 = vector.shape_cast %get3A_806 : vector<1x1x16xf32> to vector<16xf32>
        %get3A_808 = arith.constant 0 : i32
        %get3A_809 = arith.index_cast %get3A_808 : i32 to index
        %get3A_810 = arith.index_cast %add3A_569 : i32 to index
        %get3A_811 = arith.constant 208 : index
        %get3A_812 = tpu.vector_load %arg11[%get3A_809, %get3A_810, %get3A_811] {strides = array<i32>} : memref<2x64x256xf32, #tpu.memory_space<vmem>>, vector<1x1x16xf32>,
        %get3A_813 = vector.shape_cast %get3A_812 : vector<1x1x16xf32> to vector<16xf32>
        %get3A_814 = arith.constant 0 : i32
        %get3A_815 = arith.index_cast %get3A_814 : i32 to index
        %get3A_816 = arith.index_cast %add3A_569 : i32 to index
        %get3A_817 = arith.constant 80 : index
        %get3A_818 = tpu.vector_load %arg13[%get3A_815, %get3A_816, %get3A_817] {strides = array<i32>} : memref<2x64x256xf32, #tpu.memory_space<vmem>>, vector<1x1x16xf32>,
        %get3A_819 = vector.shape_cast %get3A_818 : vector<1x1x16xf32> to vector<16xf32>
        %get3A_820 = arith.constant 0 : i32
        %get3A_821 = arith.index_cast %get3A_820 : i32 to index
        %get3A_822 = arith.index_cast %add3A_569 : i32 to index
        %get3A_823 = arith.constant 208 : index
        %get3A_824 = tpu.vector_load %arg13[%get3A_821, %get3A_822, %get3A_823] {strides = array<i32>} : memref<2x64x256xf32, #tpu.memory_space<vmem>>, vector<1x1x16xf32>,
        %get3A_825 = vector.shape_cast %get3A_824 : vector<1x1x16xf32> to vector<16xf32>
        %mul3A_826 = arith.mulf %get3A_807, %get3A_819 : vector<16xf32>
        %mul3A_827 = arith.mulf %get3A_813, %get3A_825 : vector<16xf32>
        %add3A_828 = arith.addf %mul3A_826, %mul3A_827 : vector<16xf32>
        %mul3A_829 = arith.mulf %get3A_807, %get3A_825 : vector<16xf32>
        %mul3A_830 = arith.mulf %get3A_813, %get3A_819 : vector<16xf32>
        %sub3A_831 = arith.subf %mul3A_829, %mul3A_830 : vector<16xf32>
        %get3A_832 = arith.constant 0 : i32
        %get3A_833 = arith.index_cast %get3A_832 : i32 to index
        %get3A_834 = arith.index_cast %add3A_569 : i32 to index
        %get3A_835 = arith.constant 80 : index
        %get3A_836 = tpu.vector_load %arg12[%get3A_833, %get3A_834, %get3A_835] {strides = array<i32>} : memref<2x64x256xf32, #tpu.memory_space<vmem>>, vector<1x1x16xf32>,
        %get3A_837 = vector.shape_cast %get3A_836 : vector<1x1x16xf32> to vector<16xf32>
        %get3A_838 = arith.constant 0 : i32
        %get3A_839 = arith.index_cast %get3A_838 : i32 to index
        %get3A_840 = arith.index_cast %add3A_569 : i32 to index
        %get3A_841 = arith.constant 208 : index
        %get3A_842 = tpu.vector_load %arg12[%get3A_839, %get3A_840, %get3A_841] {strides = array<i32>} : memref<2x64x256xf32, #tpu.memory_space<vmem>>, vector<1x1x16xf32>,
        %get3A_843 = vector.shape_cast %get3A_842 : vector<1x1x16xf32> to vector<16xf32>
        %mul3A_844 = arith.mulf %get3A_837, %add3A_828 : vector<16xf32>
        %mul3A_845 = arith.mulf %get3A_843, %sub3A_831 : vector<16xf32>
        %add3A_846 = arith.addf %mul3A_844, %mul3A_845 : vector<16xf32>
        %add3A_847 = arith.addf %add3A_801, %add3A_846 : vector<16xf32>
        %get3A_848 = arith.constant 0 : i32
        %get3A_849 = arith.index_cast %get3A_848 : i32 to index
        %get3A_850 = arith.index_cast %add3A_569 : i32 to index
        %get3A_851 = arith.constant 96 : index
        %get3A_852 = tpu.vector_load %arg11[%get3A_849, %get3A_850, %get3A_851] {strides = array<i32>} : memref<2x64x256xf32, #tpu.memory_space<vmem>>, vector<1x1x16xf32>,
        %get3A_853 = vector.shape_cast %get3A_852 : vector<1x1x16xf32> to vector<16xf32>
        %get3A_854 = arith.constant 0 : i32
        %get3A_855 = arith.index_cast %get3A_854 : i32 to index
        %get3A_856 = arith.index_cast %add3A_569 : i32 to index
        %get3A_857 = arith.constant 224 : index
        %get3A_858 = tpu.vector_load %arg11[%get3A_855, %get3A_856, %get3A_857] {strides = array<i32>} : memref<2x64x256xf32, #tpu.memory_space<vmem>>, vector<1x1x16xf32>,
        %get3A_859 = vector.shape_cast %get3A_858 : vector<1x1x16xf32> to vector<16xf32>
        %get3A_860 = arith.constant 0 : i32
        %get3A_861 = arith.index_cast %get3A_860 : i32 to index
        %get3A_862 = arith.index_cast %add3A_569 : i32 to index
        %get3A_863 = arith.constant 96 : index
        %get3A_864 = tpu.vector_load %arg13[%get3A_861, %get3A_862, %get3A_863] {strides = array<i32>} : memref<2x64x256xf32, #tpu.memory_space<vmem>>, vector<1x1x16xf32>,
        %get3A_865 = vector.shape_cast %get3A_864 : vector<1x1x16xf32> to vector<16xf32>
        %get3A_866 = arith.constant 0 : i32
        %get3A_867 = arith.index_cast %get3A_866 : i32 to index
        %get3A_868 = arith.index_cast %add3A_569 : i32 to index
        %get3A_869 = arith.constant 224 : index
        %get3A_870 = tpu.vector_load %arg13[%get3A_867, %get3A_868, %get3A_869] {strides = array<i32>} : memref<2x64x256xf32, #tpu.memory_space<vmem>>, vector<1x1x16xf32>,
        %get3A_871 = vector.shape_cast %get3A_870 : vector<1x1x16xf32> to vector<16xf32>
        %mul3A_872 = arith.mulf %get3A_853, %get3A_865 : vector<16xf32>
        %mul3A_873 = arith.mulf %get3A_859, %get3A_871 : vector<16xf32>
        %add3A_874 = arith.addf %mul3A_872, %mul3A_873 : vector<16xf32>
        %mul3A_875 = arith.mulf %get3A_853, %get3A_871 : vector<16xf32>
        %mul3A_876 = arith.mulf %get3A_859, %get3A_865 : vector<16xf32>
        %sub3A_877 = arith.subf %mul3A_875, %mul3A_876 : vector<16xf32>
        %get3A_878 = arith.constant 0 : i32
        %get3A_879 = arith.index_cast %get3A_878 : i32 to index
        %get3A_880 = arith.index_cast %add3A_569 : i32 to index
        %get3A_881 = arith.constant 96 : index
        %get3A_882 = tpu.vector_load %arg12[%get3A_879, %get3A_880, %get3A_881] {strides = array<i32>} : memref<2x64x256xf32, #tpu.memory_space<vmem>>, vector<1x1x16xf32>,
        %get3A_883 = vector.shape_cast %get3A_882 : vector<1x1x16xf32> to vector<16xf32>
        %get3A_884 = arith.constant 0 : i32
        %get3A_885 = arith.index_cast %get3A_884 : i32 to index
        %get3A_886 = arith.index_cast %add3A_569 : i32 to index
        %get3A_887 = arith.constant 224 : index
        %get3A_888 = tpu.vector_load %arg12[%get3A_885, %get3A_886, %get3A_887] {strides = array<i32>} : memref<2x64x256xf32, #tpu.memory_space<vmem>>, vector<1x1x16xf32>,
        %get3A_889 = vector.shape_cast %get3A_888 : vector<1x1x16xf32> to vector<16xf32>
        %mul3A_890 = arith.mulf %get3A_883, %add3A_874 : vector<16xf32>
        %mul3A_891 = arith.mulf %get3A_889, %sub3A_877 : vector<16xf32>
        %add3A_892 = arith.addf %mul3A_890, %mul3A_891 : vector<16xf32>
        %add3A_893 = arith.addf %add3A_847, %add3A_892 : vector<16xf32>
        %get3A_894 = arith.constant 0 : i32
        %get3A_895 = arith.index_cast %get3A_894 : i32 to index
        %get3A_896 = arith.index_cast %add3A_569 : i32 to index
        %get3A_897 = arith.constant 112 : index
        %get3A_898 = tpu.vector_load %arg11[%get3A_895, %get3A_896, %get3A_897] {strides = array<i32>} : memref<2x64x256xf32, #tpu.memory_space<vmem>>, vector<1x1x16xf32>,
        %get3A_899 = vector.shape_cast %get3A_898 : vector<1x1x16xf32> to vector<16xf32>
        %get3A_900 = arith.constant 0 : i32
        %get3A_901 = arith.index_cast %get3A_900 : i32 to index
        %get3A_902 = arith.index_cast %add3A_569 : i32 to index
        %get3A_903 = arith.constant 240 : index
        %get3A_904 = tpu.vector_load %arg11[%get3A_901, %get3A_902, %get3A_903] {strides = array<i32>} : memref<2x64x256xf32, #tpu.memory_space<vmem>>, vector<1x1x16xf32>,
        %get3A_905 = vector.shape_cast %get3A_904 : vector<1x1x16xf32> to vector<16xf32>
        %get3A_906 = arith.constant 0 : i32
        %get3A_907 = arith.index_cast %get3A_906 : i32 to index
        %get3A_908 = arith.index_cast %add3A_569 : i32 to index
        %get3A_909 = arith.constant 112 : index
        %get3A_910 = tpu.vector_load %arg13[%get3A_907, %get3A_908, %get3A_909] {strides = array<i32>} : memref<2x64x256xf32, #tpu.memory_space<vmem>>, vector<1x1x16xf32>,
        %get3A_911 = vector.shape_cast %get3A_910 : vector<1x1x16xf32> to vector<16xf32>
        %get3A_912 = arith.constant 0 : i32
        %get3A_913 = arith.index_cast %get3A_912 : i32 to index
        %get3A_914 = arith.index_cast %add3A_569 : i32 to index
        %get3A_915 = arith.constant 240 : index
        %get3A_916 = tpu.vector_load %arg13[%get3A_913, %get3A_914, %get3A_915] {strides = array<i32>} : memref<2x64x256xf32, #tpu.memory_space<vmem>>, vector<1x1x16xf32>,
        %get3A_917 = vector.shape_cast %get3A_916 : vector<1x1x16xf32> to vector<16xf32>
        %mul3A_918 = arith.mulf %get3A_899, %get3A_911 : vector<16xf32>
        %mul3A_919 = arith.mulf %get3A_905, %get3A_917 : vector<16xf32>
        %add3A_920 = arith.addf %mul3A_918, %mul3A_919 : vector<16xf32>
        %mul3A_921 = arith.mulf %get3A_899, %get3A_917 : vector<16xf32>
        %mul3A_922 = arith.mulf %get3A_905, %get3A_911 : vector<16xf32>
        %sub3A_923 = arith.subf %mul3A_921, %mul3A_922 : vector<16xf32>
        %get3A_924 = arith.constant 0 : i32
        %get3A_925 = arith.index_cast %get3A_924 : i32 to index
        %get3A_926 = arith.index_cast %add3A_569 : i32 to index
        %get3A_927 = arith.constant 112 : index
        %get3A_928 = tpu.vector_load %arg12[%get3A_925, %get3A_926, %get3A_927] {strides = array<i32>} : memref<2x64x256xf32, #tpu.memory_space<vmem>>, vector<1x1x16xf32>,
        %get3A_929 = vector.shape_cast %get3A_928 : vector<1x1x16xf32> to vector<16xf32>
        %get3A_930 = arith.constant 0 : i32
        %get3A_931 = arith.index_cast %get3A_930 : i32 to index
        %get3A_932 = arith.index_cast %add3A_569 : i32 to index
        %get3A_933 = arith.constant 240 : index
        %get3A_934 = tpu.vector_load %arg12[%get3A_931, %get3A_932, %get3A_933] {strides = array<i32>} : memref<2x64x256xf32, #tpu.memory_space<vmem>>, vector<1x1x16xf32>,
        %get3A_935 = vector.shape_cast %get3A_934 : vector<1x1x16xf32> to vector<16xf32>
        %mul3A_936 = arith.mulf %get3A_929, %add3A_920 : vector<16xf32>
        %mul3A_937 = arith.mulf %get3A_935, %sub3A_923 : vector<16xf32>
        %add3A_938 = arith.addf %mul3A_936, %mul3A_937 : vector<16xf32>
        %add3A_939 = arith.addf %add3A_893, %add3A_938 : vector<16xf32>
        %and3A_940 = arith.constant 8 : i32
        %and3A_941 = vector.broadcast %and3A_940 : i32 to vector<16xi32>
        %and3A_942 = arith.andi %iota3A, %and3A_941 : vector<16xi32>
        %eq3A = arith.constant 0 : i32
        %eq3A_943 = vector.broadcast %eq3A : i32 to vector<16xi32>
        %eq3A_944 = arith.cmpi eq, %and3A_942, %eq3A_943 : vector<16xi32>
        %broadcast_in_dim3A_945 = vector.shape_cast %xor3A_14 : vector<16xi32> to vector<16x1xi32>
        %gather3A = vector.shape_cast %broadcast_in_dim3A_945 : vector<16x1xi32> to vector<16xi32>
        %gather3A_946 = tpu.dynamic_gather %add3A_567[%gather3A] in [0] : vector<16xf32>, vector<16xi32> -> vector<16xf32>
        %add3A_947 = arith.addf %add3A_567, %gather3A_946 : vector<16xf32>
        %broadcast_in_dim3A_948 = vector.shape_cast %xor3A_14 : vector<16xi32> to vector<16x1xi32>
        %gather3A_949 = vector.shape_cast %broadcast_in_dim3A_948 : vector<16x1xi32> to vector<16xi32>
        %gather3A_950 = tpu.dynamic_gather %add3A_939[%gather3A_949] in [0] : vector<16xf32>, vector<16xi32> -> vector<16xf32>
        %add3A_951 = arith.addf %add3A_939, %gather3A_950 : vector<16xf32>
        %select_n3A = arith.select %eq3A_944, %add3A_947, %add3A_951 : vector<16xi1>, vector<16xf32>
        %swap3A = arith.index_cast %scan3A_183 : i32 to index
        %swap3A_952 = arith.constant 0 : index
        %swap3A_953 = tpu.vector_load %arg14[%swap3A, %swap3A_952] {strides = array<i32>} : memref<32x16xf32, #tpu.memory_space<vmem>>, vector<1x16xf32>,
        %swap3A_954 = vector.shape_cast %swap3A_953 : vector<1x16xf32> to vector<16xf32>
        %swap3A_955 = vector.shape_cast %select_n3A : vector<16xf32> to vector<1x16xf32>
        tpu.vector_store %arg14[%swap3A, %swap3A_952], %swap3A_955 {strides = array<i32>} : memref<32x16xf32, #tpu.memory_space<vmem>>, vector<1x16xf32>,
      }
      %scan3A_129 = arith.constant 32 : i32
      %scan3A_130 = arith.constant 0 : i32
      %scan3A_131 = arith.constant 0 : i32
      %scan3A_132 = arith.constant 4 : i32
      %scan3A_133 = arith.addi %scan3A_131, %scan3A_132 : i32
      %scan3A_134 = arith.constant 1 : i32
      scf.for %scan3A_183 = %scan3A_131 to %scan3A_133 step %scan3A_134  : i32 {
        %mul3A_184 = arith.constant 8 : i32
        %mul3A_185 = arith.muli %mul3A_184, %scan3A_183 : i32
        %add3A_186 = arith.constant 0 : i32
        %add3A_187 = arith.addi %mul3A_185, %add3A_186 : i32
        %get3A = arith.index_cast %add3A_187 : i32 to index
        %get3A_188 = arith.constant 0 : index
        %get3A_189 = tpu.vector_load %arg14[%get3A, %get3A_188] {strides = array<i32>} : memref<32x16xf32, #tpu.memory_space<vmem>>, vector<1x16xf32>,
        %get3A_190 = vector.shape_cast %get3A_189 : vector<1x16xf32> to vector<16xf32>
        %mul3A_191 = arith.constant 8 : i32
        %mul3A_192 = arith.muli %mul3A_191, %scan3A_183 : i32
        %add3A_193 = arith.constant 0 : i32
        %add3A_194 = arith.addi %mul3A_192, %add3A_193 : i32
        %add3A_195 = arith.constant 1 : i32
        %add3A_196 = arith.addi %add3A_194, %add3A_195 : i32
        %get3A_197 = arith.index_cast %add3A_196 : i32 to index
        %get3A_198 = arith.constant 0 : index
        %get3A_199 = tpu.vector_load %arg14[%get3A_197, %get3A_198] {strides = array<i32>} : memref<32x16xf32, #tpu.memory_space<vmem>>, vector<1x16xf32>,
        %get3A_200 = vector.shape_cast %get3A_199 : vector<1x16xf32> to vector<16xf32>
        %and3A = arith.constant 4 : i32
        %and3A_201 = vector.broadcast %and3A : i32 to vector<16xi32>
        %and3A_202 = arith.andi %iota3A, %and3A_201 : vector<16xi32>
        %eq3A = arith.constant 0 : i32
        %eq3A_203 = vector.broadcast %eq3A : i32 to vector<16xi32>
        %eq3A_204 = arith.cmpi eq, %and3A_202, %eq3A_203 : vector<16xi32>
        %broadcast_in_dim3A = vector.shape_cast %xor3A_17 : vector<16xi32> to vector<16x1xi32>
        %gather3A = vector.shape_cast %broadcast_in_dim3A : vector<16x1xi32> to vector<16xi32>
        %gather3A_205 = tpu.dynamic_gather %get3A_190[%gather3A] in [0] : vector<16xf32>, vector<16xi32> -> vector<16xf32>
        %add3A_206 = arith.addf %get3A_190, %gather3A_205 : vector<16xf32>
        %broadcast_in_dim3A_207 = vector.shape_cast %xor3A_17 : vector<16xi32> to vector<16x1xi32>
        %gather3A_208 = vector.shape_cast %broadcast_in_dim3A_207 : vector<16x1xi32> to vector<16xi32>
        %gather3A_209 = tpu.dynamic_gather %get3A_200[%gather3A_208] in [0] : vector<16xf32>, vector<16xi32> -> vector<16xf32>
        %add3A_210 = arith.addf %get3A_200, %gather3A_209 : vector<16xf32>
        %select_n3A = arith.select %eq3A_204, %add3A_206, %add3A_210 : vector<16xi1>, vector<16xf32>
        %mul3A_211 = arith.constant 8 : i32
        %mul3A_212 = arith.muli %mul3A_211, %scan3A_183 : i32
        %add3A_213 = arith.constant 2 : i32
        %add3A_214 = arith.addi %mul3A_212, %add3A_213 : i32
        %get3A_215 = arith.index_cast %add3A_214 : i32 to index
        %get3A_216 = arith.constant 0 : index
        %get3A_217 = tpu.vector_load %arg14[%get3A_215, %get3A_216] {strides = array<i32>} : memref<32x16xf32, #tpu.memory_space<vmem>>, vector<1x16xf32>,
        %get3A_218 = vector.shape_cast %get3A_217 : vector<1x16xf32> to vector<16xf32>
        %mul3A_219 = arith.constant 8 : i32
        %mul3A_220 = arith.muli %mul3A_219, %scan3A_183 : i32
        %add3A_221 = arith.constant 2 : i32
        %add3A_222 = arith.addi %mul3A_220, %add3A_221 : i32
        %add3A_223 = arith.constant 1 : i32
        %add3A_224 = arith.addi %add3A_222, %add3A_223 : i32
        %get3A_225 = arith.index_cast %add3A_224 : i32 to index
        %get3A_226 = arith.constant 0 : index
        %get3A_227 = tpu.vector_load %arg14[%get3A_225, %get3A_226] {strides = array<i32>} : memref<32x16xf32, #tpu.memory_space<vmem>>, vector<1x16xf32>,
        %get3A_228 = vector.shape_cast %get3A_227 : vector<1x16xf32> to vector<16xf32>
        %and3A_229 = arith.constant 4 : i32
        %and3A_230 = vector.broadcast %and3A_229 : i32 to vector<16xi32>
        %and3A_231 = arith.andi %iota3A, %and3A_230 : vector<16xi32>
        %eq3A_232 = arith.constant 0 : i32
        %eq3A_233 = vector.broadcast %eq3A_232 : i32 to vector<16xi32>
        %eq3A_234 = arith.cmpi eq, %and3A_231, %eq3A_233 : vector<16xi32>
        %broadcast_in_dim3A_235 = vector.shape_cast %xor3A_17 : vector<16xi32> to vector<16x1xi32>
        %gather3A_236 = vector.shape_cast %broadcast_in_dim3A_235 : vector<16x1xi32> to vector<16xi32>
        %gather3A_237 = tpu.dynamic_gather %get3A_218[%gather3A_236] in [0] : vector<16xf32>, vector<16xi32> -> vector<16xf32>
        %add3A_238 = arith.addf %get3A_218, %gather3A_237 : vector<16xf32>
        %broadcast_in_dim3A_239 = vector.shape_cast %xor3A_17 : vector<16xi32> to vector<16x1xi32>
        %gather3A_240 = vector.shape_cast %broadcast_in_dim3A_239 : vector<16x1xi32> to vector<16xi32>
        %gather3A_241 = tpu.dynamic_gather %get3A_228[%gather3A_240] in [0] : vector<16xf32>, vector<16xi32> -> vector<16xf32>
        %add3A_242 = arith.addf %get3A_228, %gather3A_241 : vector<16xf32>
        %select_n3A_243 = arith.select %eq3A_234, %add3A_238, %add3A_242 : vector<16xi1>, vector<16xf32>
        %mul3A_244 = arith.constant 8 : i32
        %mul3A_245 = arith.muli %mul3A_244, %scan3A_183 : i32
        %add3A_246 = arith.constant 4 : i32
        %add3A_247 = arith.addi %mul3A_245, %add3A_246 : i32
        %get3A_248 = arith.index_cast %add3A_247 : i32 to index
        %get3A_249 = arith.constant 0 : index
        %get3A_250 = tpu.vector_load %arg14[%get3A_248, %get3A_249] {strides = array<i32>} : memref<32x16xf32, #tpu.memory_space<vmem>>, vector<1x16xf32>,
        %get3A_251 = vector.shape_cast %get3A_250 : vector<1x16xf32> to vector<16xf32>
        %mul3A_252 = arith.constant 8 : i32
        %mul3A_253 = arith.muli %mul3A_252, %scan3A_183 : i32
        %add3A_254 = arith.constant 4 : i32
        %add3A_255 = arith.addi %mul3A_253, %add3A_254 : i32
        %add3A_256 = arith.constant 1 : i32
        %add3A_257 = arith.addi %add3A_255, %add3A_256 : i32
        %get3A_258 = arith.index_cast %add3A_257 : i32 to index
        %get3A_259 = arith.constant 0 : index
        %get3A_260 = tpu.vector_load %arg14[%get3A_258, %get3A_259] {strides = array<i32>} : memref<32x16xf32, #tpu.memory_space<vmem>>, vector<1x16xf32>,
        %get3A_261 = vector.shape_cast %get3A_260 : vector<1x16xf32> to vector<16xf32>
        %and3A_262 = arith.constant 4 : i32
        %and3A_263 = vector.broadcast %and3A_262 : i32 to vector<16xi32>
        %and3A_264 = arith.andi %iota3A, %and3A_263 : vector<16xi32>
        %eq3A_265 = arith.constant 0 : i32
        %eq3A_266 = vector.broadcast %eq3A_265 : i32 to vector<16xi32>
        %eq3A_267 = arith.cmpi eq, %and3A_264, %eq3A_266 : vector<16xi32>
        %broadcast_in_dim3A_268 = vector.shape_cast %xor3A_17 : vector<16xi32> to vector<16x1xi32>
        %gather3A_269 = vector.shape_cast %broadcast_in_dim3A_268 : vector<16x1xi32> to vector<16xi32>
        %gather3A_270 = tpu.dynamic_gather %get3A_251[%gather3A_269] in [0] : vector<16xf32>, vector<16xi32> -> vector<16xf32>
        %add3A_271 = arith.addf %get3A_251, %gather3A_270 : vector<16xf32>
        %broadcast_in_dim3A_272 = vector.shape_cast %xor3A_17 : vector<16xi32> to vector<16x1xi32>
        %gather3A_273 = vector.shape_cast %broadcast_in_dim3A_272 : vector<16x1xi32> to vector<16xi32>
        %gather3A_274 = tpu.dynamic_gather %get3A_261[%gather3A_273] in [0] : vector<16xf32>, vector<16xi32> -> vector<16xf32>
        %add3A_275 = arith.addf %get3A_261, %gather3A_274 : vector<16xf32>
        %select_n3A_276 = arith.select %eq3A_267, %add3A_271, %add3A_275 : vector<16xi1>, vector<16xf32>
        %mul3A_277 = arith.constant 8 : i32
        %mul3A_278 = arith.muli %mul3A_277, %scan3A_183 : i32
        %add3A_279 = arith.constant 6 : i32
        %add3A_280 = arith.addi %mul3A_278, %add3A_279 : i32
        %get3A_281 = arith.index_cast %add3A_280 : i32 to index
        %get3A_282 = arith.constant 0 : index
        %get3A_283 = tpu.vector_load %arg14[%get3A_281, %get3A_282] {strides = array<i32>} : memref<32x16xf32, #tpu.memory_space<vmem>>, vector<1x16xf32>,
        %get3A_284 = vector.shape_cast %get3A_283 : vector<1x16xf32> to vector<16xf32>
        %mul3A_285 = arith.constant 8 : i32
        %mul3A_286 = arith.muli %mul3A_285, %scan3A_183 : i32
        %add3A_287 = arith.constant 6 : i32
        %add3A_288 = arith.addi %mul3A_286, %add3A_287 : i32
        %add3A_289 = arith.constant 1 : i32
        %add3A_290 = arith.addi %add3A_288, %add3A_289 : i32
        %get3A_291 = arith.index_cast %add3A_290 : i32 to index
        %get3A_292 = arith.constant 0 : index
        %get3A_293 = tpu.vector_load %arg14[%get3A_291, %get3A_292] {strides = array<i32>} : memref<32x16xf32, #tpu.memory_space<vmem>>, vector<1x16xf32>,
        %get3A_294 = vector.shape_cast %get3A_293 : vector<1x16xf32> to vector<16xf32>
        %and3A_295 = arith.constant 4 : i32
        %and3A_296 = vector.broadcast %and3A_295 : i32 to vector<16xi32>
        %and3A_297 = arith.andi %iota3A, %and3A_296 : vector<16xi32>
        %eq3A_298 = arith.constant 0 : i32
        %eq3A_299 = vector.broadcast %eq3A_298 : i32 to vector<16xi32>
        %eq3A_300 = arith.cmpi eq, %and3A_297, %eq3A_299 : vector<16xi32>
        %broadcast_in_dim3A_301 = vector.shape_cast %xor3A_17 : vector<16xi32> to vector<16x1xi32>
        %gather3A_302 = vector.shape_cast %broadcast_in_dim3A_301 : vector<16x1xi32> to vector<16xi32>
        %gather3A_303 = tpu.dynamic_gather %get3A_284[%gather3A_302] in [0] : vector<16xf32>, vector<16xi32> -> vector<16xf32>
        %add3A_304 = arith.addf %get3A_284, %gather3A_303 : vector<16xf32>
        %broadcast_in_dim3A_305 = vector.shape_cast %xor3A_17 : vector<16xi32> to vector<16x1xi32>
        %gather3A_306 = vector.shape_cast %broadcast_in_dim3A_305 : vector<16x1xi32> to vector<16xi32>
        %gather3A_307 = tpu.dynamic_gather %get3A_294[%gather3A_306] in [0] : vector<16xf32>, vector<16xi32> -> vector<16xf32>
        %add3A_308 = arith.addf %get3A_294, %gather3A_307 : vector<16xf32>
        %select_n3A_309 = arith.select %eq3A_300, %add3A_304, %add3A_308 : vector<16xi1>, vector<16xf32>
        %and3A_310 = arith.constant 2 : i32
        %and3A_311 = vector.broadcast %and3A_310 : i32 to vector<16xi32>
        %and3A_312 = arith.andi %iota3A, %and3A_311 : vector<16xi32>
        %eq3A_313 = arith.constant 0 : i32
        %eq3A_314 = vector.broadcast %eq3A_313 : i32 to vector<16xi32>
        %eq3A_315 = arith.cmpi eq, %and3A_312, %eq3A_314 : vector<16xi32>
        %broadcast_in_dim3A_316 = vector.shape_cast %xor3A_20 : vector<16xi32> to vector<16x1xi32>
        %gather3A_317 = vector.shape_cast %broadcast_in_dim3A_316 : vector<16x1xi32> to vector<16xi32>
        %gather3A_318 = tpu.dynamic_gather %select_n3A[%gather3A_317] in [0] : vector<16xf32>, vector<16xi32> -> vector<16xf32>
        %add3A_319 = arith.addf %select_n3A, %gather3A_318 : vector<16xf32>
        %broadcast_in_dim3A_320 = vector.shape_cast %xor3A_20 : vector<16xi32> to vector<16x1xi32>
        %gather3A_321 = vector.shape_cast %broadcast_in_dim3A_320 : vector<16x1xi32> to vector<16xi32>
        %gather3A_322 = tpu.dynamic_gather %select_n3A_243[%gather3A_321] in [0] : vector<16xf32>, vector<16xi32> -> vector<16xf32>
        %add3A_323 = arith.addf %select_n3A_243, %gather3A_322 : vector<16xf32>
        %select_n3A_324 = arith.select %eq3A_315, %add3A_319, %add3A_323 : vector<16xi1>, vector<16xf32>
        %and3A_325 = arith.constant 2 : i32
        %and3A_326 = vector.broadcast %and3A_325 : i32 to vector<16xi32>
        %and3A_327 = arith.andi %iota3A, %and3A_326 : vector<16xi32>
        %eq3A_328 = arith.constant 0 : i32
        %eq3A_329 = vector.broadcast %eq3A_328 : i32 to vector<16xi32>
        %eq3A_330 = arith.cmpi eq, %and3A_327, %eq3A_329 : vector<16xi32>
        %broadcast_in_dim3A_331 = vector.shape_cast %xor3A_20 : vector<16xi32> to vector<16x1xi32>
        %gather3A_332 = vector.shape_cast %broadcast_in_dim3A_331 : vector<16x1xi32> to vector<16xi32>
        %gather3A_333 = tpu.dynamic_gather %select_n3A_276[%gather3A_332] in [0] : vector<16xf32>, vector<16xi32> -> vector<16xf32>
        %add3A_334 = arith.addf %select_n3A_276, %gather3A_333 : vector<16xf32>
        %broadcast_in_dim3A_335 = vector.shape_cast %xor3A_20 : vector<16xi32> to vector<16x1xi32>
        %gather3A_336 = vector.shape_cast %broadcast_in_dim3A_335 : vector<16x1xi32> to vector<16xi32>
        %gather3A_337 = tpu.dynamic_gather %select_n3A_309[%gather3A_336] in [0] : vector<16xf32>, vector<16xi32> -> vector<16xf32>
        %add3A_338 = arith.addf %select_n3A_309, %gather3A_337 : vector<16xf32>
        %select_n3A_339 = arith.select %eq3A_330, %add3A_334, %add3A_338 : vector<16xi1>, vector<16xf32>
        %and3A_340 = arith.constant 1 : i32
        %and3A_341 = vector.broadcast %and3A_340 : i32 to vector<16xi32>
        %and3A_342 = arith.andi %iota3A, %and3A_341 : vector<16xi32>
        %eq3A_343 = arith.constant 0 : i32
        %eq3A_344 = vector.broadcast %eq3A_343 : i32 to vector<16xi32>
        %eq3A_345 = arith.cmpi eq, %and3A_342, %eq3A_344 : vector<16xi32>
        %broadcast_in_dim3A_346 = vector.shape_cast %xor3A_23 : vector<16xi32> to vector<16x1xi32>
        %gather3A_347 = vector.shape_cast %broadcast_in_dim3A_346 : vector<16x1xi32> to vector<16xi32>
        %gather3A_348 = tpu.dynamic_gather %select_n3A_324[%gather3A_347] in [0] : vector<16xf32>, vector<16xi32> -> vector<16xf32>
        %add3A_349 = arith.addf %select_n3A_324, %gather3A_348 : vector<16xf32>
        %broadcast_in_dim3A_350 = vector.shape_cast %xor3A_23 : vector<16xi32> to vector<16x1xi32>
        %gather3A_351 = vector.shape_cast %broadcast_in_dim3A_350 : vector<16x1xi32> to vector<16xi32>
        %gather3A_352 = tpu.dynamic_gather %select_n3A_339[%gather3A_351] in [0] : vector<16xf32>, vector<16xi32> -> vector<16xf32>
        %add3A_353 = arith.addf %select_n3A_339, %gather3A_352 : vector<16xf32>
        %select_n3A_354 = arith.select %eq3A_345, %add3A_349, %add3A_353 : vector<16xi1>, vector<16xf32>
        %mul3A_355 = arith.constant 64 : i32
        %mul3A_356 = arith.muli %add3A_63, %mul3A_355 : i32
        %mul3A_357 = arith.constant 16 : i32
        %mul3A_358 = arith.muli %scan3A_183, %mul3A_357 : i32
        %add3A_359 = arith.addi %mul3A_356, %mul3A_358 : i32
        %swap3A = arith.index_cast %add3A_359 : i32 to index
        %swap3A_360 = tpu.vector_load %arg15[%swap3A] {strides = array<i32>} : memref<512xf32, #tpu.memory_space<vmem>>, vector<16xf32>,
        %swap3A_361 = vector.shape_cast %swap3A_360 : vector<16xf32> to vector<16xf32>
        %swap3A_362 = vector.shape_cast %select_n3A_354 : vector<16xf32> to vector<16xf32>
        tpu.vector_store %arg15[%swap3A], %swap3A_362 {strides = array<i32>} : memref<512xf32, #tpu.memory_space<vmem>>, vector<16xf32>,
      }
      %scan3A_135 = arith.constant 4 : i32
      %mul3A_136 = arith.constant 2 : i32
      %mul3A_137 = arith.muli %mul3A_136, %scan3A_59 : i32
      %add3A_138 = arith.constant 1 : i32
      %add3A_139 = arith.addi %mul3A_137, %add3A_138 : i32
      %lt3A = arith.constant 3 : i32
      %lt3A_140 = arith.cmpi slt, %scan3A_59, %lt3A : i32
      %convert_element_type3A = arith.extui %lt3A_140 : i1 to i32
      %cond3A = arith.constant 0 : i32
      %cond3A_141 = arith.cmpi ne, %convert_element_type3A, %cond3A : i32
      scf.if %cond3A_141 {
        %add3A_183 = arith.constant 1 : i32
        %add3A_184 = arith.addi %add3A_139, %add3A_183 : i32
        %mul3A_185 = arith.constant 64 : i32
        %mul3A_186 = arith.muli %add3A_184, %mul3A_185 : i32
        %dma_start3A_187 = arith.constant 0 : i32
        %dma_start3A_188 = arith.constant 0 : i32
        %dma_start3A_189 = arith.constant 0 : i32
        %dma_start3A_190 = tpu.memref_slice %arg11[%dma_start3A_187, %dma_start3A_188, %dma_start3A_189] : memref<2x64x256xf32, #tpu.memory_space<vmem>> -> memref<1x64x256xf32, #tpu.memory_space<vmem>>
        %dma_start3A_191 = tpu.memref_squeeze %dma_start3A_190 : memref<1x64x256xf32, #tpu.memory_space<vmem>> -> memref<64x256xf32, #tpu.memory_space<vmem>>
        %dma_start3A_192 = tpu.memref_slice %arg8[%mul3A_186] : memref<512xi32, #tpu.memory_space<vmem>> -> memref<64xi32, #tpu.memory_space<vmem>>
        %dma_start3A_193 = arith.constant 0 : i32
        %dma_start3A_194 = arith.constant 0 : i32
        %dma_start3A_195 = tpu.memref_slice %arg2[%dma_start3A_193, %dma_start3A_194] : memref<100000x256xf32, #tpu.memory_space<hbm>> -> memref<100000x256xf32, #tpu.memory_space<hbm>>
        tpu.enqueue_indirect_dma source(%dma_start3A_195 : memref<100000x256xf32, #tpu.memory_space<hbm>>) target(%dma_start3A_191 : memref<64x256xf32, #tpu.memory_space<vmem>>) offsets(%dma_start3A_192 : memref<64xi32, #tpu.memory_space<vmem>>) semaphore(%arg16 : memref<!tpu.dma_semaphore, #tpu.memory_space<semaphore_mem>>)
        %dma_start3A_196 = arith.constant 0 : i32
        %dma_start3A_197 = arith.constant 0 : i32
        %dma_start3A_198 = arith.constant 0 : i32
        %dma_start3A_199 = tpu.memref_slice %arg12[%dma_start3A_196, %dma_start3A_197, %dma_start3A_198] : memref<2x64x256xf32, #tpu.memory_space<vmem>> -> memref<1x64x256xf32, #tpu.memory_space<vmem>>
        %dma_start3A_200 = tpu.memref_squeeze %dma_start3A_199 : memref<1x64x256xf32, #tpu.memory_space<vmem>> -> memref<64x256xf32, #tpu.memory_space<vmem>>
        %dma_start3A_201 = tpu.memref_slice %arg9[%mul3A_186] : memref<512xi32, #tpu.memory_space<vmem>> -> memref<64xi32, #tpu.memory_space<vmem>>
        %dma_start3A_202 = arith.constant 0 : i32
        %dma_start3A_203 = arith.constant 0 : i32
        %dma_start3A_204 = tpu.memref_slice %arg3[%dma_start3A_202, %dma_start3A_203] : memref<1000x256xf32, #tpu.memory_space<hbm>> -> memref<1000x256xf32, #tpu.memory_space<hbm>>
        tpu.enqueue_indirect_dma source(%dma_start3A_204 : memref<1000x256xf32, #tpu.memory_space<hbm>>) target(%dma_start3A_200 : memref<64x256xf32, #tpu.memory_space<vmem>>) offsets(%dma_start3A_201 : memref<64xi32, #tpu.memory_space<vmem>>) semaphore(%arg17 : memref<!tpu.dma_semaphore, #tpu.memory_space<semaphore_mem>>)
        %dma_start3A_205 = arith.constant 0 : i32
        %dma_start3A_206 = arith.constant 0 : i32
        %dma_start3A_207 = arith.constant 0 : i32
        %dma_start3A_208 = tpu.memref_slice %arg13[%dma_start3A_205, %dma_start3A_206, %dma_start3A_207] : memref<2x64x256xf32, #tpu.memory_space<vmem>> -> memref<1x64x256xf32, #tpu.memory_space<vmem>>
        %dma_start3A_209 = tpu.memref_squeeze %dma_start3A_208 : memref<1x64x256xf32, #tpu.memory_space<vmem>> -> memref<64x256xf32, #tpu.memory_space<vmem>>
        %dma_start3A_210 = tpu.memref_slice %arg10[%mul3A_186] : memref<512xi32, #tpu.memory_space<vmem>> -> memref<64xi32, #tpu.memory_space<vmem>>
        %dma_start3A_211 = arith.constant 0 : i32
        %dma_start3A_212 = arith.constant 0 : i32
        %dma_start3A_213 = tpu.memref_slice %arg2[%dma_start3A_211, %dma_start3A_212] : memref<100000x256xf32, #tpu.memory_space<hbm>> -> memref<100000x256xf32, #tpu.memory_space<hbm>>
        tpu.enqueue_indirect_dma source(%dma_start3A_213 : memref<100000x256xf32, #tpu.memory_space<hbm>>) target(%dma_start3A_209 : memref<64x256xf32, #tpu.memory_space<vmem>>) offsets(%dma_start3A_210 : memref<64xi32, #tpu.memory_space<vmem>>) semaphore(%arg18 : memref<!tpu.dma_semaphore, #tpu.memory_space<semaphore_mem>>)
      } else {
      }
      %mul3A_142 = arith.constant 64 : i32
      %mul3A_143 = arith.muli %add3A_139, %mul3A_142 : i32
      %dma_wait3A_144 = arith.constant 1 : i32
      %dma_wait3A_145 = arith.constant 0 : i32
      %dma_wait3A_146 = arith.constant 0 : i32
      %dma_wait3A_147 = tpu.memref_slice %arg11[%dma_wait3A_144, %dma_wait3A_145, %dma_wait3A_146] : memref<2x64x256xf32, #tpu.memory_space<vmem>> -> memref<1x64x256xf32, #tpu.memory_space<vmem>>
      %dma_wait3A_148 = tpu.memref_squeeze %dma_wait3A_147 : memref<1x64x256xf32, #tpu.memory_space<vmem>> -> memref<64x256xf32, #tpu.memory_space<vmem>>
      %dma_wait3A_149 = tpu.memref_slice %arg8[%mul3A_143] : memref<512xi32, #tpu.memory_space<vmem>> -> memref<64xi32, #tpu.memory_space<vmem>>
      %dma_wait3A_150 = arith.constant 0 : i32
      %dma_wait3A_151 = arith.constant 0 : i32
      %dma_wait3A_152 = tpu.memref_slice %arg2[%dma_wait3A_150, %dma_wait3A_151] : memref<100000x256xf32, #tpu.memory_space<hbm>> -> memref<100000x256xf32, #tpu.memory_space<hbm>>
      tpu.wait_indirect_dma semaphore(%arg19 : memref<!tpu.dma_semaphore, #tpu.memory_space<semaphore_mem>>) src(%dma_wait3A_152 : memref<100000x256xf32, #tpu.memory_space<hbm>>) dst(%dma_wait3A_148 : memref<64x256xf32, #tpu.memory_space<vmem>>)
      %dma_wait3A_153 = arith.constant 1 : i32
      %dma_wait3A_154 = arith.constant 0 : i32
      %dma_wait3A_155 = arith.constant 0 : i32
      %dma_wait3A_156 = tpu.memref_slice %arg12[%dma_wait3A_153, %dma_wait3A_154, %dma_wait3A_155] : memref<2x64x256xf32, #tpu.memory_space<vmem>> -> memref<1x64x256xf32, #tpu.memory_space<vmem>>
      %dma_wait3A_157 = tpu.memref_squeeze %dma_wait3A_156 : memref<1x64x256xf32, #tpu.memory_space<vmem>> -> memref<64x256xf32, #tpu.memory_space<vmem>>
      %dma_wait3A_158 = tpu.memref_slice %arg9[%mul3A_143] : memref<512xi32, #tpu.memory_space<vmem>> -> memref<64xi32, #tpu.memory_space<vmem>>
      %dma_wait3A_159 = arith.constant 0 : i32
      %dma_wait3A_160 = arith.constant 0 : i32
      %dma_wait3A_161 = tpu.memref_slice %arg3[%dma_wait3A_159, %dma_wait3A_160] : memref<1000x256xf32, #tpu.memory_space<hbm>> -> memref<1000x256xf32, #tpu.memory_space<hbm>>
      tpu.wait_indirect_dma semaphore(%arg20 : memref<!tpu.dma_semaphore, #tpu.memory_space<semaphore_mem>>) src(%dma_wait3A_161 : memref<1000x256xf32, #tpu.memory_space<hbm>>) dst(%dma_wait3A_157 : memref<64x256xf32, #tpu.memory_space<vmem>>)
      %dma_wait3A_162 = arith.constant 1 : i32
      %dma_wait3A_163 = arith.constant 0 : i32
      %dma_wait3A_164 = arith.constant 0 : i32
      %dma_wait3A_165 = tpu.memref_slice %arg13[%dma_wait3A_162, %dma_wait3A_163, %dma_wait3A_164] : memref<2x64x256xf32, #tpu.memory_space<vmem>> -> memref<1x64x256xf32, #tpu.memory_space<vmem>>
      %dma_wait3A_166 = tpu.memref_squeeze %dma_wait3A_165 : memref<1x64x256xf32, #tpu.memory_space<vmem>> -> memref<64x256xf32, #tpu.memory_space<vmem>>
      %dma_wait3A_167 = tpu.memref_slice %arg10[%mul3A_143] : memref<512xi32, #tpu.memory_space<vmem>> -> memref<64xi32, #tpu.memory_space<vmem>>
      %dma_wait3A_168 = arith.constant 0 : i32
      %dma_wait3A_169 = arith.constant 0 : i32
      %dma_wait3A_170 = tpu.memref_slice %arg2[%dma_wait3A_168, %dma_wait3A_169] : memref<100000x256xf32, #tpu.memory_space<hbm>> -> memref<100000x256xf32, #tpu.memory_space<hbm>>
      tpu.wait_indirect_dma semaphore(%arg21 : memref<!tpu.dma_semaphore, #tpu.memory_space<semaphore_mem>>) src(%dma_wait3A_170 : memref<100000x256xf32, #tpu.memory_space<hbm>>) dst(%dma_wait3A_166 : memref<64x256xf32, #tpu.memory_space<vmem>>)
      %scan3A_171 = arith.constant 0 : i32
      %scan3A_172 = arith.constant 0 : i32
      %scan3A_173 = arith.constant 32 : i32
      %scan3A_174 = arith.addi %scan3A_172, %scan3A_173 : i32
      %scan3A_175 = arith.constant 1 : i32
      scf.for %scan3A_183 = %scan3A_172 to %scan3A_174 step %scan3A_175  : i32 {
        %shift_right_logical3A = arith.constant 3 : i32
        %shift_right_logical3A_184 = arith.shrui %scan3A_183, %shift_right_logical3A : i32
        %and3A = arith.constant 7 : i32
        %and3A_185 = arith.andi %scan3A_183, %and3A : i32
        %and3A_186 = arith.constant 1 : i32
        %and3A_187 = arith.andi %and3A_185, %and3A_186 : i32
        %shift_left3A = arith.constant 2 : i32
        %shift_left3A_188 = arith.shli %and3A_187, %shift_left3A : i32
        %and3A_189 = arith.constant 2 : i32
        %and3A_190 = arith.andi %and3A_185, %and3A_189 : i32
        %or3A = arith.ori %shift_left3A_188, %and3A_190 : i32
        %shift_right_logical3A_191 = arith.constant 2 : i32
        %shift_right_logical3A_192 = arith.shrui %and3A_185, %shift_right_logical3A_191 : i32
        %and3A_193 = arith.constant 1 : i32
        %and3A_194 = arith.andi %shift_right_logical3A_192, %and3A_193 : i32
        %or3A_195 = arith.ori %or3A, %and3A_194 : i32
        %mul3A_196 = arith.constant 16 : i32
        %mul3A_197 = arith.muli %shift_right_logical3A_184, %mul3A_196 : i32
        %add3A_198 = arith.addi %mul3A_197, %or3A_195 : i32
        %add3A_199 = arith.constant 0 : i32
        %add3A_200 = arith.addi %add3A_198, %add3A_199 : i32
        %broadcast_in_dim3A = arith.constant 0.000000e+00 : f32
        %broadcast_in_dim3A_201 = vector.broadcast %broadcast_in_dim3A : f32 to vector<16xf32>
        %get3A = arith.constant 1 : i32
        %get3A_202 = arith.index_cast %get3A : i32 to index
        %get3A_203 = arith.index_cast %add3A_200 : i32 to index
        %get3A_204 = arith.constant 0 : index
        %get3A_205 = tpu.vector_load %arg11[%get3A_202, %get3A_203, %get3A_204] {strides = array<i32>} : memref<2x64x256xf32, #tpu.memory_space<vmem>>, vector<1x1x16xf32>,
        %get3A_206 = vector.shape_cast %get3A_205 : vector<1x1x16xf32> to vector<16xf32>
        %get3A_207 = arith.constant 1 : i32
        %get3A_208 = arith.index_cast %get3A_207 : i32 to index
        %get3A_209 = arith.index_cast %add3A_200 : i32 to index
        %get3A_210 = arith.constant 128 : index
        %get3A_211 = tpu.vector_load %arg11[%get3A_208, %get3A_209, %get3A_210] {strides = array<i32>} : memref<2x64x256xf32, #tpu.memory_space<vmem>>, vector<1x1x16xf32>,
        %get3A_212 = vector.shape_cast %get3A_211 : vector<1x1x16xf32> to vector<16xf32>
        %get3A_213 = arith.constant 1 : i32
        %get3A_214 = arith.index_cast %get3A_213 : i32 to index
        %get3A_215 = arith.index_cast %add3A_200 : i32 to index
        %get3A_216 = arith.constant 0 : index
        %get3A_217 = tpu.vector_load %arg13[%get3A_214, %get3A_215, %get3A_216] {strides = array<i32>} : memref<2x64x256xf32, #tpu.memory_space<vmem>>, vector<1x1x16xf32>,
        %get3A_218 = vector.shape_cast %get3A_217 : vector<1x1x16xf32> to vector<16xf32>
        %get3A_219 = arith.constant 1 : i32
        %get3A_220 = arith.index_cast %get3A_219 : i32 to index
        %get3A_221 = arith.index_cast %add3A_200 : i32 to index
        %get3A_222 = arith.constant 128 : index
        %get3A_223 = tpu.vector_load %arg13[%get3A_220, %get3A_221, %get3A_222] {strides = array<i32>} : memref<2x64x256xf32, #tpu.memory_space<vmem>>, vector<1x1x16xf32>,
        %get3A_224 = vector.shape_cast %get3A_223 : vector<1x1x16xf32> to vector<16xf32>
        %mul3A_225 = arith.mulf %get3A_206, %get3A_218 : vector<16xf32>
        %mul3A_226 = arith.mulf %get3A_212, %get3A_224 : vector<16xf32>
        %add3A_227 = arith.addf %mul3A_225, %mul3A_226 : vector<16xf32>
        %mul3A_228 = arith.mulf %get3A_206, %get3A_224 : vector<16xf32>
        %mul3A_229 = arith.mulf %get3A_212, %get3A_218 : vector<16xf32>
        %sub3A = arith.subf %mul3A_228, %mul3A_229 : vector<16xf32>
        %get3A_230 = arith.constant 1 : i32
        %get3A_231 = arith.index_cast %get3A_230 : i32 to index
        %get3A_232 = arith.index_cast %add3A_200 : i32 to index
        %get3A_233 = arith.constant 0 : index
        %get3A_234 = tpu.vector_load %arg12[%get3A_231, %get3A_232, %get3A_233] {strides = array<i32>} : memref<2x64x256xf32, #tpu.memory_space<vmem>>, vector<1x1x16xf32>,
        %get3A_235 = vector.shape_cast %get3A_234 : vector<1x1x16xf32> to vector<16xf32>
        %get3A_236 = arith.constant 1 : i32
        %get3A_237 = arith.index_cast %get3A_236 : i32 to index
        %get3A_238 = arith.index_cast %add3A_200 : i32 to index
        %get3A_239 = arith.constant 128 : index
        %get3A_240 = tpu.vector_load %arg12[%get3A_237, %get3A_238, %get3A_239] {strides = array<i32>} : memref<2x64x256xf32, #tpu.memory_space<vmem>>, vector<1x1x16xf32>,
        %get3A_241 = vector.shape_cast %get3A_240 : vector<1x1x16xf32> to vector<16xf32>
        %mul3A_242 = arith.mulf %get3A_235, %add3A_227 : vector<16xf32>
        %mul3A_243 = arith.mulf %get3A_241, %sub3A : vector<16xf32>
        %add3A_244 = arith.addf %mul3A_242, %mul3A_243 : vector<16xf32>
        %add3A_245 = arith.addf %broadcast_in_dim3A_201, %add3A_244 : vector<16xf32>
        %get3A_246 = arith.constant 1 : i32
        %get3A_247 = arith.index_cast %get3A_246 : i32 to index
        %get3A_248 = arith.index_cast %add3A_200 : i32 to index
        %get3A_249 = arith.constant 16 : index
        %get3A_250 = tpu.vector_load %arg11[%get3A_247, %get3A_248, %get3A_249] {strides = array<i32>} : memref<2x64x256xf32, #tpu.memory_space<vmem>>, vector<1x1x16xf32>,
        %get3A_251 = vector.shape_cast %get3A_250 : vector<1x1x16xf32> to vector<16xf32>
        %get3A_252 = arith.constant 1 : i32
        %get3A_253 = arith.index_cast %get3A_252 : i32 to index
        %get3A_254 = arith.index_cast %add3A_200 : i32 to index
        %get3A_255 = arith.constant 144 : index
        %get3A_256 = tpu.vector_load %arg11[%get3A_253, %get3A_254, %get3A_255] {strides = array<i32>} : memref<2x64x256xf32, #tpu.memory_space<vmem>>, vector<1x1x16xf32>,
        %get3A_257 = vector.shape_cast %get3A_256 : vector<1x1x16xf32> to vector<16xf32>
        %get3A_258 = arith.constant 1 : i32
        %get3A_259 = arith.index_cast %get3A_258 : i32 to index
        %get3A_260 = arith.index_cast %add3A_200 : i32 to index
        %get3A_261 = arith.constant 16 : index
        %get3A_262 = tpu.vector_load %arg13[%get3A_259, %get3A_260, %get3A_261] {strides = array<i32>} : memref<2x64x256xf32, #tpu.memory_space<vmem>>, vector<1x1x16xf32>,
        %get3A_263 = vector.shape_cast %get3A_262 : vector<1x1x16xf32> to vector<16xf32>
        %get3A_264 = arith.constant 1 : i32
        %get3A_265 = arith.index_cast %get3A_264 : i32 to index
        %get3A_266 = arith.index_cast %add3A_200 : i32 to index
        %get3A_267 = arith.constant 144 : index
        %get3A_268 = tpu.vector_load %arg13[%get3A_265, %get3A_266, %get3A_267] {strides = array<i32>} : memref<2x64x256xf32, #tpu.memory_space<vmem>>, vector<1x1x16xf32>,
        %get3A_269 = vector.shape_cast %get3A_268 : vector<1x1x16xf32> to vector<16xf32>
        %mul3A_270 = arith.mulf %get3A_251, %get3A_263 : vector<16xf32>
        %mul3A_271 = arith.mulf %get3A_257, %get3A_269 : vector<16xf32>
        %add3A_272 = arith.addf %mul3A_270, %mul3A_271 : vector<16xf32>
        %mul3A_273 = arith.mulf %get3A_251, %get3A_269 : vector<16xf32>
        %mul3A_274 = arith.mulf %get3A_257, %get3A_263 : vector<16xf32>
        %sub3A_275 = arith.subf %mul3A_273, %mul3A_274 : vector<16xf32>
        %get3A_276 = arith.constant 1 : i32
        %get3A_277 = arith.index_cast %get3A_276 : i32 to index
        %get3A_278 = arith.index_cast %add3A_200 : i32 to index
        %get3A_279 = arith.constant 16 : index
        %get3A_280 = tpu.vector_load %arg12[%get3A_277, %get3A_278, %get3A_279] {strides = array<i32>} : memref<2x64x256xf32, #tpu.memory_space<vmem>>, vector<1x1x16xf32>,
        %get3A_281 = vector.shape_cast %get3A_280 : vector<1x1x16xf32> to vector<16xf32>
        %get3A_282 = arith.constant 1 : i32
        %get3A_283 = arith.index_cast %get3A_282 : i32 to index
        %get3A_284 = arith.index_cast %add3A_200 : i32 to index
        %get3A_285 = arith.constant 144 : index
        %get3A_286 = tpu.vector_load %arg12[%get3A_283, %get3A_284, %get3A_285] {strides = array<i32>} : memref<2x64x256xf32, #tpu.memory_space<vmem>>, vector<1x1x16xf32>,
        %get3A_287 = vector.shape_cast %get3A_286 : vector<1x1x16xf32> to vector<16xf32>
        %mul3A_288 = arith.mulf %get3A_281, %add3A_272 : vector<16xf32>
        %mul3A_289 = arith.mulf %get3A_287, %sub3A_275 : vector<16xf32>
        %add3A_290 = arith.addf %mul3A_288, %mul3A_289 : vector<16xf32>
        %add3A_291 = arith.addf %add3A_245, %add3A_290 : vector<16xf32>
        %get3A_292 = arith.constant 1 : i32
        %get3A_293 = arith.index_cast %get3A_292 : i32 to index
        %get3A_294 = arith.index_cast %add3A_200 : i32 to index
        %get3A_295 = arith.constant 32 : index
        %get3A_296 = tpu.vector_load %arg11[%get3A_293, %get3A_294, %get3A_295] {strides = array<i32>} : memref<2x64x256xf32, #tpu.memory_space<vmem>>, vector<1x1x16xf32>,
        %get3A_297 = vector.shape_cast %get3A_296 : vector<1x1x16xf32> to vector<16xf32>
        %get3A_298 = arith.constant 1 : i32
        %get3A_299 = arith.index_cast %get3A_298 : i32 to index
        %get3A_300 = arith.index_cast %add3A_200 : i32 to index
        %get3A_301 = arith.constant 160 : index
        %get3A_302 = tpu.vector_load %arg11[%get3A_299, %get3A_300, %get3A_301] {strides = array<i32>} : memref<2x64x256xf32, #tpu.memory_space<vmem>>, vector<1x1x16xf32>,
        %get3A_303 = vector.shape_cast %get3A_302 : vector<1x1x16xf32> to vector<16xf32>
        %get3A_304 = arith.constant 1 : i32
        %get3A_305 = arith.index_cast %get3A_304 : i32 to index
        %get3A_306 = arith.index_cast %add3A_200 : i32 to index
        %get3A_307 = arith.constant 32 : index
        %get3A_308 = tpu.vector_load %arg13[%get3A_305, %get3A_306, %get3A_307] {strides = array<i32>} : memref<2x64x256xf32, #tpu.memory_space<vmem>>, vector<1x1x16xf32>,
        %get3A_309 = vector.shape_cast %get3A_308 : vector<1x1x16xf32> to vector<16xf32>
        %get3A_310 = arith.constant 1 : i32
        %get3A_311 = arith.index_cast %get3A_310 : i32 to index
        %get3A_312 = arith.index_cast %add3A_200 : i32 to index
        %get3A_313 = arith.constant 160 : index
        %get3A_314 = tpu.vector_load %arg13[%get3A_311, %get3A_312, %get3A_313] {strides = array<i32>} : memref<2x64x256xf32, #tpu.memory_space<vmem>>, vector<1x1x16xf32>,
        %get3A_315 = vector.shape_cast %get3A_314 : vector<1x1x16xf32> to vector<16xf32>
        %mul3A_316 = arith.mulf %get3A_297, %get3A_309 : vector<16xf32>
        %mul3A_317 = arith.mulf %get3A_303, %get3A_315 : vector<16xf32>
        %add3A_318 = arith.addf %mul3A_316, %mul3A_317 : vector<16xf32>
        %mul3A_319 = arith.mulf %get3A_297, %get3A_315 : vector<16xf32>
        %mul3A_320 = arith.mulf %get3A_303, %get3A_309 : vector<16xf32>
        %sub3A_321 = arith.subf %mul3A_319, %mul3A_320 : vector<16xf32>
        %get3A_322 = arith.constant 1 : i32
        %get3A_323 = arith.index_cast %get3A_322 : i32 to index
        %get3A_324 = arith.index_cast %add3A_200 : i32 to index
        %get3A_325 = arith.constant 32 : index
        %get3A_326 = tpu.vector_load %arg12[%get3A_323, %get3A_324, %get3A_325] {strides = array<i32>} : memref<2x64x256xf32, #tpu.memory_space<vmem>>, vector<1x1x16xf32>,
        %get3A_327 = vector.shape_cast %get3A_326 : vector<1x1x16xf32> to vector<16xf32>
        %get3A_328 = arith.constant 1 : i32
        %get3A_329 = arith.index_cast %get3A_328 : i32 to index
        %get3A_330 = arith.index_cast %add3A_200 : i32 to index
        %get3A_331 = arith.constant 160 : index
        %get3A_332 = tpu.vector_load %arg12[%get3A_329, %get3A_330, %get3A_331] {strides = array<i32>} : memref<2x64x256xf32, #tpu.memory_space<vmem>>, vector<1x1x16xf32>,
        %get3A_333 = vector.shape_cast %get3A_332 : vector<1x1x16xf32> to vector<16xf32>
        %mul3A_334 = arith.mulf %get3A_327, %add3A_318 : vector<16xf32>
        %mul3A_335 = arith.mulf %get3A_333, %sub3A_321 : vector<16xf32>
        %add3A_336 = arith.addf %mul3A_334, %mul3A_335 : vector<16xf32>
        %add3A_337 = arith.addf %add3A_291, %add3A_336 : vector<16xf32>
        %get3A_338 = arith.constant 1 : i32
        %get3A_339 = arith.index_cast %get3A_338 : i32 to index
        %get3A_340 = arith.index_cast %add3A_200 : i32 to index
        %get3A_341 = arith.constant 48 : index
        %get3A_342 = tpu.vector_load %arg11[%get3A_339, %get3A_340, %get3A_341] {strides = array<i32>} : memref<2x64x256xf32, #tpu.memory_space<vmem>>, vector<1x1x16xf32>,
        %get3A_343 = vector.shape_cast %get3A_342 : vector<1x1x16xf32> to vector<16xf32>
        %get3A_344 = arith.constant 1 : i32
        %get3A_345 = arith.index_cast %get3A_344 : i32 to index
        %get3A_346 = arith.index_cast %add3A_200 : i32 to index
        %get3A_347 = arith.constant 176 : index
        %get3A_348 = tpu.vector_load %arg11[%get3A_345, %get3A_346, %get3A_347] {strides = array<i32>} : memref<2x64x256xf32, #tpu.memory_space<vmem>>, vector<1x1x16xf32>,
        %get3A_349 = vector.shape_cast %get3A_348 : vector<1x1x16xf32> to vector<16xf32>
        %get3A_350 = arith.constant 1 : i32
        %get3A_351 = arith.index_cast %get3A_350 : i32 to index
        %get3A_352 = arith.index_cast %add3A_200 : i32 to index
        %get3A_353 = arith.constant 48 : index
        %get3A_354 = tpu.vector_load %arg13[%get3A_351, %get3A_352, %get3A_353] {strides = array<i32>} : memref<2x64x256xf32, #tpu.memory_space<vmem>>, vector<1x1x16xf32>,
        %get3A_355 = vector.shape_cast %get3A_354 : vector<1x1x16xf32> to vector<16xf32>
        %get3A_356 = arith.constant 1 : i32
        %get3A_357 = arith.index_cast %get3A_356 : i32 to index
        %get3A_358 = arith.index_cast %add3A_200 : i32 to index
        %get3A_359 = arith.constant 176 : index
        %get3A_360 = tpu.vector_load %arg13[%get3A_357, %get3A_358, %get3A_359] {strides = array<i32>} : memref<2x64x256xf32, #tpu.memory_space<vmem>>, vector<1x1x16xf32>,
        %get3A_361 = vector.shape_cast %get3A_360 : vector<1x1x16xf32> to vector<16xf32>
        %mul3A_362 = arith.mulf %get3A_343, %get3A_355 : vector<16xf32>
        %mul3A_363 = arith.mulf %get3A_349, %get3A_361 : vector<16xf32>
        %add3A_364 = arith.addf %mul3A_362, %mul3A_363 : vector<16xf32>
        %mul3A_365 = arith.mulf %get3A_343, %get3A_361 : vector<16xf32>
        %mul3A_366 = arith.mulf %get3A_349, %get3A_355 : vector<16xf32>
        %sub3A_367 = arith.subf %mul3A_365, %mul3A_366 : vector<16xf32>
        %get3A_368 = arith.constant 1 : i32
        %get3A_369 = arith.index_cast %get3A_368 : i32 to index
        %get3A_370 = arith.index_cast %add3A_200 : i32 to index
        %get3A_371 = arith.constant 48 : index
        %get3A_372 = tpu.vector_load %arg12[%get3A_369, %get3A_370, %get3A_371] {strides = array<i32>} : memref<2x64x256xf32, #tpu.memory_space<vmem>>, vector<1x1x16xf32>,
        %get3A_373 = vector.shape_cast %get3A_372 : vector<1x1x16xf32> to vector<16xf32>
        %get3A_374 = arith.constant 1 : i32
        %get3A_375 = arith.index_cast %get3A_374 : i32 to index
        %get3A_376 = arith.index_cast %add3A_200 : i32 to index
        %get3A_377 = arith.constant 176 : index
        %get3A_378 = tpu.vector_load %arg12[%get3A_375, %get3A_376, %get3A_377] {strides = array<i32>} : memref<2x64x256xf32, #tpu.memory_space<vmem>>, vector<1x1x16xf32>,
        %get3A_379 = vector.shape_cast %get3A_378 : vector<1x1x16xf32> to vector<16xf32>
        %mul3A_380 = arith.mulf %get3A_373, %add3A_364 : vector<16xf32>
        %mul3A_381 = arith.mulf %get3A_379, %sub3A_367 : vector<16xf32>
        %add3A_382 = arith.addf %mul3A_380, %mul3A_381 : vector<16xf32>
        %add3A_383 = arith.addf %add3A_337, %add3A_382 : vector<16xf32>
        %get3A_384 = arith.constant 1 : i32
        %get3A_385 = arith.index_cast %get3A_384 : i32 to index
        %get3A_386 = arith.index_cast %add3A_200 : i32 to index
        %get3A_387 = arith.constant 64 : index
        %get3A_388 = tpu.vector_load %arg11[%get3A_385, %get3A_386, %get3A_387] {strides = array<i32>} : memref<2x64x256xf32, #tpu.memory_space<vmem>>, vector<1x1x16xf32>,
        %get3A_389 = vector.shape_cast %get3A_388 : vector<1x1x16xf32> to vector<16xf32>
        %get3A_390 = arith.constant 1 : i32
        %get3A_391 = arith.index_cast %get3A_390 : i32 to index
        %get3A_392 = arith.index_cast %add3A_200 : i32 to index
        %get3A_393 = arith.constant 192 : index
        %get3A_394 = tpu.vector_load %arg11[%get3A_391, %get3A_392, %get3A_393] {strides = array<i32>} : memref<2x64x256xf32, #tpu.memory_space<vmem>>, vector<1x1x16xf32>,
        %get3A_395 = vector.shape_cast %get3A_394 : vector<1x1x16xf32> to vector<16xf32>
        %get3A_396 = arith.constant 1 : i32
        %get3A_397 = arith.index_cast %get3A_396 : i32 to index
        %get3A_398 = arith.index_cast %add3A_200 : i32 to index
        %get3A_399 = arith.constant 64 : index
        %get3A_400 = tpu.vector_load %arg13[%get3A_397, %get3A_398, %get3A_399] {strides = array<i32>} : memref<2x64x256xf32, #tpu.memory_space<vmem>>, vector<1x1x16xf32>,
        %get3A_401 = vector.shape_cast %get3A_400 : vector<1x1x16xf32> to vector<16xf32>
        %get3A_402 = arith.constant 1 : i32
        %get3A_403 = arith.index_cast %get3A_402 : i32 to index
        %get3A_404 = arith.index_cast %add3A_200 : i32 to index
        %get3A_405 = arith.constant 192 : index
        %get3A_406 = tpu.vector_load %arg13[%get3A_403, %get3A_404, %get3A_405] {strides = array<i32>} : memref<2x64x256xf32, #tpu.memory_space<vmem>>, vector<1x1x16xf32>,
        %get3A_407 = vector.shape_cast %get3A_406 : vector<1x1x16xf32> to vector<16xf32>
        %mul3A_408 = arith.mulf %get3A_389, %get3A_401 : vector<16xf32>
        %mul3A_409 = arith.mulf %get3A_395, %get3A_407 : vector<16xf32>
        %add3A_410 = arith.addf %mul3A_408, %mul3A_409 : vector<16xf32>
        %mul3A_411 = arith.mulf %get3A_389, %get3A_407 : vector<16xf32>
        %mul3A_412 = arith.mulf %get3A_395, %get3A_401 : vector<16xf32>
        %sub3A_413 = arith.subf %mul3A_411, %mul3A_412 : vector<16xf32>
        %get3A_414 = arith.constant 1 : i32
        %get3A_415 = arith.index_cast %get3A_414 : i32 to index
        %get3A_416 = arith.index_cast %add3A_200 : i32 to index
        %get3A_417 = arith.constant 64 : index
        %get3A_418 = tpu.vector_load %arg12[%get3A_415, %get3A_416, %get3A_417] {strides = array<i32>} : memref<2x64x256xf32, #tpu.memory_space<vmem>>, vector<1x1x16xf32>,
        %get3A_419 = vector.shape_cast %get3A_418 : vector<1x1x16xf32> to vector<16xf32>
        %get3A_420 = arith.constant 1 : i32
        %get3A_421 = arith.index_cast %get3A_420 : i32 to index
        %get3A_422 = arith.index_cast %add3A_200 : i32 to index
        %get3A_423 = arith.constant 192 : index
        %get3A_424 = tpu.vector_load %arg12[%get3A_421, %get3A_422, %get3A_423] {strides = array<i32>} : memref<2x64x256xf32, #tpu.memory_space<vmem>>, vector<1x1x16xf32>,
        %get3A_425 = vector.shape_cast %get3A_424 : vector<1x1x16xf32> to vector<16xf32>
        %mul3A_426 = arith.mulf %get3A_419, %add3A_410 : vector<16xf32>
        %mul3A_427 = arith.mulf %get3A_425, %sub3A_413 : vector<16xf32>
        %add3A_428 = arith.addf %mul3A_426, %mul3A_427 : vector<16xf32>
        %add3A_429 = arith.addf %add3A_383, %add3A_428 : vector<16xf32>
        %get3A_430 = arith.constant 1 : i32
        %get3A_431 = arith.index_cast %get3A_430 : i32 to index
        %get3A_432 = arith.index_cast %add3A_200 : i32 to index
        %get3A_433 = arith.constant 80 : index
        %get3A_434 = tpu.vector_load %arg11[%get3A_431, %get3A_432, %get3A_433] {strides = array<i32>} : memref<2x64x256xf32, #tpu.memory_space<vmem>>, vector<1x1x16xf32>,
        %get3A_435 = vector.shape_cast %get3A_434 : vector<1x1x16xf32> to vector<16xf32>
        %get3A_436 = arith.constant 1 : i32
        %get3A_437 = arith.index_cast %get3A_436 : i32 to index
        %get3A_438 = arith.index_cast %add3A_200 : i32 to index
        %get3A_439 = arith.constant 208 : index
        %get3A_440 = tpu.vector_load %arg11[%get3A_437, %get3A_438, %get3A_439] {strides = array<i32>} : memref<2x64x256xf32, #tpu.memory_space<vmem>>, vector<1x1x16xf32>,
        %get3A_441 = vector.shape_cast %get3A_440 : vector<1x1x16xf32> to vector<16xf32>
        %get3A_442 = arith.constant 1 : i32
        %get3A_443 = arith.index_cast %get3A_442 : i32 to index
        %get3A_444 = arith.index_cast %add3A_200 : i32 to index
        %get3A_445 = arith.constant 80 : index
        %get3A_446 = tpu.vector_load %arg13[%get3A_443, %get3A_444, %get3A_445] {strides = array<i32>} : memref<2x64x256xf32, #tpu.memory_space<vmem>>, vector<1x1x16xf32>,
        %get3A_447 = vector.shape_cast %get3A_446 : vector<1x1x16xf32> to vector<16xf32>
        %get3A_448 = arith.constant 1 : i32
        %get3A_449 = arith.index_cast %get3A_448 : i32 to index
        %get3A_450 = arith.index_cast %add3A_200 : i32 to index
        %get3A_451 = arith.constant 208 : index
        %get3A_452 = tpu.vector_load %arg13[%get3A_449, %get3A_450, %get3A_451] {strides = array<i32>} : memref<2x64x256xf32, #tpu.memory_space<vmem>>, vector<1x1x16xf32>,
        %get3A_453 = vector.shape_cast %get3A_452 : vector<1x1x16xf32> to vector<16xf32>
        %mul3A_454 = arith.mulf %get3A_435, %get3A_447 : vector<16xf32>
        %mul3A_455 = arith.mulf %get3A_441, %get3A_453 : vector<16xf32>
        %add3A_456 = arith.addf %mul3A_454, %mul3A_455 : vector<16xf32>
        %mul3A_457 = arith.mulf %get3A_435, %get3A_453 : vector<16xf32>
        %mul3A_458 = arith.mulf %get3A_441, %get3A_447 : vector<16xf32>
        %sub3A_459 = arith.subf %mul3A_457, %mul3A_458 : vector<16xf32>
        %get3A_460 = arith.constant 1 : i32
        %get3A_461 = arith.index_cast %get3A_460 : i32 to index
        %get3A_462 = arith.index_cast %add3A_200 : i32 to index
        %get3A_463 = arith.constant 80 : index
        %get3A_464 = tpu.vector_load %arg12[%get3A_461, %get3A_462, %get3A_463] {strides = array<i32>} : memref<2x64x256xf32, #tpu.memory_space<vmem>>, vector<1x1x16xf32>,
        %get3A_465 = vector.shape_cast %get3A_464 : vector<1x1x16xf32> to vector<16xf32>
        %get3A_466 = arith.constant 1 : i32
        %get3A_467 = arith.index_cast %get3A_466 : i32 to index
        %get3A_468 = arith.index_cast %add3A_200 : i32 to index
        %get3A_469 = arith.constant 208 : index
        %get3A_470 = tpu.vector_load %arg12[%get3A_467, %get3A_468, %get3A_469] {strides = array<i32>} : memref<2x64x256xf32, #tpu.memory_space<vmem>>, vector<1x1x16xf32>,
        %get3A_471 = vector.shape_cast %get3A_470 : vector<1x1x16xf32> to vector<16xf32>
        %mul3A_472 = arith.mulf %get3A_465, %add3A_456 : vector<16xf32>
        %mul3A_473 = arith.mulf %get3A_471, %sub3A_459 : vector<16xf32>
        %add3A_474 = arith.addf %mul3A_472, %mul3A_473 : vector<16xf32>
        %add3A_475 = arith.addf %add3A_429, %add3A_474 : vector<16xf32>
        %get3A_476 = arith.constant 1 : i32
        %get3A_477 = arith.index_cast %get3A_476 : i32 to index
        %get3A_478 = arith.index_cast %add3A_200 : i32 to index
        %get3A_479 = arith.constant 96 : index
        %get3A_480 = tpu.vector_load %arg11[%get3A_477, %get3A_478, %get3A_479] {strides = array<i32>} : memref<2x64x256xf32, #tpu.memory_space<vmem>>, vector<1x1x16xf32>,
        %get3A_481 = vector.shape_cast %get3A_480 : vector<1x1x16xf32> to vector<16xf32>
        %get3A_482 = arith.constant 1 : i32
        %get3A_483 = arith.index_cast %get3A_482 : i32 to index
        %get3A_484 = arith.index_cast %add3A_200 : i32 to index
        %get3A_485 = arith.constant 224 : index
        %get3A_486 = tpu.vector_load %arg11[%get3A_483, %get3A_484, %get3A_485] {strides = array<i32>} : memref<2x64x256xf32, #tpu.memory_space<vmem>>, vector<1x1x16xf32>,
        %get3A_487 = vector.shape_cast %get3A_486 : vector<1x1x16xf32> to vector<16xf32>
        %get3A_488 = arith.constant 1 : i32
        %get3A_489 = arith.index_cast %get3A_488 : i32 to index
        %get3A_490 = arith.index_cast %add3A_200 : i32 to index
        %get3A_491 = arith.constant 96 : index
        %get3A_492 = tpu.vector_load %arg13[%get3A_489, %get3A_490, %get3A_491] {strides = array<i32>} : memref<2x64x256xf32, #tpu.memory_space<vmem>>, vector<1x1x16xf32>,
        %get3A_493 = vector.shape_cast %get3A_492 : vector<1x1x16xf32> to vector<16xf32>
        %get3A_494 = arith.constant 1 : i32
        %get3A_495 = arith.index_cast %get3A_494 : i32 to index
        %get3A_496 = arith.index_cast %add3A_200 : i32 to index
        %get3A_497 = arith.constant 224 : index
        %get3A_498 = tpu.vector_load %arg13[%get3A_495, %get3A_496, %get3A_497] {strides = array<i32>} : memref<2x64x256xf32, #tpu.memory_space<vmem>>, vector<1x1x16xf32>,
        %get3A_499 = vector.shape_cast %get3A_498 : vector<1x1x16xf32> to vector<16xf32>
        %mul3A_500 = arith.mulf %get3A_481, %get3A_493 : vector<16xf32>
        %mul3A_501 = arith.mulf %get3A_487, %get3A_499 : vector<16xf32>
        %add3A_502 = arith.addf %mul3A_500, %mul3A_501 : vector<16xf32>
        %mul3A_503 = arith.mulf %get3A_481, %get3A_499 : vector<16xf32>
        %mul3A_504 = arith.mulf %get3A_487, %get3A_493 : vector<16xf32>
        %sub3A_505 = arith.subf %mul3A_503, %mul3A_504 : vector<16xf32>
        %get3A_506 = arith.constant 1 : i32
        %get3A_507 = arith.index_cast %get3A_506 : i32 to index
        %get3A_508 = arith.index_cast %add3A_200 : i32 to index
        %get3A_509 = arith.constant 96 : index
        %get3A_510 = tpu.vector_load %arg12[%get3A_507, %get3A_508, %get3A_509] {strides = array<i32>} : memref<2x64x256xf32, #tpu.memory_space<vmem>>, vector<1x1x16xf32>,
        %get3A_511 = vector.shape_cast %get3A_510 : vector<1x1x16xf32> to vector<16xf32>
        %get3A_512 = arith.constant 1 : i32
        %get3A_513 = arith.index_cast %get3A_512 : i32 to index
        %get3A_514 = arith.index_cast %add3A_200 : i32 to index
        %get3A_515 = arith.constant 224 : index
        %get3A_516 = tpu.vector_load %arg12[%get3A_513, %get3A_514, %get3A_515] {strides = array<i32>} : memref<2x64x256xf32, #tpu.memory_space<vmem>>, vector<1x1x16xf32>,
        %get3A_517 = vector.shape_cast %get3A_516 : vector<1x1x16xf32> to vector<16xf32>
        %mul3A_518 = arith.mulf %get3A_511, %add3A_502 : vector<16xf32>
        %mul3A_519 = arith.mulf %get3A_517, %sub3A_505 : vector<16xf32>
        %add3A_520 = arith.addf %mul3A_518, %mul3A_519 : vector<16xf32>
        %add3A_521 = arith.addf %add3A_475, %add3A_520 : vector<16xf32>
        %get3A_522 = arith.constant 1 : i32
        %get3A_523 = arith.index_cast %get3A_522 : i32 to index
        %get3A_524 = arith.index_cast %add3A_200 : i32 to index
        %get3A_525 = arith.constant 112 : index
        %get3A_526 = tpu.vector_load %arg11[%get3A_523, %get3A_524, %get3A_525] {strides = array<i32>} : memref<2x64x256xf32, #tpu.memory_space<vmem>>, vector<1x1x16xf32>,
        %get3A_527 = vector.shape_cast %get3A_526 : vector<1x1x16xf32> to vector<16xf32>
        %get3A_528 = arith.constant 1 : i32
        %get3A_529 = arith.index_cast %get3A_528 : i32 to index
        %get3A_530 = arith.index_cast %add3A_200 : i32 to index
        %get3A_531 = arith.constant 240 : index
        %get3A_532 = tpu.vector_load %arg11[%get3A_529, %get3A_530, %get3A_531] {strides = array<i32>} : memref<2x64x256xf32, #tpu.memory_space<vmem>>, vector<1x1x16xf32>,
        %get3A_533 = vector.shape_cast %get3A_532 : vector<1x1x16xf32> to vector<16xf32>
        %get3A_534 = arith.constant 1 : i32
        %get3A_535 = arith.index_cast %get3A_534 : i32 to index
        %get3A_536 = arith.index_cast %add3A_200 : i32 to index
        %get3A_537 = arith.constant 112 : index
        %get3A_538 = tpu.vector_load %arg13[%get3A_535, %get3A_536, %get3A_537] {strides = array<i32>} : memref<2x64x256xf32, #tpu.memory_space<vmem>>, vector<1x1x16xf32>,
        %get3A_539 = vector.shape_cast %get3A_538 : vector<1x1x16xf32> to vector<16xf32>
        %get3A_540 = arith.constant 1 : i32
        %get3A_541 = arith.index_cast %get3A_540 : i32 to index
        %get3A_542 = arith.index_cast %add3A_200 : i32 to index
        %get3A_543 = arith.constant 240 : index
        %get3A_544 = tpu.vector_load %arg13[%get3A_541, %get3A_542, %get3A_543] {strides = array<i32>} : memref<2x64x256xf32, #tpu.memory_space<vmem>>, vector<1x1x16xf32>,
        %get3A_545 = vector.shape_cast %get3A_544 : vector<1x1x16xf32> to vector<16xf32>
        %mul3A_546 = arith.mulf %get3A_527, %get3A_539 : vector<16xf32>
        %mul3A_547 = arith.mulf %get3A_533, %get3A_545 : vector<16xf32>
        %add3A_548 = arith.addf %mul3A_546, %mul3A_547 : vector<16xf32>
        %mul3A_549 = arith.mulf %get3A_527, %get3A_545 : vector<16xf32>
        %mul3A_550 = arith.mulf %get3A_533, %get3A_539 : vector<16xf32>
        %sub3A_551 = arith.subf %mul3A_549, %mul3A_550 : vector<16xf32>
        %get3A_552 = arith.constant 1 : i32
        %get3A_553 = arith.index_cast %get3A_552 : i32 to index
        %get3A_554 = arith.index_cast %add3A_200 : i32 to index
        %get3A_555 = arith.constant 112 : index
        %get3A_556 = tpu.vector_load %arg12[%get3A_553, %get3A_554, %get3A_555] {strides = array<i32>} : memref<2x64x256xf32, #tpu.memory_space<vmem>>, vector<1x1x16xf32>,
        %get3A_557 = vector.shape_cast %get3A_556 : vector<1x1x16xf32> to vector<16xf32>
        %get3A_558 = arith.constant 1 : i32
        %get3A_559 = arith.index_cast %get3A_558 : i32 to index
        %get3A_560 = arith.index_cast %add3A_200 : i32 to index
        %get3A_561 = arith.constant 240 : index
        %get3A_562 = tpu.vector_load %arg12[%get3A_559, %get3A_560, %get3A_561] {strides = array<i32>} : memref<2x64x256xf32, #tpu.memory_space<vmem>>, vector<1x1x16xf32>,
        %get3A_563 = vector.shape_cast %get3A_562 : vector<1x1x16xf32> to vector<16xf32>
        %mul3A_564 = arith.mulf %get3A_557, %add3A_548 : vector<16xf32>
        %mul3A_565 = arith.mulf %get3A_563, %sub3A_551 : vector<16xf32>
        %add3A_566 = arith.addf %mul3A_564, %mul3A_565 : vector<16xf32>
        %add3A_567 = arith.addf %add3A_521, %add3A_566 : vector<16xf32>
        %add3A_568 = arith.constant 8 : i32
        %add3A_569 = arith.addi %add3A_198, %add3A_568 : i32
        %broadcast_in_dim3A_570 = arith.constant 0.000000e+00 : f32
        %broadcast_in_dim3A_571 = vector.broadcast %broadcast_in_dim3A_570 : f32 to vector<16xf32>
        %get3A_572 = arith.constant 1 : i32
        %get3A_573 = arith.index_cast %get3A_572 : i32 to index
        %get3A_574 = arith.index_cast %add3A_569 : i32 to index
        %get3A_575 = arith.constant 0 : index
        %get3A_576 = tpu.vector_load %arg11[%get3A_573, %get3A_574, %get3A_575] {strides = array<i32>} : memref<2x64x256xf32, #tpu.memory_space<vmem>>, vector<1x1x16xf32>,
        %get3A_577 = vector.shape_cast %get3A_576 : vector<1x1x16xf32> to vector<16xf32>
        %get3A_578 = arith.constant 1 : i32
        %get3A_579 = arith.index_cast %get3A_578 : i32 to index
        %get3A_580 = arith.index_cast %add3A_569 : i32 to index
        %get3A_581 = arith.constant 128 : index
        %get3A_582 = tpu.vector_load %arg11[%get3A_579, %get3A_580, %get3A_581] {strides = array<i32>} : memref<2x64x256xf32, #tpu.memory_space<vmem>>, vector<1x1x16xf32>,
        %get3A_583 = vector.shape_cast %get3A_582 : vector<1x1x16xf32> to vector<16xf32>
        %get3A_584 = arith.constant 1 : i32
        %get3A_585 = arith.index_cast %get3A_584 : i32 to index
        %get3A_586 = arith.index_cast %add3A_569 : i32 to index
        %get3A_587 = arith.constant 0 : index
        %get3A_588 = tpu.vector_load %arg13[%get3A_585, %get3A_586, %get3A_587] {strides = array<i32>} : memref<2x64x256xf32, #tpu.memory_space<vmem>>, vector<1x1x16xf32>,
        %get3A_589 = vector.shape_cast %get3A_588 : vector<1x1x16xf32> to vector<16xf32>
        %get3A_590 = arith.constant 1 : i32
        %get3A_591 = arith.index_cast %get3A_590 : i32 to index
        %get3A_592 = arith.index_cast %add3A_569 : i32 to index
        %get3A_593 = arith.constant 128 : index
        %get3A_594 = tpu.vector_load %arg13[%get3A_591, %get3A_592, %get3A_593] {strides = array<i32>} : memref<2x64x256xf32, #tpu.memory_space<vmem>>, vector<1x1x16xf32>,
        %get3A_595 = vector.shape_cast %get3A_594 : vector<1x1x16xf32> to vector<16xf32>
        %mul3A_596 = arith.mulf %get3A_577, %get3A_589 : vector<16xf32>
        %mul3A_597 = arith.mulf %get3A_583, %get3A_595 : vector<16xf32>
        %add3A_598 = arith.addf %mul3A_596, %mul3A_597 : vector<16xf32>
        %mul3A_599 = arith.mulf %get3A_577, %get3A_595 : vector<16xf32>
        %mul3A_600 = arith.mulf %get3A_583, %get3A_589 : vector<16xf32>
        %sub3A_601 = arith.subf %mul3A_599, %mul3A_600 : vector<16xf32>
        %get3A_602 = arith.constant 1 : i32
        %get3A_603 = arith.index_cast %get3A_602 : i32 to index
        %get3A_604 = arith.index_cast %add3A_569 : i32 to index
        %get3A_605 = arith.constant 0 : index
        %get3A_606 = tpu.vector_load %arg12[%get3A_603, %get3A_604, %get3A_605] {strides = array<i32>} : memref<2x64x256xf32, #tpu.memory_space<vmem>>, vector<1x1x16xf32>,
        %get3A_607 = vector.shape_cast %get3A_606 : vector<1x1x16xf32> to vector<16xf32>
        %get3A_608 = arith.constant 1 : i32
        %get3A_609 = arith.index_cast %get3A_608 : i32 to index
        %get3A_610 = arith.index_cast %add3A_569 : i32 to index
        %get3A_611 = arith.constant 128 : index
        %get3A_612 = tpu.vector_load %arg12[%get3A_609, %get3A_610, %get3A_611] {strides = array<i32>} : memref<2x64x256xf32, #tpu.memory_space<vmem>>, vector<1x1x16xf32>,
        %get3A_613 = vector.shape_cast %get3A_612 : vector<1x1x16xf32> to vector<16xf32>
        %mul3A_614 = arith.mulf %get3A_607, %add3A_598 : vector<16xf32>
        %mul3A_615 = arith.mulf %get3A_613, %sub3A_601 : vector<16xf32>
        %add3A_616 = arith.addf %mul3A_614, %mul3A_615 : vector<16xf32>
        %add3A_617 = arith.addf %broadcast_in_dim3A_571, %add3A_616 : vector<16xf32>
        %get3A_618 = arith.constant 1 : i32
        %get3A_619 = arith.index_cast %get3A_618 : i32 to index
        %get3A_620 = arith.index_cast %add3A_569 : i32 to index
        %get3A_621 = arith.constant 16 : index
        %get3A_622 = tpu.vector_load %arg11[%get3A_619, %get3A_620, %get3A_621] {strides = array<i32>} : memref<2x64x256xf32, #tpu.memory_space<vmem>>, vector<1x1x16xf32>,
        %get3A_623 = vector.shape_cast %get3A_622 : vector<1x1x16xf32> to vector<16xf32>
        %get3A_624 = arith.constant 1 : i32
        %get3A_625 = arith.index_cast %get3A_624 : i32 to index
        %get3A_626 = arith.index_cast %add3A_569 : i32 to index
        %get3A_627 = arith.constant 144 : index
        %get3A_628 = tpu.vector_load %arg11[%get3A_625, %get3A_626, %get3A_627] {strides = array<i32>} : memref<2x64x256xf32, #tpu.memory_space<vmem>>, vector<1x1x16xf32>,
        %get3A_629 = vector.shape_cast %get3A_628 : vector<1x1x16xf32> to vector<16xf32>
        %get3A_630 = arith.constant 1 : i32
        %get3A_631 = arith.index_cast %get3A_630 : i32 to index
        %get3A_632 = arith.index_cast %add3A_569 : i32 to index
        %get3A_633 = arith.constant 16 : index
        %get3A_634 = tpu.vector_load %arg13[%get3A_631, %get3A_632, %get3A_633] {strides = array<i32>} : memref<2x64x256xf32, #tpu.memory_space<vmem>>, vector<1x1x16xf32>,
        %get3A_635 = vector.shape_cast %get3A_634 : vector<1x1x16xf32> to vector<16xf32>
        %get3A_636 = arith.constant 1 : i32
        %get3A_637 = arith.index_cast %get3A_636 : i32 to index
        %get3A_638 = arith.index_cast %add3A_569 : i32 to index
        %get3A_639 = arith.constant 144 : index
        %get3A_640 = tpu.vector_load %arg13[%get3A_637, %get3A_638, %get3A_639] {strides = array<i32>} : memref<2x64x256xf32, #tpu.memory_space<vmem>>, vector<1x1x16xf32>,
        %get3A_641 = vector.shape_cast %get3A_640 : vector<1x1x16xf32> to vector<16xf32>
        %mul3A_642 = arith.mulf %get3A_623, %get3A_635 : vector<16xf32>
        %mul3A_643 = arith.mulf %get3A_629, %get3A_641 : vector<16xf32>
        %add3A_644 = arith.addf %mul3A_642, %mul3A_643 : vector<16xf32>
        %mul3A_645 = arith.mulf %get3A_623, %get3A_641 : vector<16xf32>
        %mul3A_646 = arith.mulf %get3A_629, %get3A_635 : vector<16xf32>
        %sub3A_647 = arith.subf %mul3A_645, %mul3A_646 : vector<16xf32>
        %get3A_648 = arith.constant 1 : i32
        %get3A_649 = arith.index_cast %get3A_648 : i32 to index
        %get3A_650 = arith.index_cast %add3A_569 : i32 to index
        %get3A_651 = arith.constant 16 : index
        %get3A_652 = tpu.vector_load %arg12[%get3A_649, %get3A_650, %get3A_651] {strides = array<i32>} : memref<2x64x256xf32, #tpu.memory_space<vmem>>, vector<1x1x16xf32>,
        %get3A_653 = vector.shape_cast %get3A_652 : vector<1x1x16xf32> to vector<16xf32>
        %get3A_654 = arith.constant 1 : i32
        %get3A_655 = arith.index_cast %get3A_654 : i32 to index
        %get3A_656 = arith.index_cast %add3A_569 : i32 to index
        %get3A_657 = arith.constant 144 : index
        %get3A_658 = tpu.vector_load %arg12[%get3A_655, %get3A_656, %get3A_657] {strides = array<i32>} : memref<2x64x256xf32, #tpu.memory_space<vmem>>, vector<1x1x16xf32>,
        %get3A_659 = vector.shape_cast %get3A_658 : vector<1x1x16xf32> to vector<16xf32>
        %mul3A_660 = arith.mulf %get3A_653, %add3A_644 : vector<16xf32>
        %mul3A_661 = arith.mulf %get3A_659, %sub3A_647 : vector<16xf32>
        %add3A_662 = arith.addf %mul3A_660, %mul3A_661 : vector<16xf32>
        %add3A_663 = arith.addf %add3A_617, %add3A_662 : vector<16xf32>
        %get3A_664 = arith.constant 1 : i32
        %get3A_665 = arith.index_cast %get3A_664 : i32 to index
        %get3A_666 = arith.index_cast %add3A_569 : i32 to index
        %get3A_667 = arith.constant 32 : index
        %get3A_668 = tpu.vector_load %arg11[%get3A_665, %get3A_666, %get3A_667] {strides = array<i32>} : memref<2x64x256xf32, #tpu.memory_space<vmem>>, vector<1x1x16xf32>,
        %get3A_669 = vector.shape_cast %get3A_668 : vector<1x1x16xf32> to vector<16xf32>
        %get3A_670 = arith.constant 1 : i32
        %get3A_671 = arith.index_cast %get3A_670 : i32 to index
        %get3A_672 = arith.index_cast %add3A_569 : i32 to index
        %get3A_673 = arith.constant 160 : index
        %get3A_674 = tpu.vector_load %arg11[%get3A_671, %get3A_672, %get3A_673] {strides = array<i32>} : memref<2x64x256xf32, #tpu.memory_space<vmem>>, vector<1x1x16xf32>,
        %get3A_675 = vector.shape_cast %get3A_674 : vector<1x1x16xf32> to vector<16xf32>
        %get3A_676 = arith.constant 1 : i32
        %get3A_677 = arith.index_cast %get3A_676 : i32 to index
        %get3A_678 = arith.index_cast %add3A_569 : i32 to index
        %get3A_679 = arith.constant 32 : index
        %get3A_680 = tpu.vector_load %arg13[%get3A_677, %get3A_678, %get3A_679] {strides = array<i32>} : memref<2x64x256xf32, #tpu.memory_space<vmem>>, vector<1x1x16xf32>,
        %get3A_681 = vector.shape_cast %get3A_680 : vector<1x1x16xf32> to vector<16xf32>
        %get3A_682 = arith.constant 1 : i32
        %get3A_683 = arith.index_cast %get3A_682 : i32 to index
        %get3A_684 = arith.index_cast %add3A_569 : i32 to index
        %get3A_685 = arith.constant 160 : index
        %get3A_686 = tpu.vector_load %arg13[%get3A_683, %get3A_684, %get3A_685] {strides = array<i32>} : memref<2x64x256xf32, #tpu.memory_space<vmem>>, vector<1x1x16xf32>,
        %get3A_687 = vector.shape_cast %get3A_686 : vector<1x1x16xf32> to vector<16xf32>
        %mul3A_688 = arith.mulf %get3A_669, %get3A_681 : vector<16xf32>
        %mul3A_689 = arith.mulf %get3A_675, %get3A_687 : vector<16xf32>
        %add3A_690 = arith.addf %mul3A_688, %mul3A_689 : vector<16xf32>
        %mul3A_691 = arith.mulf %get3A_669, %get3A_687 : vector<16xf32>
        %mul3A_692 = arith.mulf %get3A_675, %get3A_681 : vector<16xf32>
        %sub3A_693 = arith.subf %mul3A_691, %mul3A_692 : vector<16xf32>
        %get3A_694 = arith.constant 1 : i32
        %get3A_695 = arith.index_cast %get3A_694 : i32 to index
        %get3A_696 = arith.index_cast %add3A_569 : i32 to index
        %get3A_697 = arith.constant 32 : index
        %get3A_698 = tpu.vector_load %arg12[%get3A_695, %get3A_696, %get3A_697] {strides = array<i32>} : memref<2x64x256xf32, #tpu.memory_space<vmem>>, vector<1x1x16xf32>,
        %get3A_699 = vector.shape_cast %get3A_698 : vector<1x1x16xf32> to vector<16xf32>
        %get3A_700 = arith.constant 1 : i32
        %get3A_701 = arith.index_cast %get3A_700 : i32 to index
        %get3A_702 = arith.index_cast %add3A_569 : i32 to index
        %get3A_703 = arith.constant 160 : index
        %get3A_704 = tpu.vector_load %arg12[%get3A_701, %get3A_702, %get3A_703] {strides = array<i32>} : memref<2x64x256xf32, #tpu.memory_space<vmem>>, vector<1x1x16xf32>,
        %get3A_705 = vector.shape_cast %get3A_704 : vector<1x1x16xf32> to vector<16xf32>
        %mul3A_706 = arith.mulf %get3A_699, %add3A_690 : vector<16xf32>
        %mul3A_707 = arith.mulf %get3A_705, %sub3A_693 : vector<16xf32>
        %add3A_708 = arith.addf %mul3A_706, %mul3A_707 : vector<16xf32>
        %add3A_709 = arith.addf %add3A_663, %add3A_708 : vector<16xf32>
        %get3A_710 = arith.constant 1 : i32
        %get3A_711 = arith.index_cast %get3A_710 : i32 to index
        %get3A_712 = arith.index_cast %add3A_569 : i32 to index
        %get3A_713 = arith.constant 48 : index
        %get3A_714 = tpu.vector_load %arg11[%get3A_711, %get3A_712, %get3A_713] {strides = array<i32>} : memref<2x64x256xf32, #tpu.memory_space<vmem>>, vector<1x1x16xf32>,
        %get3A_715 = vector.shape_cast %get3A_714 : vector<1x1x16xf32> to vector<16xf32>
        %get3A_716 = arith.constant 1 : i32
        %get3A_717 = arith.index_cast %get3A_716 : i32 to index
        %get3A_718 = arith.index_cast %add3A_569 : i32 to index
        %get3A_719 = arith.constant 176 : index
        %get3A_720 = tpu.vector_load %arg11[%get3A_717, %get3A_718, %get3A_719] {strides = array<i32>} : memref<2x64x256xf32, #tpu.memory_space<vmem>>, vector<1x1x16xf32>,
        %get3A_721 = vector.shape_cast %get3A_720 : vector<1x1x16xf32> to vector<16xf32>
        %get3A_722 = arith.constant 1 : i32
        %get3A_723 = arith.index_cast %get3A_722 : i32 to index
        %get3A_724 = arith.index_cast %add3A_569 : i32 to index
        %get3A_725 = arith.constant 48 : index
        %get3A_726 = tpu.vector_load %arg13[%get3A_723, %get3A_724, %get3A_725] {strides = array<i32>} : memref<2x64x256xf32, #tpu.memory_space<vmem>>, vector<1x1x16xf32>,
        %get3A_727 = vector.shape_cast %get3A_726 : vector<1x1x16xf32> to vector<16xf32>
        %get3A_728 = arith.constant 1 : i32
        %get3A_729 = arith.index_cast %get3A_728 : i32 to index
        %get3A_730 = arith.index_cast %add3A_569 : i32 to index
        %get3A_731 = arith.constant 176 : index
        %get3A_732 = tpu.vector_load %arg13[%get3A_729, %get3A_730, %get3A_731] {strides = array<i32>} : memref<2x64x256xf32, #tpu.memory_space<vmem>>, vector<1x1x16xf32>,
        %get3A_733 = vector.shape_cast %get3A_732 : vector<1x1x16xf32> to vector<16xf32>
        %mul3A_734 = arith.mulf %get3A_715, %get3A_727 : vector<16xf32>
        %mul3A_735 = arith.mulf %get3A_721, %get3A_733 : vector<16xf32>
        %add3A_736 = arith.addf %mul3A_734, %mul3A_735 : vector<16xf32>
        %mul3A_737 = arith.mulf %get3A_715, %get3A_733 : vector<16xf32>
        %mul3A_738 = arith.mulf %get3A_721, %get3A_727 : vector<16xf32>
        %sub3A_739 = arith.subf %mul3A_737, %mul3A_738 : vector<16xf32>
        %get3A_740 = arith.constant 1 : i32
        %get3A_741 = arith.index_cast %get3A_740 : i32 to index
        %get3A_742 = arith.index_cast %add3A_569 : i32 to index
        %get3A_743 = arith.constant 48 : index
        %get3A_744 = tpu.vector_load %arg12[%get3A_741, %get3A_742, %get3A_743] {strides = array<i32>} : memref<2x64x256xf32, #tpu.memory_space<vmem>>, vector<1x1x16xf32>,
        %get3A_745 = vector.shape_cast %get3A_744 : vector<1x1x16xf32> to vector<16xf32>
        %get3A_746 = arith.constant 1 : i32
        %get3A_747 = arith.index_cast %get3A_746 : i32 to index
        %get3A_748 = arith.index_cast %add3A_569 : i32 to index
        %get3A_749 = arith.constant 176 : index
        %get3A_750 = tpu.vector_load %arg12[%get3A_747, %get3A_748, %get3A_749] {strides = array<i32>} : memref<2x64x256xf32, #tpu.memory_space<vmem>>, vector<1x1x16xf32>,
        %get3A_751 = vector.shape_cast %get3A_750 : vector<1x1x16xf32> to vector<16xf32>
        %mul3A_752 = arith.mulf %get3A_745, %add3A_736 : vector<16xf32>
        %mul3A_753 = arith.mulf %get3A_751, %sub3A_739 : vector<16xf32>
        %add3A_754 = arith.addf %mul3A_752, %mul3A_753 : vector<16xf32>
        %add3A_755 = arith.addf %add3A_709, %add3A_754 : vector<16xf32>
        %get3A_756 = arith.constant 1 : i32
        %get3A_757 = arith.index_cast %get3A_756 : i32 to index
        %get3A_758 = arith.index_cast %add3A_569 : i32 to index
        %get3A_759 = arith.constant 64 : index
        %get3A_760 = tpu.vector_load %arg11[%get3A_757, %get3A_758, %get3A_759] {strides = array<i32>} : memref<2x64x256xf32, #tpu.memory_space<vmem>>, vector<1x1x16xf32>,
        %get3A_761 = vector.shape_cast %get3A_760 : vector<1x1x16xf32> to vector<16xf32>
        %get3A_762 = arith.constant 1 : i32
        %get3A_763 = arith.index_cast %get3A_762 : i32 to index
        %get3A_764 = arith.index_cast %add3A_569 : i32 to index
        %get3A_765 = arith.constant 192 : index
        %get3A_766 = tpu.vector_load %arg11[%get3A_763, %get3A_764, %get3A_765] {strides = array<i32>} : memref<2x64x256xf32, #tpu.memory_space<vmem>>, vector<1x1x16xf32>,
        %get3A_767 = vector.shape_cast %get3A_766 : vector<1x1x16xf32> to vector<16xf32>
        %get3A_768 = arith.constant 1 : i32
        %get3A_769 = arith.index_cast %get3A_768 : i32 to index
        %get3A_770 = arith.index_cast %add3A_569 : i32 to index
        %get3A_771 = arith.constant 64 : index
        %get3A_772 = tpu.vector_load %arg13[%get3A_769, %get3A_770, %get3A_771] {strides = array<i32>} : memref<2x64x256xf32, #tpu.memory_space<vmem>>, vector<1x1x16xf32>,
        %get3A_773 = vector.shape_cast %get3A_772 : vector<1x1x16xf32> to vector<16xf32>
        %get3A_774 = arith.constant 1 : i32
        %get3A_775 = arith.index_cast %get3A_774 : i32 to index
        %get3A_776 = arith.index_cast %add3A_569 : i32 to index
        %get3A_777 = arith.constant 192 : index
        %get3A_778 = tpu.vector_load %arg13[%get3A_775, %get3A_776, %get3A_777] {strides = array<i32>} : memref<2x64x256xf32, #tpu.memory_space<vmem>>, vector<1x1x16xf32>,
        %get3A_779 = vector.shape_cast %get3A_778 : vector<1x1x16xf32> to vector<16xf32>
        %mul3A_780 = arith.mulf %get3A_761, %get3A_773 : vector<16xf32>
        %mul3A_781 = arith.mulf %get3A_767, %get3A_779 : vector<16xf32>
        %add3A_782 = arith.addf %mul3A_780, %mul3A_781 : vector<16xf32>
        %mul3A_783 = arith.mulf %get3A_761, %get3A_779 : vector<16xf32>
        %mul3A_784 = arith.mulf %get3A_767, %get3A_773 : vector<16xf32>
        %sub3A_785 = arith.subf %mul3A_783, %mul3A_784 : vector<16xf32>
        %get3A_786 = arith.constant 1 : i32
        %get3A_787 = arith.index_cast %get3A_786 : i32 to index
        %get3A_788 = arith.index_cast %add3A_569 : i32 to index
        %get3A_789 = arith.constant 64 : index
        %get3A_790 = tpu.vector_load %arg12[%get3A_787, %get3A_788, %get3A_789] {strides = array<i32>} : memref<2x64x256xf32, #tpu.memory_space<vmem>>, vector<1x1x16xf32>,
        %get3A_791 = vector.shape_cast %get3A_790 : vector<1x1x16xf32> to vector<16xf32>
        %get3A_792 = arith.constant 1 : i32
        %get3A_793 = arith.index_cast %get3A_792 : i32 to index
        %get3A_794 = arith.index_cast %add3A_569 : i32 to index
        %get3A_795 = arith.constant 192 : index
        %get3A_796 = tpu.vector_load %arg12[%get3A_793, %get3A_794, %get3A_795] {strides = array<i32>} : memref<2x64x256xf32, #tpu.memory_space<vmem>>, vector<1x1x16xf32>,
        %get3A_797 = vector.shape_cast %get3A_796 : vector<1x1x16xf32> to vector<16xf32>
        %mul3A_798 = arith.mulf %get3A_791, %add3A_782 : vector<16xf32>
        %mul3A_799 = arith.mulf %get3A_797, %sub3A_785 : vector<16xf32>
        %add3A_800 = arith.addf %mul3A_798, %mul3A_799 : vector<16xf32>
        %add3A_801 = arith.addf %add3A_755, %add3A_800 : vector<16xf32>
        %get3A_802 = arith.constant 1 : i32
        %get3A_803 = arith.index_cast %get3A_802 : i32 to index
        %get3A_804 = arith.index_cast %add3A_569 : i32 to index
        %get3A_805 = arith.constant 80 : index
        %get3A_806 = tpu.vector_load %arg11[%get3A_803, %get3A_804, %get3A_805] {strides = array<i32>} : memref<2x64x256xf32, #tpu.memory_space<vmem>>, vector<1x1x16xf32>,
        %get3A_807 = vector.shape_cast %get3A_806 : vector<1x1x16xf32> to vector<16xf32>
        %get3A_808 = arith.constant 1 : i32
        %get3A_809 = arith.index_cast %get3A_808 : i32 to index
        %get3A_810 = arith.index_cast %add3A_569 : i32 to index
        %get3A_811 = arith.constant 208 : index
        %get3A_812 = tpu.vector_load %arg11[%get3A_809, %get3A_810, %get3A_811] {strides = array<i32>} : memref<2x64x256xf32, #tpu.memory_space<vmem>>, vector<1x1x16xf32>,
        %get3A_813 = vector.shape_cast %get3A_812 : vector<1x1x16xf32> to vector<16xf32>
        %get3A_814 = arith.constant 1 : i32
        %get3A_815 = arith.index_cast %get3A_814 : i32 to index
        %get3A_816 = arith.index_cast %add3A_569 : i32 to index
        %get3A_817 = arith.constant 80 : index
        %get3A_818 = tpu.vector_load %arg13[%get3A_815, %get3A_816, %get3A_817] {strides = array<i32>} : memref<2x64x256xf32, #tpu.memory_space<vmem>>, vector<1x1x16xf32>,
        %get3A_819 = vector.shape_cast %get3A_818 : vector<1x1x16xf32> to vector<16xf32>
        %get3A_820 = arith.constant 1 : i32
        %get3A_821 = arith.index_cast %get3A_820 : i32 to index
        %get3A_822 = arith.index_cast %add3A_569 : i32 to index
        %get3A_823 = arith.constant 208 : index
        %get3A_824 = tpu.vector_load %arg13[%get3A_821, %get3A_822, %get3A_823] {strides = array<i32>} : memref<2x64x256xf32, #tpu.memory_space<vmem>>, vector<1x1x16xf32>,
        %get3A_825 = vector.shape_cast %get3A_824 : vector<1x1x16xf32> to vector<16xf32>
        %mul3A_826 = arith.mulf %get3A_807, %get3A_819 : vector<16xf32>
        %mul3A_827 = arith.mulf %get3A_813, %get3A_825 : vector<16xf32>
        %add3A_828 = arith.addf %mul3A_826, %mul3A_827 : vector<16xf32>
        %mul3A_829 = arith.mulf %get3A_807, %get3A_825 : vector<16xf32>
        %mul3A_830 = arith.mulf %get3A_813, %get3A_819 : vector<16xf32>
        %sub3A_831 = arith.subf %mul3A_829, %mul3A_830 : vector<16xf32>
        %get3A_832 = arith.constant 1 : i32
        %get3A_833 = arith.index_cast %get3A_832 : i32 to index
        %get3A_834 = arith.index_cast %add3A_569 : i32 to index
        %get3A_835 = arith.constant 80 : index
        %get3A_836 = tpu.vector_load %arg12[%get3A_833, %get3A_834, %get3A_835] {strides = array<i32>} : memref<2x64x256xf32, #tpu.memory_space<vmem>>, vector<1x1x16xf32>,
        %get3A_837 = vector.shape_cast %get3A_836 : vector<1x1x16xf32> to vector<16xf32>
        %get3A_838 = arith.constant 1 : i32
        %get3A_839 = arith.index_cast %get3A_838 : i32 to index
        %get3A_840 = arith.index_cast %add3A_569 : i32 to index
        %get3A_841 = arith.constant 208 : index
        %get3A_842 = tpu.vector_load %arg12[%get3A_839, %get3A_840, %get3A_841] {strides = array<i32>} : memref<2x64x256xf32, #tpu.memory_space<vmem>>, vector<1x1x16xf32>,
        %get3A_843 = vector.shape_cast %get3A_842 : vector<1x1x16xf32> to vector<16xf32>
        %mul3A_844 = arith.mulf %get3A_837, %add3A_828 : vector<16xf32>
        %mul3A_845 = arith.mulf %get3A_843, %sub3A_831 : vector<16xf32>
        %add3A_846 = arith.addf %mul3A_844, %mul3A_845 : vector<16xf32>
        %add3A_847 = arith.addf %add3A_801, %add3A_846 : vector<16xf32>
        %get3A_848 = arith.constant 1 : i32
        %get3A_849 = arith.index_cast %get3A_848 : i32 to index
        %get3A_850 = arith.index_cast %add3A_569 : i32 to index
        %get3A_851 = arith.constant 96 : index
        %get3A_852 = tpu.vector_load %arg11[%get3A_849, %get3A_850, %get3A_851] {strides = array<i32>} : memref<2x64x256xf32, #tpu.memory_space<vmem>>, vector<1x1x16xf32>,
        %get3A_853 = vector.shape_cast %get3A_852 : vector<1x1x16xf32> to vector<16xf32>
        %get3A_854 = arith.constant 1 : i32
        %get3A_855 = arith.index_cast %get3A_854 : i32 to index
        %get3A_856 = arith.index_cast %add3A_569 : i32 to index
        %get3A_857 = arith.constant 224 : index
        %get3A_858 = tpu.vector_load %arg11[%get3A_855, %get3A_856, %get3A_857] {strides = array<i32>} : memref<2x64x256xf32, #tpu.memory_space<vmem>>, vector<1x1x16xf32>,
        %get3A_859 = vector.shape_cast %get3A_858 : vector<1x1x16xf32> to vector<16xf32>
        %get3A_860 = arith.constant 1 : i32
        %get3A_861 = arith.index_cast %get3A_860 : i32 to index
        %get3A_862 = arith.index_cast %add3A_569 : i32 to index
        %get3A_863 = arith.constant 96 : index
        %get3A_864 = tpu.vector_load %arg13[%get3A_861, %get3A_862, %get3A_863] {strides = array<i32>} : memref<2x64x256xf32, #tpu.memory_space<vmem>>, vector<1x1x16xf32>,
        %get3A_865 = vector.shape_cast %get3A_864 : vector<1x1x16xf32> to vector<16xf32>
        %get3A_866 = arith.constant 1 : i32
        %get3A_867 = arith.index_cast %get3A_866 : i32 to index
        %get3A_868 = arith.index_cast %add3A_569 : i32 to index
        %get3A_869 = arith.constant 224 : index
        %get3A_870 = tpu.vector_load %arg13[%get3A_867, %get3A_868, %get3A_869] {strides = array<i32>} : memref<2x64x256xf32, #tpu.memory_space<vmem>>, vector<1x1x16xf32>,
        %get3A_871 = vector.shape_cast %get3A_870 : vector<1x1x16xf32> to vector<16xf32>
        %mul3A_872 = arith.mulf %get3A_853, %get3A_865 : vector<16xf32>
        %mul3A_873 = arith.mulf %get3A_859, %get3A_871 : vector<16xf32>
        %add3A_874 = arith.addf %mul3A_872, %mul3A_873 : vector<16xf32>
        %mul3A_875 = arith.mulf %get3A_853, %get3A_871 : vector<16xf32>
        %mul3A_876 = arith.mulf %get3A_859, %get3A_865 : vector<16xf32>
        %sub3A_877 = arith.subf %mul3A_875, %mul3A_876 : vector<16xf32>
        %get3A_878 = arith.constant 1 : i32
        %get3A_879 = arith.index_cast %get3A_878 : i32 to index
        %get3A_880 = arith.index_cast %add3A_569 : i32 to index
        %get3A_881 = arith.constant 96 : index
        %get3A_882 = tpu.vector_load %arg12[%get3A_879, %get3A_880, %get3A_881] {strides = array<i32>} : memref<2x64x256xf32, #tpu.memory_space<vmem>>, vector<1x1x16xf32>,
        %get3A_883 = vector.shape_cast %get3A_882 : vector<1x1x16xf32> to vector<16xf32>
        %get3A_884 = arith.constant 1 : i32
        %get3A_885 = arith.index_cast %get3A_884 : i32 to index
        %get3A_886 = arith.index_cast %add3A_569 : i32 to index
        %get3A_887 = arith.constant 224 : index
        %get3A_888 = tpu.vector_load %arg12[%get3A_885, %get3A_886, %get3A_887] {strides = array<i32>} : memref<2x64x256xf32, #tpu.memory_space<vmem>>, vector<1x1x16xf32>,
        %get3A_889 = vector.shape_cast %get3A_888 : vector<1x1x16xf32> to vector<16xf32>
        %mul3A_890 = arith.mulf %get3A_883, %add3A_874 : vector<16xf32>
        %mul3A_891 = arith.mulf %get3A_889, %sub3A_877 : vector<16xf32>
        %add3A_892 = arith.addf %mul3A_890, %mul3A_891 : vector<16xf32>
        %add3A_893 = arith.addf %add3A_847, %add3A_892 : vector<16xf32>
        %get3A_894 = arith.constant 1 : i32
        %get3A_895 = arith.index_cast %get3A_894 : i32 to index
        %get3A_896 = arith.index_cast %add3A_569 : i32 to index
        %get3A_897 = arith.constant 112 : index
        %get3A_898 = tpu.vector_load %arg11[%get3A_895, %get3A_896, %get3A_897] {strides = array<i32>} : memref<2x64x256xf32, #tpu.memory_space<vmem>>, vector<1x1x16xf32>,
        %get3A_899 = vector.shape_cast %get3A_898 : vector<1x1x16xf32> to vector<16xf32>
        %get3A_900 = arith.constant 1 : i32
        %get3A_901 = arith.index_cast %get3A_900 : i32 to index
        %get3A_902 = arith.index_cast %add3A_569 : i32 to index
        %get3A_903 = arith.constant 240 : index
        %get3A_904 = tpu.vector_load %arg11[%get3A_901, %get3A_902, %get3A_903] {strides = array<i32>} : memref<2x64x256xf32, #tpu.memory_space<vmem>>, vector<1x1x16xf32>,
        %get3A_905 = vector.shape_cast %get3A_904 : vector<1x1x16xf32> to vector<16xf32>
        %get3A_906 = arith.constant 1 : i32
        %get3A_907 = arith.index_cast %get3A_906 : i32 to index
        %get3A_908 = arith.index_cast %add3A_569 : i32 to index
        %get3A_909 = arith.constant 112 : index
        %get3A_910 = tpu.vector_load %arg13[%get3A_907, %get3A_908, %get3A_909] {strides = array<i32>} : memref<2x64x256xf32, #tpu.memory_space<vmem>>, vector<1x1x16xf32>,
        %get3A_911 = vector.shape_cast %get3A_910 : vector<1x1x16xf32> to vector<16xf32>
        %get3A_912 = arith.constant 1 : i32
        %get3A_913 = arith.index_cast %get3A_912 : i32 to index
        %get3A_914 = arith.index_cast %add3A_569 : i32 to index
        %get3A_915 = arith.constant 240 : index
        %get3A_916 = tpu.vector_load %arg13[%get3A_913, %get3A_914, %get3A_915] {strides = array<i32>} : memref<2x64x256xf32, #tpu.memory_space<vmem>>, vector<1x1x16xf32>,
        %get3A_917 = vector.shape_cast %get3A_916 : vector<1x1x16xf32> to vector<16xf32>
        %mul3A_918 = arith.mulf %get3A_899, %get3A_911 : vector<16xf32>
        %mul3A_919 = arith.mulf %get3A_905, %get3A_917 : vector<16xf32>
        %add3A_920 = arith.addf %mul3A_918, %mul3A_919 : vector<16xf32>
        %mul3A_921 = arith.mulf %get3A_899, %get3A_917 : vector<16xf32>
        %mul3A_922 = arith.mulf %get3A_905, %get3A_911 : vector<16xf32>
        %sub3A_923 = arith.subf %mul3A_921, %mul3A_922 : vector<16xf32>
        %get3A_924 = arith.constant 1 : i32
        %get3A_925 = arith.index_cast %get3A_924 : i32 to index
        %get3A_926 = arith.index_cast %add3A_569 : i32 to index
        %get3A_927 = arith.constant 112 : index
        %get3A_928 = tpu.vector_load %arg12[%get3A_925, %get3A_926, %get3A_927] {strides = array<i32>} : memref<2x64x256xf32, #tpu.memory_space<vmem>>, vector<1x1x16xf32>,
        %get3A_929 = vector.shape_cast %get3A_928 : vector<1x1x16xf32> to vector<16xf32>
        %get3A_930 = arith.constant 1 : i32
        %get3A_931 = arith.index_cast %get3A_930 : i32 to index
        %get3A_932 = arith.index_cast %add3A_569 : i32 to index
        %get3A_933 = arith.constant 240 : index
        %get3A_934 = tpu.vector_load %arg12[%get3A_931, %get3A_932, %get3A_933] {strides = array<i32>} : memref<2x64x256xf32, #tpu.memory_space<vmem>>, vector<1x1x16xf32>,
        %get3A_935 = vector.shape_cast %get3A_934 : vector<1x1x16xf32> to vector<16xf32>
        %mul3A_936 = arith.mulf %get3A_929, %add3A_920 : vector<16xf32>
        %mul3A_937 = arith.mulf %get3A_935, %sub3A_923 : vector<16xf32>
        %add3A_938 = arith.addf %mul3A_936, %mul3A_937 : vector<16xf32>
        %add3A_939 = arith.addf %add3A_893, %add3A_938 : vector<16xf32>
        %and3A_940 = arith.constant 8 : i32
        %and3A_941 = vector.broadcast %and3A_940 : i32 to vector<16xi32>
        %and3A_942 = arith.andi %iota3A, %and3A_941 : vector<16xi32>
        %eq3A = arith.constant 0 : i32
        %eq3A_943 = vector.broadcast %eq3A : i32 to vector<16xi32>
        %eq3A_944 = arith.cmpi eq, %and3A_942, %eq3A_943 : vector<16xi32>
        %broadcast_in_dim3A_945 = vector.shape_cast %xor3A_14 : vector<16xi32> to vector<16x1xi32>
        %gather3A = vector.shape_cast %broadcast_in_dim3A_945 : vector<16x1xi32> to vector<16xi32>
        %gather3A_946 = tpu.dynamic_gather %add3A_567[%gather3A] in [0] : vector<16xf32>, vector<16xi32> -> vector<16xf32>
        %add3A_947 = arith.addf %add3A_567, %gather3A_946 : vector<16xf32>
        %broadcast_in_dim3A_948 = vector.shape_cast %xor3A_14 : vector<16xi32> to vector<16x1xi32>
        %gather3A_949 = vector.shape_cast %broadcast_in_dim3A_948 : vector<16x1xi32> to vector<16xi32>
        %gather3A_950 = tpu.dynamic_gather %add3A_939[%gather3A_949] in [0] : vector<16xf32>, vector<16xi32> -> vector<16xf32>
        %add3A_951 = arith.addf %add3A_939, %gather3A_950 : vector<16xf32>
        %select_n3A = arith.select %eq3A_944, %add3A_947, %add3A_951 : vector<16xi1>, vector<16xf32>
        %swap3A = arith.index_cast %scan3A_183 : i32 to index
        %swap3A_952 = arith.constant 0 : index
        %swap3A_953 = tpu.vector_load %arg14[%swap3A, %swap3A_952] {strides = array<i32>} : memref<32x16xf32, #tpu.memory_space<vmem>>, vector<1x16xf32>,
        %swap3A_954 = vector.shape_cast %swap3A_953 : vector<1x16xf32> to vector<16xf32>
        %swap3A_955 = vector.shape_cast %select_n3A : vector<16xf32> to vector<1x16xf32>
        tpu.vector_store %arg14[%swap3A, %swap3A_952], %swap3A_955 {strides = array<i32>} : memref<32x16xf32, #tpu.memory_space<vmem>>, vector<1x16xf32>,
      }
      %scan3A_176 = arith.constant 32 : i32
      %scan3A_177 = arith.constant 0 : i32
      %scan3A_178 = arith.constant 0 : i32
      %scan3A_179 = arith.constant 4 : i32
      %scan3A_180 = arith.addi %scan3A_178, %scan3A_179 : i32
      %scan3A_181 = arith.constant 1 : i32
      scf.for %scan3A_183 = %scan3A_178 to %scan3A_180 step %scan3A_181  : i32 {
        %mul3A_184 = arith.constant 8 : i32
        %mul3A_185 = arith.muli %mul3A_184, %scan3A_183 : i32
        %add3A_186 = arith.constant 0 : i32
        %add3A_187 = arith.addi %mul3A_185, %add3A_186 : i32
        %get3A = arith.index_cast %add3A_187 : i32 to index
        %get3A_188 = arith.constant 0 : index
        %get3A_189 = tpu.vector_load %arg14[%get3A, %get3A_188] {strides = array<i32>} : memref<32x16xf32, #tpu.memory_space<vmem>>, vector<1x16xf32>,
        %get3A_190 = vector.shape_cast %get3A_189 : vector<1x16xf32> to vector<16xf32>
        %mul3A_191 = arith.constant 8 : i32
        %mul3A_192 = arith.muli %mul3A_191, %scan3A_183 : i32
        %add3A_193 = arith.constant 0 : i32
        %add3A_194 = arith.addi %mul3A_192, %add3A_193 : i32
        %add3A_195 = arith.constant 1 : i32
        %add3A_196 = arith.addi %add3A_194, %add3A_195 : i32
        %get3A_197 = arith.index_cast %add3A_196 : i32 to index
        %get3A_198 = arith.constant 0 : index
        %get3A_199 = tpu.vector_load %arg14[%get3A_197, %get3A_198] {strides = array<i32>} : memref<32x16xf32, #tpu.memory_space<vmem>>, vector<1x16xf32>,
        %get3A_200 = vector.shape_cast %get3A_199 : vector<1x16xf32> to vector<16xf32>
        %and3A = arith.constant 4 : i32
        %and3A_201 = vector.broadcast %and3A : i32 to vector<16xi32>
        %and3A_202 = arith.andi %iota3A, %and3A_201 : vector<16xi32>
        %eq3A = arith.constant 0 : i32
        %eq3A_203 = vector.broadcast %eq3A : i32 to vector<16xi32>
        %eq3A_204 = arith.cmpi eq, %and3A_202, %eq3A_203 : vector<16xi32>
        %broadcast_in_dim3A = vector.shape_cast %xor3A_17 : vector<16xi32> to vector<16x1xi32>
        %gather3A = vector.shape_cast %broadcast_in_dim3A : vector<16x1xi32> to vector<16xi32>
        %gather3A_205 = tpu.dynamic_gather %get3A_190[%gather3A] in [0] : vector<16xf32>, vector<16xi32> -> vector<16xf32>
        %add3A_206 = arith.addf %get3A_190, %gather3A_205 : vector<16xf32>
        %broadcast_in_dim3A_207 = vector.shape_cast %xor3A_17 : vector<16xi32> to vector<16x1xi32>
        %gather3A_208 = vector.shape_cast %broadcast_in_dim3A_207 : vector<16x1xi32> to vector<16xi32>
        %gather3A_209 = tpu.dynamic_gather %get3A_200[%gather3A_208] in [0] : vector<16xf32>, vector<16xi32> -> vector<16xf32>
        %add3A_210 = arith.addf %get3A_200, %gather3A_209 : vector<16xf32>
        %select_n3A = arith.select %eq3A_204, %add3A_206, %add3A_210 : vector<16xi1>, vector<16xf32>
        %mul3A_211 = arith.constant 8 : i32
        %mul3A_212 = arith.muli %mul3A_211, %scan3A_183 : i32
        %add3A_213 = arith.constant 2 : i32
        %add3A_214 = arith.addi %mul3A_212, %add3A_213 : i32
        %get3A_215 = arith.index_cast %add3A_214 : i32 to index
        %get3A_216 = arith.constant 0 : index
        %get3A_217 = tpu.vector_load %arg14[%get3A_215, %get3A_216] {strides = array<i32>} : memref<32x16xf32, #tpu.memory_space<vmem>>, vector<1x16xf32>,
        %get3A_218 = vector.shape_cast %get3A_217 : vector<1x16xf32> to vector<16xf32>
        %mul3A_219 = arith.constant 8 : i32
        %mul3A_220 = arith.muli %mul3A_219, %scan3A_183 : i32
        %add3A_221 = arith.constant 2 : i32
        %add3A_222 = arith.addi %mul3A_220, %add3A_221 : i32
        %add3A_223 = arith.constant 1 : i32
        %add3A_224 = arith.addi %add3A_222, %add3A_223 : i32
        %get3A_225 = arith.index_cast %add3A_224 : i32 to index
        %get3A_226 = arith.constant 0 : index
        %get3A_227 = tpu.vector_load %arg14[%get3A_225, %get3A_226] {strides = array<i32>} : memref<32x16xf32, #tpu.memory_space<vmem>>, vector<1x16xf32>,
        %get3A_228 = vector.shape_cast %get3A_227 : vector<1x16xf32> to vector<16xf32>
        %and3A_229 = arith.constant 4 : i32
        %and3A_230 = vector.broadcast %and3A_229 : i32 to vector<16xi32>
        %and3A_231 = arith.andi %iota3A, %and3A_230 : vector<16xi32>
        %eq3A_232 = arith.constant 0 : i32
        %eq3A_233 = vector.broadcast %eq3A_232 : i32 to vector<16xi32>
        %eq3A_234 = arith.cmpi eq, %and3A_231, %eq3A_233 : vector<16xi32>
        %broadcast_in_dim3A_235 = vector.shape_cast %xor3A_17 : vector<16xi32> to vector<16x1xi32>
        %gather3A_236 = vector.shape_cast %broadcast_in_dim3A_235 : vector<16x1xi32> to vector<16xi32>
        %gather3A_237 = tpu.dynamic_gather %get3A_218[%gather3A_236] in [0] : vector<16xf32>, vector<16xi32> -> vector<16xf32>
        %add3A_238 = arith.addf %get3A_218, %gather3A_237 : vector<16xf32>
        %broadcast_in_dim3A_239 = vector.shape_cast %xor3A_17 : vector<16xi32> to vector<16x1xi32>
        %gather3A_240 = vector.shape_cast %broadcast_in_dim3A_239 : vector<16x1xi32> to vector<16xi32>
        %gather3A_241 = tpu.dynamic_gather %get3A_228[%gather3A_240] in [0] : vector<16xf32>, vector<16xi32> -> vector<16xf32>
        %add3A_242 = arith.addf %get3A_228, %gather3A_241 : vector<16xf32>
        %select_n3A_243 = arith.select %eq3A_234, %add3A_238, %add3A_242 : vector<16xi1>, vector<16xf32>
        %mul3A_244 = arith.constant 8 : i32
        %mul3A_245 = arith.muli %mul3A_244, %scan3A_183 : i32
        %add3A_246 = arith.constant 4 : i32
        %add3A_247 = arith.addi %mul3A_245, %add3A_246 : i32
        %get3A_248 = arith.index_cast %add3A_247 : i32 to index
        %get3A_249 = arith.constant 0 : index
        %get3A_250 = tpu.vector_load %arg14[%get3A_248, %get3A_249] {strides = array<i32>} : memref<32x16xf32, #tpu.memory_space<vmem>>, vector<1x16xf32>,
        %get3A_251 = vector.shape_cast %get3A_250 : vector<1x16xf32> to vector<16xf32>
        %mul3A_252 = arith.constant 8 : i32
        %mul3A_253 = arith.muli %mul3A_252, %scan3A_183 : i32
        %add3A_254 = arith.constant 4 : i32
        %add3A_255 = arith.addi %mul3A_253, %add3A_254 : i32
        %add3A_256 = arith.constant 1 : i32
        %add3A_257 = arith.addi %add3A_255, %add3A_256 : i32
        %get3A_258 = arith.index_cast %add3A_257 : i32 to index
        %get3A_259 = arith.constant 0 : index
        %get3A_260 = tpu.vector_load %arg14[%get3A_258, %get3A_259] {strides = array<i32>} : memref<32x16xf32, #tpu.memory_space<vmem>>, vector<1x16xf32>,
        %get3A_261 = vector.shape_cast %get3A_260 : vector<1x16xf32> to vector<16xf32>
        %and3A_262 = arith.constant 4 : i32
        %and3A_263 = vector.broadcast %and3A_262 : i32 to vector<16xi32>
        %and3A_264 = arith.andi %iota3A, %and3A_263 : vector<16xi32>
        %eq3A_265 = arith.constant 0 : i32
        %eq3A_266 = vector.broadcast %eq3A_265 : i32 to vector<16xi32>
        %eq3A_267 = arith.cmpi eq, %and3A_264, %eq3A_266 : vector<16xi32>
        %broadcast_in_dim3A_268 = vector.shape_cast %xor3A_17 : vector<16xi32> to vector<16x1xi32>
        %gather3A_269 = vector.shape_cast %broadcast_in_dim3A_268 : vector<16x1xi32> to vector<16xi32>
        %gather3A_270 = tpu.dynamic_gather %get3A_251[%gather3A_269] in [0] : vector<16xf32>, vector<16xi32> -> vector<16xf32>
        %add3A_271 = arith.addf %get3A_251, %gather3A_270 : vector<16xf32>
        %broadcast_in_dim3A_272 = vector.shape_cast %xor3A_17 : vector<16xi32> to vector<16x1xi32>
        %gather3A_273 = vector.shape_cast %broadcast_in_dim3A_272 : vector<16x1xi32> to vector<16xi32>
        %gather3A_274 = tpu.dynamic_gather %get3A_261[%gather3A_273] in [0] : vector<16xf32>, vector<16xi32> -> vector<16xf32>
        %add3A_275 = arith.addf %get3A_261, %gather3A_274 : vector<16xf32>
        %select_n3A_276 = arith.select %eq3A_267, %add3A_271, %add3A_275 : vector<16xi1>, vector<16xf32>
        %mul3A_277 = arith.constant 8 : i32
        %mul3A_278 = arith.muli %mul3A_277, %scan3A_183 : i32
        %add3A_279 = arith.constant 6 : i32
        %add3A_280 = arith.addi %mul3A_278, %add3A_279 : i32
        %get3A_281 = arith.index_cast %add3A_280 : i32 to index
        %get3A_282 = arith.constant 0 : index
        %get3A_283 = tpu.vector_load %arg14[%get3A_281, %get3A_282] {strides = array<i32>} : memref<32x16xf32, #tpu.memory_space<vmem>>, vector<1x16xf32>,
        %get3A_284 = vector.shape_cast %get3A_283 : vector<1x16xf32> to vector<16xf32>
        %mul3A_285 = arith.constant 8 : i32
        %mul3A_286 = arith.muli %mul3A_285, %scan3A_183 : i32
        %add3A_287 = arith.constant 6 : i32
        %add3A_288 = arith.addi %mul3A_286, %add3A_287 : i32
        %add3A_289 = arith.constant 1 : i32
        %add3A_290 = arith.addi %add3A_288, %add3A_289 : i32
        %get3A_291 = arith.index_cast %add3A_290 : i32 to index
        %get3A_292 = arith.constant 0 : index
        %get3A_293 = tpu.vector_load %arg14[%get3A_291, %get3A_292] {strides = array<i32>} : memref<32x16xf32, #tpu.memory_space<vmem>>, vector<1x16xf32>,
        %get3A_294 = vector.shape_cast %get3A_293 : vector<1x16xf32> to vector<16xf32>
        %and3A_295 = arith.constant 4 : i32
        %and3A_296 = vector.broadcast %and3A_295 : i32 to vector<16xi32>
        %and3A_297 = arith.andi %iota3A, %and3A_296 : vector<16xi32>
        %eq3A_298 = arith.constant 0 : i32
        %eq3A_299 = vector.broadcast %eq3A_298 : i32 to vector<16xi32>
        %eq3A_300 = arith.cmpi eq, %and3A_297, %eq3A_299 : vector<16xi32>
        %broadcast_in_dim3A_301 = vector.shape_cast %xor3A_17 : vector<16xi32> to vector<16x1xi32>
        %gather3A_302 = vector.shape_cast %broadcast_in_dim3A_301 : vector<16x1xi32> to vector<16xi32>
        %gather3A_303 = tpu.dynamic_gather %get3A_284[%gather3A_302] in [0] : vector<16xf32>, vector<16xi32> -> vector<16xf32>
        %add3A_304 = arith.addf %get3A_284, %gather3A_303 : vector<16xf32>
        %broadcast_in_dim3A_305 = vector.shape_cast %xor3A_17 : vector<16xi32> to vector<16x1xi32>
        %gather3A_306 = vector.shape_cast %broadcast_in_dim3A_305 : vector<16x1xi32> to vector<16xi32>
        %gather3A_307 = tpu.dynamic_gather %get3A_294[%gather3A_306] in [0] : vector<16xf32>, vector<16xi32> -> vector<16xf32>
        %add3A_308 = arith.addf %get3A_294, %gather3A_307 : vector<16xf32>
        %select_n3A_309 = arith.select %eq3A_300, %add3A_304, %add3A_308 : vector<16xi1>, vector<16xf32>
        %and3A_310 = arith.constant 2 : i32
        %and3A_311 = vector.broadcast %and3A_310 : i32 to vector<16xi32>
        %and3A_312 = arith.andi %iota3A, %and3A_311 : vector<16xi32>
        %eq3A_313 = arith.constant 0 : i32
        %eq3A_314 = vector.broadcast %eq3A_313 : i32 to vector<16xi32>
        %eq3A_315 = arith.cmpi eq, %and3A_312, %eq3A_314 : vector<16xi32>
        %broadcast_in_dim3A_316 = vector.shape_cast %xor3A_20 : vector<16xi32> to vector<16x1xi32>
        %gather3A_317 = vector.shape_cast %broadcast_in_dim3A_316 : vector<16x1xi32> to vector<16xi32>
        %gather3A_318 = tpu.dynamic_gather %select_n3A[%gather3A_317] in [0] : vector<16xf32>, vector<16xi32> -> vector<16xf32>
        %add3A_319 = arith.addf %select_n3A, %gather3A_318 : vector<16xf32>
        %broadcast_in_dim3A_320 = vector.shape_cast %xor3A_20 : vector<16xi32> to vector<16x1xi32>
        %gather3A_321 = vector.shape_cast %broadcast_in_dim3A_320 : vector<16x1xi32> to vector<16xi32>
        %gather3A_322 = tpu.dynamic_gather %select_n3A_243[%gather3A_321] in [0] : vector<16xf32>, vector<16xi32> -> vector<16xf32>
        %add3A_323 = arith.addf %select_n3A_243, %gather3A_322 : vector<16xf32>
        %select_n3A_324 = arith.select %eq3A_315, %add3A_319, %add3A_323 : vector<16xi1>, vector<16xf32>
        %and3A_325 = arith.constant 2 : i32
        %and3A_326 = vector.broadcast %and3A_325 : i32 to vector<16xi32>
        %and3A_327 = arith.andi %iota3A, %and3A_326 : vector<16xi32>
        %eq3A_328 = arith.constant 0 : i32
        %eq3A_329 = vector.broadcast %eq3A_328 : i32 to vector<16xi32>
        %eq3A_330 = arith.cmpi eq, %and3A_327, %eq3A_329 : vector<16xi32>
        %broadcast_in_dim3A_331 = vector.shape_cast %xor3A_20 : vector<16xi32> to vector<16x1xi32>
        %gather3A_332 = vector.shape_cast %broadcast_in_dim3A_331 : vector<16x1xi32> to vector<16xi32>
        %gather3A_333 = tpu.dynamic_gather %select_n3A_276[%gather3A_332] in [0] : vector<16xf32>, vector<16xi32> -> vector<16xf32>
        %add3A_334 = arith.addf %select_n3A_276, %gather3A_333 : vector<16xf32>
        %broadcast_in_dim3A_335 = vector.shape_cast %xor3A_20 : vector<16xi32> to vector<16x1xi32>
        %gather3A_336 = vector.shape_cast %broadcast_in_dim3A_335 : vector<16x1xi32> to vector<16xi32>
        %gather3A_337 = tpu.dynamic_gather %select_n3A_309[%gather3A_336] in [0] : vector<16xf32>, vector<16xi32> -> vector<16xf32>
        %add3A_338 = arith.addf %select_n3A_309, %gather3A_337 : vector<16xf32>
        %select_n3A_339 = arith.select %eq3A_330, %add3A_334, %add3A_338 : vector<16xi1>, vector<16xf32>
        %and3A_340 = arith.constant 1 : i32
        %and3A_341 = vector.broadcast %and3A_340 : i32 to vector<16xi32>
        %and3A_342 = arith.andi %iota3A, %and3A_341 : vector<16xi32>
        %eq3A_343 = arith.constant 0 : i32
        %eq3A_344 = vector.broadcast %eq3A_343 : i32 to vector<16xi32>
        %eq3A_345 = arith.cmpi eq, %and3A_342, %eq3A_344 : vector<16xi32>
        %broadcast_in_dim3A_346 = vector.shape_cast %xor3A_23 : vector<16xi32> to vector<16x1xi32>
        %gather3A_347 = vector.shape_cast %broadcast_in_dim3A_346 : vector<16x1xi32> to vector<16xi32>
        %gather3A_348 = tpu.dynamic_gather %select_n3A_324[%gather3A_347] in [0] : vector<16xf32>, vector<16xi32> -> vector<16xf32>
        %add3A_349 = arith.addf %select_n3A_324, %gather3A_348 : vector<16xf32>
        %broadcast_in_dim3A_350 = vector.shape_cast %xor3A_23 : vector<16xi32> to vector<16x1xi32>
        %gather3A_351 = vector.shape_cast %broadcast_in_dim3A_350 : vector<16x1xi32> to vector<16xi32>
        %gather3A_352 = tpu.dynamic_gather %select_n3A_339[%gather3A_351] in [0] : vector<16xf32>, vector<16xi32> -> vector<16xf32>
        %add3A_353 = arith.addf %select_n3A_339, %gather3A_352 : vector<16xf32>
        %select_n3A_354 = arith.select %eq3A_345, %add3A_349, %add3A_353 : vector<16xi1>, vector<16xf32>
        %mul3A_355 = arith.constant 64 : i32
        %mul3A_356 = arith.muli %add3A_139, %mul3A_355 : i32
        %mul3A_357 = arith.constant 16 : i32
        %mul3A_358 = arith.muli %scan3A_183, %mul3A_357 : i32
        %add3A_359 = arith.addi %mul3A_356, %mul3A_358 : i32
        %swap3A = arith.index_cast %add3A_359 : i32 to index
        %swap3A_360 = tpu.vector_load %arg15[%swap3A] {strides = array<i32>} : memref<512xf32, #tpu.memory_space<vmem>>, vector<16xf32>,
        %swap3A_361 = vector.shape_cast %swap3A_360 : vector<16xf32> to vector<16xf32>
        %swap3A_362 = vector.shape_cast %select_n3A_354 : vector<16xf32> to vector<16xf32>
        tpu.vector_store %arg15[%swap3A], %swap3A_362 {strides = array<i32>} : memref<512xf32, #tpu.memory_space<vmem>>, vector<16xf32>,
      }
      %scan3A_182 = arith.constant 4 : i32
    }
    %scan3A_58 = arith.constant 4 : i32
    "tpu.region"() ({
      %run_scoped3A = tpu.sem_alloc : memref<!tpu.dma_semaphore, #tpu.memory_space<semaphore_mem>>
      %dma_start3A_59 = tpu.memref_slice %arg7[%mul3A_2] : memref<16384xf32, #tpu.memory_space<hbm>> -> memref<512xf32, #tpu.memory_space<hbm>>
      %dma_start3A_60 = tpu.memref_slice %arg7[%mul3A_2] : memref<16384xf32, #tpu.memory_space<hbm>> -> memref<512xf32, #tpu.memory_space<hbm>>
      tpu.enqueue_dma source(%arg15 : memref<512xf32, #tpu.memory_space<vmem>>) target(%dma_start3A_60 : memref<512xf32, #tpu.memory_space<hbm>>) target_semaphore(%run_scoped3A : memref<!tpu.dma_semaphore, #tpu.memory_space<semaphore_mem>>)
      %dma_wait3A_61 = tpu.memref_slice %arg7[%mul3A_2] : memref<16384xf32, #tpu.memory_space<hbm>> -> memref<512xf32, #tpu.memory_space<hbm>>
      %dma_wait3A_62 = tpu.memref_slice %arg7[%mul3A_2] : memref<16384xf32, #tpu.memory_space<hbm>> -> memref<512xf32, #tpu.memory_space<hbm>>
      tpu.wait_dma2 semaphore(%run_scoped3A : memref<!tpu.dma_semaphore, #tpu.memory_space<semaphore_mem>>) src(%arg15 : memref<512xf32, #tpu.memory_space<vmem>>) dst(%dma_wait3A_62 : memref<512xf32, #tpu.memory_space<hbm>>)
      tpu.yield
    }) : () -> ()
    return
  }
}

</mosaic_0001>

<sc_bundles>
// kernel: kernel.3.cloned.1.call-start
scs
__scs_entry_jumppad:
0x0: {  	(pc) =	sbr.rel $0x88, $3  }
0x1: {  	(tag) =	ssettag $0x0;
	lr =	simm.s32 $0x1  }
0x2: {  	[smem:$0x3F9C] =	sst lr;
	_ =	strace $0xD0000000  }
0x3: {  	_ = 	snop  }
0x4: {  	_ = 	snop  }
0x5: {  	_ = 	snop  }
0x6: {  	_ = 	snop  }
0x7: {  	_ = 	snop  }
__scs_overlays_trampoline_lowered:
0x8: {  	[smem:$0x3FAB] =	sst s0  }
0x9: {  	[smem:$0x3FAC] =	sst s1  }
0xa: {  	[smem:$0x3FAD] =	sst s2  }
0xb: {  	[smem:$0x3FAE] =	sst s3  }
0xc: {  	[smem:$0x3FAF] =	sst s4  }
0xd: {  	[smem:$0x3FB0] =	sst s5  }
0xe: {  	[smem:$0x3FB1] =	sst s6  }
0xf: {  	[smem:$0x3FB2] =	sst s7  }
0x10: {  	[smem:$0x3FB3] =	sst s8  }
0x11: {  	[smem:$0x3FB4] =	sst s9;
	s0 =	simm.s32 @!p0 $0x0  }
0x12: {  	s1 =	sld [smem:$0x3F9A];
	s0 =	simm.s32 @p0 $0x1  }
0x13: {  	[smem:$0x3FB5] =	sst s0;
	s0 =	simm.s32 @!p1 $0x0  }
0x14: {  	s2 =	sld [smem:$0x3F99];
	s0 =	simm.s32 @p1 $0x1  }
0x15: {  	[smem:$0x3FB6] =	sst s0;
	s0 =	simm.s32 @!p2 $0x0  }
0x16: {  	s3 =	sld [smem:$0x3FDB];
	s0 =	simm.s32 @p2 $0x1  }
0x17: {  	s4 =	simm.s32 $0x1BF5;
	[smem:$0x3FB8] =	sst s0  }
0x18: {  	s0 =	sld [smem:$0x3F9B];
	_ =	swait.ge [sflag:s4], $0x0  }
0x19: {  	s7 =	sld [smem:$0x3F9C]  }
0x1a: {  	s8 =	sadd.s32 $0xFFFFE003, lr  }
0x1b: {  	s9 =	sadd.s32 $0xFFFFFEF7, lr;
	s5 =	simm.s32 $0xFFFFFFFF;
	p2 =	slt.u32 s8, $0xFFFFF086  }
0x1c: {  	p1 =	slt.u32 s9, $0xF7A;
	s5 =	simm.s32 @!p2 $0x0  }
0x1d: {  	s5 =	simm.s32 @p1 $0x1;
	p0 =	seq.s32 s7, s2  }
0x1e: {  	s7 =	smul.u32 @!p0 $0xF7A, s2;
	p2 =	seq.s32 @!p0 s5, $0x0  }
0x1f: {  	s9 =	smul.u32 $0xF7A, s1;
	s8 =	simm.s32 @!p0 $0x1BF5;
	p2 =	por !p2, p0  }
0x20: {  	[sflag:s8] =	ssyncset.s32 @!p0 $0xFFFFF086;
	s6 =	sadd.s32 @!p0 s3, s7;
	s7 =	simm.s32 @!p0 $0x108  }
0x21: {  	s3 =	sadd.s32 s3, s9;
	s6 =	sadd.s32 @!p0 $0x88, s6;
	s7 =	simm.s32 @p2 $0x1082  }
0x22: {  	[simem:s7], [sflag:s8] =	dma.local @!p0 [hbm:s6], $0xF7A  }
0x23: {  	s9 =	sor.u32 $0xD0000000, s2;
	s6 =	simm.s32 $0x108;
	_ =	swait.ge @!p0 [sflag:s8], $0x0  }
0x24: {  	s3 =	sadd.s32 $0x88, s3;
	s6 =	simm.s32 @!p1 $0x1082;
	[sflag:s4] =	ssyncset.s32 $0xFFFFF086  }
0x25: {  	[simem:s6], [sflag:s4] =	dma.local [hbm:s3], $0xF7A  }
0x26: {  	[smem:$0x3F9C] =	sst s1;
	(tag) =	ssettag s2;
	_ =	strace s9  }
0x27: {  	s1 =	sld [smem:$0x3FAC]  }
0x28: {  	s2 =	sld [smem:$0x3FAD]  }
0x29: {  	s4 =	sld [smem:$0x3FAF]  }
0x2a: {  	p0 =	seq.s32 s5, $0x0;
	s5 =	sld [smem:$0x3FB0]  }
0x2b: {  	s6 =	sld [smem:$0x3FB1]  }
0x2c: {  	s7 =	sld [smem:$0x3FB2]  }
0x2d: {  	s3 =	simm.s32 $0x108;
	s8 =	sld [smem:$0x3FB3]  }
0x2e: {  	s3 =	simm.s32 @!p0 $0x1082;
	s9 =	sld [smem:$0x3FB4]  }
0x2f: {  	lr =	sadd.s32 s0, s3;
	s0 =	sld [smem:$0x3FAB]  }
0x30: {  	s3 =	sld [smem:$0x3FAE]  }
0x31: {  	[smem:$0x3FB7] =	sst s10  }
0x32: {  	s10 =	sld [smem:$0x3FB5];
	_ =	sdelay $0x3  }
0x33: {  	p0 =	seq.s32 s10, $0x1;
	s10 =	sld [smem:$0x3FB7];
	_ =	sdelay $0x3  }
0x34: {  	[smem:$0x3FB7] =	sst s10  }
0x35: {  	s10 =	sld [smem:$0x3FB6];
	_ =	sdelay $0x3  }
0x36: {  	p1 =	seq.s32 s10, $0x1;
	s10 =	sld [smem:$0x3FB7];
	_ =	sdelay $0x3  }
0x37: {  	[smem:$0x3FB7] =	sst s10  }
0x38: {  	s10 =	sld [smem:$0x3FB8]  }
0x39: {  	_ = 	snop;
	(pc) =	sbr.ind lr, $3  }
0x3a: {  	_ = 	snop  }
0x3b: {  	_ = 	snop  }
0x3c: {  	p2 =	seq.s32 s10, $0x1;
	s10 =	sld [smem:$0x3FB7]  }
0x3d: {  	_ =	shalt  }
0x3e: {  	_ =	shalt  }
0x3f: {  	_ =	shalt  }
0x40: {  	_ =	shalt  }
0x41: {  	_ =	shalt  }
0x42: {  	_ =	shalt  }
0x43: {  	_ =	shalt  }
0x44: {  	_ =	shalt  }
0x45: {  	_ =	shalt  }
0x46: {  	_ =	shalt  }
0x47: {  	_ =	shalt  }
0x48: {  	_ =	shalt  }
0x49: {  	_ =	shalt  }
0x4a: {  	_ =	shalt  }
0x4b: {  	_ =	shalt  }
0x4c: {  	_ =	shalt  }
0x4d: {  	_ =	shalt  }
0x4e: {  	_ =	shalt  }
0x4f: {  	_ =	shalt  }
0x50: {  	_ =	shalt  }
0x51: {  	_ =	shalt  }
0x52: {  	_ =	shalt  }
0x53: {  	_ =	shalt  }
0x54: {  	_ =	shalt  }
0x55: {  	_ =	shalt  }
0x56: {  	_ =	shalt  }
0x57: {  	_ =	shalt  }
0x58: {  	_ =	shalt  }
0x59: {  	_ =	shalt  }
0x5a: {  	_ =	shalt  }
0x5b: {  	_ =	shalt  }
0x5c: {  	_ =	shalt  }
0x5d: {  	_ =	shalt  }
0x5e: {  	_ =	shalt  }
0x5f: {  	_ =	shalt  }
0x60: {  	_ =	shalt  }
0x61: {  	_ =	shalt  }
0x62: {  	_ =	shalt  }
0x63: {  	_ =	shalt  }
0x64: {  	_ =	shalt  }
0x65: {  	_ =	shalt  }
0x66: {  	_ =	shalt  }
0x67: {  	_ =	shalt  }
0x68: {  	_ =	shalt  }
0x69: {  	_ =	shalt  }
0x6a: {  	_ =	shalt  }
0x6b: {  	_ =	shalt  }
0x6c: {  	_ =	shalt  }
0x6d: {  	_ =	shalt  }
0x6e: {  	_ =	shalt  }
0x6f: {  	_ =	shalt  }
0x70: {  	_ =	shalt  }
0x71: {  	_ =	shalt  }
0x72: {  	_ =	shalt  }
0x73: {  	_ =	shalt  }
0x74: {  	_ =	shalt  }
0x75: {  	_ =	shalt  }
0x76: {  	_ =	shalt  }
0x77: {  	_ =	shalt  }
0x78: {  	_ =	shalt  }
0x79: {  	_ =	shalt  }
0x7a: {  	_ =	shalt  }
0x7b: {  	_ =	shalt  }
0x7c: {  	_ =	shalt  }
0x7d: {  	_ =	shalt  }
0x7e: {  	_ =	shalt  }
0x7f: {  	_ =	shalt  }
0x80: {  	_ =	shalt  }
0x81: {  	_ =	shalt  }
0x82: {  	_ =	shalt  }
0x83: {  	_ =	shalt  }
0x84: {  	_ =	shalt  }
0x85: {  	_ =	shalt  }
0x86: {  	_ =	shalt  }
0x87: {  	_ =	shalt  }
.Lfunc_end0:
.L_simem_size_0:
called_computation_lowered:
.L_overlay_start_0:
0x88: {  	s2 =	sld [smem:$0x3FD9]  }
0x89: {  	s3 =	sld [smem:$0x3FFE];
	_ =	sdelay $0x1  }
0x8a: {  	s1 =	srdreg.scid  }
0x8b: {  	s0 =	sand.u32 $0x1, s1  }
0x8c: {  	s18 =	sshll.u32 s0, $0xA;
	s2 =	sadd.s32 s3, s2  }
0x8d: {  	s2 =	sadd.s32 s2, s18  }
0x8e: {  	[smem:$0x3FC3] =	sst s2  }
0x8f: {  	_ = 	snop  }
0x90: {  	s2 =	sld [smem:$0x3FC9]  }
0x91: {  	s19 =	sld [smem:$0x3FC8]  }
0x92: {  	s4 =	sld [smem:$0x3FC7]  }
0x93: {  	s5 =	sld [smem:$0x3FC6]  }
0x94: {  	s6 =	sld [smem:$0x3FC5]  }
0x95: {  	s7 =	sld [smem:$0x3FD0];
	(tm) =	ssettm $0x1  }
0x96: {  	s8 =	sld [smem:$0x3FFB];
	_ =	sdelay $0x3  }
0x97: {  	_ =	strace s8  }
0x98: {  	s8 =	sld [smem:$0x3FFC];
	_ =	sdelay $0x3  }
0x99: {  	_ =	strace s8  }
0x9a: {  	s8 =	sld [smem:$0x3FFD];
	_ =	sdelay $0x3  }
0x9b: {  	_ =	strace s8  }
0x9c: {  	_ =	strace $0x8FFFFFFF  }
0x9d: {  	s20 =	sld [smem:$0x3FDB];
	_ =	sdelay $0x1  }
0x9e: {  	s9 =	simm.s32 $_scs_section_size  }
0x9f: {  	s10 =	simm.s32 $_size__tile_overlayer_lowered;
	s11 =	simm.s32 $_tile_overlayer_lowered  }
0xa0: {  	s23 =	simm.s32 $0x1BFF;
	s22 =	sshll.u32 s11, $0x1;
	s8 =	sadd.s32 s9, s20  }
0xa1: {  	s12 =	simm.s32 $0x0;
	s21 =	sshll.u32 s10, $0x1;
	s10 =	sadd.s32 s22, s8  }
0xa2: {  	[timem:s12], [sflag:s23] =	dma.local [hbm:s10], s21  }
0xa3: {  	_ =	swait.ge [sflag:s23], s21  }
0xa4: {  	s9 =	ssub.s32 $0x0, s21;
	[sflag:s23] =	ssyncset.done $0x0  }
0xa5: {  	[sflag:s23] =	ssyncadd.s32 s9;
	_ =	sdelay $0x1  }
0xa6: {  	s24 =	simm.s32 $0x1B8B  }
0xa7: {  	_ =	swait.ge [sflag:s24], $0x1  }
0xa8: {  	[sflag:s24] =	ssyncset.done $0x0  }
0xa9: {  	s25 =	simm.s32 $0x1B8E;
	[sflag:s24] =	ssyncadd.s32 $0xFFFFFFFF  }
0xaa: {  	s26 =	simm.s32 $execute0_lowered;
	[smem:$0x3FD2] =	sst s25  }
0xab: {  	s9 =	sshll.u32 s26, $0x1;
	_ =	strace $0x80000046;
	[dreg:$0x1] =	wrdreg $0xFFFFFFFF  }
0xac: {  	s28 =	simm.s32 $_size_execute0_lowered;
	s8 =	sadd.s32 s8, s9;
	[dreg:$0x0] =	wrdreg $0x0  }
0xad: {  	s9 =	sshll.u32 s28, $0x1;
	[dreg:$0x2] =	wrdreg s8  }
0xae: {  	[dreg:$0x3] =	wrdreg s9  }
0xaf: {  	[dreg:$0x4] =	wrdreg $0xC0  }
0xb0: {  	_ =	task [dreg:s12], $0x5FFFF  }
0xb1: {  	[dreg:$0x1] =	wrdreg $0xFFFFFFFF  }
0xb2: {  	[dreg:$0x0] =	wrdreg $0x60  }
0xb3: {  	[dreg:$0x2] =	wrdreg s2  }
0xb4: {  	[dreg:$0x3] =	wrdreg s19  }
0xb5: {  	[dreg:$0x4] =	wrdreg s4  }
0xb6: {  	[dreg:$0x5] =	wrdreg s5  }
0xb7: {  	[dreg:$0x6] =	wrdreg s6  }
0xb8: {  	[dreg:$0x7] =	wrdreg s7  }
0xb9: {  	[dreg:$0x8] =	wrdreg $0x9  }
0xba: {  	_ =	task.clear_ibuf [dreg:s12], $0x9FFFF;
	_ =	strace $0x90000046  }
0xbb: {  	s29 =	simm.s32 $0x9;
	_ =	strace $0x80000048  }
0xbc: {  	_ =	swait.ge [sflag:s29], $0x1  }
0xbd: {  	[sflag:s29] =	ssyncadd.s32 $0xFFFFFFFF  }
0xbe: {  	_ =	strace $0x90000048  }
0xbf: {  	_ =	sfence  }
0xc0: {  	s30 =	sld [smem:$0x0];
	_ =	sdelay $0x2  }
0xc1: {  	s31 =	sshll.u32 s1, $0xD;
	s1 =	sshrl.u32 s1, $0x2  }
0xc2: {  	s3 =	sand.u32 $0x4000, s31;
	s1 =	sadd.s32 s1, s30  }
0xc3: {  	s0 =	sor.u32 s3, s0;
	s1 =	sshll.u32 s1, $0x11  }
0xc4: {  	s0 =	sor.u32 s1, s0  }
0xc5: {  	s0 =	sadd.s32 $0x8F2B, s0  }
0xc6: {  	[sflag:s0] =	ssyncadd.remote.s32 $0x1  }
0xc7: {  	_ =	sfence.sel $0xFFFF  }
0xc8: {  	[dreg:$0x0] =	wrdreg $0xFFFFFFFF;
	(pc) =	sbr.abs _section_cstart, $3  }
0xc9: {  	[dreg:$0x1] =	wrdreg $0xFFFFFFFF  }
0xca: {  	_ =	task.clear_ibuf [dreg:s12], $0x2FFFF;
	_ =	strace $0x9FFFFFFF  }
0xcb: {  	(tm) =	ssettm $0x7FFFFFFF  }
tec
execute0_lowered:
.L_overlay_start_1:
0x0: {  	(tag) =	ssettag $0x1  }
0x1: {  	v0 =	vimm.s32 $0xFEDCBA98;
	v1 =	vimm.s32 $0x76543210;
	v3 =	vlaneseq.u32  }
0x2: {  	v5 =	vimm.s32 $0x32107654;
	v7 =	vimm.s32 $0xDCFE98BA;
	v8 =	vimm.s32 $0x54761032  }
0x3: {  	vm1 =	vcmask $0x2F20;
	vm2 =	vcmask $0xF00;
	vm3 =	vcmask $0x700  }
0x4: {  	s1 =	rddreg [dreg:$0x0];
	vm4 =	vcmask $0x300;
	v0 =	vunpack.c.l.s4.s8 v0;
	v1 =	vunpack.c.l.s4.s8 v1  }
0x5: {  	s2 =	rddreg [dreg:$0x1];
	v5 =	vunpack.c.l.s4.s8 v5;
	vm1 =	vmor vm2, vm1;
	vm2 =	vcmask $0x1710  }
0x6: {  	s0 =	rddreg [dreg:$0x2];
	v6 =	vshrl.u32 v3, $0x3;
	vm2 =	vmor vm3, vm2;
	vm3 =	vcmask $0x2720  }
0x7: {  	s3 =	rddreg [dreg:$0x3];
	v2 =	vunpack.c.0.s8.s32 v0;
	v0 =	vimm.s32 $0xBA98FEDC;
	v1 =	vunpack.c.0.s8.s32 v1  }
0x8: {  	s5 =	rddreg [dreg:$0x4];
	vm2 =	vmor vm2, vm3;
	vm3 =	vcmask $0x3730;
	v4 =	vunpack.c.l.s4.s8 v0  }
0x9: {  	s6 =	rddreg [dreg:$0x5];
	s7 =	srdreg.scid;
	v5 =	vunpack.c.0.s8.s32 v5;
	vm2 =	vmor vm2, vm3;
	v2 =	vand.u32 $0xF, v2  }
0xa: {  	s4 =	simm.s32 $0x0;
	s9 =	stileid.u32;
	s12 =	simm.s32 $0x1;
	vm3 =	vcmask $0xB08;
	v1 =	vcombine.low v2, v1;
	v4 =	vunpack.c.0.s8.s32 v4  }
0xb: {  	s13 =	simm.s32 $0x2;
	s21 =	simm.s32 $0x3;
	s28 =	simm.s32 $0xEE00;
	v2 =	vmul.u32 $0x8, v6;
	v6 =	vunpack.c.l.s4.s8 v7;
	v7 =	vunpack.c.l.s4.s8 v8  }
0xc: {  	s29 =	simm.s32 $0xF600;
	s30 =	simm.s32 $0xFE00;
	s31 =	simm.s32 $0x14600;
	vm3 =	vmor vm4, vm3;
	vm4 =	vcmask $0x1310  }
0xd: {  	s11 =	simm.s32 $0x16600;
	s14 =	simm.s32 $0x6;
	s17 =	simm.s32 $0x0;
	v4 =	vcombine.low v5, v4;
	v5 =	vunpack.c.0.s8.s32 v6;
	v6 =	vunpack.c.0.s8.s32 v7  }
0xe: {  	vm0 =	vmmov $0xffff;
	s7 =	sand.u32 $0x1, s7;
	s9 =	sshll.u32 s9, $0x7;
	[smem:$0x7FF] =	sst s4;
	vm3 =	vmor vm3, vm4  }
0xf: {  	s8 =	ssub.s32 $0x2, s7;
	s7 =	sshll.u32 s7, $0x6;
	_ =	strace $0x80000047;
	v7 =	vimm.s32 $0x67452301;
	v5 =	vcombine.low v6, v5;
	v6 =	vimm.s32 $0xEFCDAB89  }
0x10: {  	s10 =	sshrl.u32 s8, $0x1;
	s7 =	sor.u32 s7, s9;
	s9 =	simm.s32 $0x5;
	vm4 =	vcmask $0x1B18;
	v7 =	vunpack.c.l.s4.s8 v7;
	v6 =	vunpack.c.l.s4.s8 v6  }
0x11: {  	vm5 =	vcmask $0x2B28;
	s8 =	ssub.s32 s8, s10;
	s0 =	sadd.s32 s0, s7;
	s23 =	sadd.s32 s3, s7;
	v0 =	vand.u32 $0x7, v3;
	vm3 =	vmor vm3, vm4  }
0x12: {  	s24 =	sadd.s32 s5, s7;
	s25 =	sadd.s32 s6, s7;
	[dreg:$0x7] =	wrdreg s0;
	vm4 =	vcmask $0x2320;
	v7 =	vunpack.c.0.s8.s32 v7;
	v6 =	vunpack.c.0.s8.s32 v6  }
0x13: {  	s3 =	simm.s32 $0x15600;
	s10 =	simm.s32 $0x15E00;
	[dreg:$0x8] =	wrdreg s23;
	[tilespmem:$0x1FFE0] =	vst v0;
	v0 =	vor.u32 $0x8, v3;
	vm4 =	vmor vm3, vm4;
	vm3 =	vmmov $0xff  }
0x14: {  	s5 =	simm.s32 $0x16E00;
	s6 =	simm.s32 $0x17600;
	[dreg:$0x9] =	wrdreg s24;
	vm4 =	vmor vm4, vm5;
	vm5 =	vcmask $0x3330;
	v6 =	vcombine.low v7, v6  }
0x15: {  	s7 =	simm.s32 $0x17E00;
	[dreg:$0xa] =	wrdreg s25;
	s26 =	smax.u32 s8, $0x1;
	v4 =	vand.u32 $0xF, v4;
	vm4 =	vmor vm4, vm5;
	vm5 =	vcmask $0x3B38  }
0x16: {  	s0 =	simm.s32 $0x14E00;
	s8 =	simm.s32 $0x4;
	[dreg:$0xb] =	wrdreg s26;
	[tilespmem:$0x1FFF0] =	vst v0;
	vm4 =	vmor vm4, vm5;
	v5 =	vand.u32 $0xF, v5;
	v6 =	vand.u32 $0xF, v6  }
.LBB2_1:
0x17: {  	[dreg:$0xc] =	wrdreg s17  }
0x18: {  	s15 =	rddreg [dreg:$0x7]  }
0x19: {  	[tilespmem:s4], [sflag:$0x1] =	stream.linear.gather [hbm4b:s15+s4], $0x200, $0x38;
	[tilespmem:$0x19800] =	vst v63  }
0x1a: {  	s19 =	rddreg [dreg:$0x8];
	s16 =	simm.s32 $0x200  }
0x1b: {  	[tilespmem:s16], [sflag:$0x2] =	stream.linear.gather [hbm4b:s19+s4], $0x200, $0x38;
	[tilespmem:$0x19800] =	vst v63  }
0x1c: {  	s20 =	rddreg [dreg:$0x9];
	s22 =	simm.s32 $0x400  }
0x1d: {  	[tilespmem:s22], [sflag:$0x3] =	stream.linear.gather [hbm4b:s20+s4], $0x200, $0x38;
	[tilespmem:$0x19800] =	vst v63  }
0x1e: {  	_ =	swait.ge [sflag:s12], $0x200  }
0x1f: {  	[sflag:s12] =	ssyncset.done $0x0  }
0x20: {  	[sflag:s12] =	ssyncadd.s32 $0xFFFFFE00  }
0x21: {  	_ =	swait.ge [sflag:s13], $0x200  }
0x22: {  	[sflag:s13] =	ssyncset.done $0x0  }
0x23: {  	[sflag:s13] =	ssyncadd.s32 $0xFFFFFE00  }
0x24: {  	_ =	swait.ge [sflag:s21], $0x200  }
0x25: {  	[sflag:s21] =	ssyncset.done $0x0  }
0x26: {  	[sflag:s21] =	ssyncadd.s32 $0xFFFFFE00  }
0x27: {  	v7 =	vld [tilespmem:$0x0];
	_ =	sdelay $0x2  }
0x28: {  	v0 =	vld [tilespmem:$0x1FFE0];
	_ =	sdelay $0x1  }
0x29: {  	v3 =	vld [tilespmem:$0x1FFF0];
	v8 =	vshll.u32 v7, $0x1  }
0x2a: {  	v7 =	vand.u32 $0x7, v7;
	v8 =	vand.u32 $0xFFFFFFF0, v8  }
0x2b: {  	v7 =	vor.u32 v7, v8  }
0x2c: {  	v8 =	vperm.xlane v7, v0;
	_ =	sdelay $0x1  }
0x2d: {  	v7 =	vperm.xlane v7, v3;
	v8 =	vadd.s32 v2, v8;
	_ =	sdelay $0x1  }
0x2e: {  	v7 =	vadd.s32 v2, v7;
	_ =	sdelay $0x1  }
0x2f: {  	s23 =	simm.s32 $0x600  }
0x30: {  	[tilespmem:s23], [sflag:$0x1] =	stream.indirect_vreg.gather [hbm4b:s1+s4], $0x80, v8, vm0, $0xb8;
	[tilespmem:$0x19800] =	vst v63  }
0x31: {  	s24 =	simm.s32 $0xE00  }
0x32: {  	[tilespmem:s24], [sflag:$0x1] =	stream.indirect_vreg.gather [hbm4b:s1+s4], $0x80, v7, vm0, $0xb8;
	[tilespmem:$0x19800] =	vst v63  }
0x33: {  	v7 =	vld [tilespmem:$0x10];
	_ =	sdelay $0x4  }
0x34: {  	v8 =	vshll.u32 v7, $0x1  }
0x35: {  	v7 =	vand.u32 $0x7, v7;
	v8 =	vand.u32 $0xFFFFFFF0, v8  }
0x36: {  	v7 =	vor.u32 v7, v8  }
0x37: {  	v8 =	vperm.xlane v7, v0;
	_ =	sdelay $0x1  }
0x38: {  	v7 =	vperm.xlane v7, v3;
	v8 =	vadd.s32 v2, v8;
	_ =	sdelay $0x1  }
0x39: {  	v7 =	vadd.s32 v2, v7;
	_ =	sdelay $0x1  }
0x3a: {  	s25 =	simm.s32 $0x1600  }
0x3b: {  	[tilespmem:s25], [sflag:$0x1] =	stream.indirect_vreg.gather [hbm4b:s1+s4], $0x80, v8, vm0, $0xb8;
	[tilespmem:$0x19800] =	vst v63  }
0x3c: {  	s26 =	simm.s32 $0x1E00  }
0x3d: {  	[tilespmem:s26], [sflag:$0x1] =	stream.indirect_vreg.gather [hbm4b:s1+s4], $0x80, v7, vm0, $0xb8;
	[tilespmem:$0x19800] =	vst v63  }
0x3e: {  	v7 =	vld [tilespmem:$0x20];
	_ =	sdelay $0x4  }
0x3f: {  	v8 =	vshll.u32 v7, $0x1  }
0x40: {  	v7 =	vand.u32 $0x7, v7;
	v8 =	vand.u32 $0xFFFFFFF0, v8  }
0x41: {  	v7 =	vor.u32 v7, v8  }
0x42: {  	v8 =	vperm.xlane v7, v0;
	_ =	sdelay $0x1  }
0x43: {  	v7 =	vperm.xlane v7, v3;
	v8 =	vadd.s32 v2, v8;
	_ =	sdelay $0x1  }
0x44: {  	v7 =	vadd.s32 v2, v7;
	_ =	sdelay $0x1  }
0x45: {  	s16 =	simm.s32 $0x2600  }
0x46: {  	[tilespmem:s16], [sflag:$0x1] =	stream.indirect_vreg.gather [hbm4b:s1+s4], $0x80, v8, vm0, $0xb8;
	[tilespmem:$0x19800] =	vst v63  }
0x47: {  	s17 =	simm.s32 $0x2E00  }
0x48: {  	[tilespmem:s17], [sflag:$0x1] =	stream.indirect_vreg.gather [hbm4b:s1+s4], $0x80, v7, vm0, $0xb8;
	[tilespmem:$0x19800] =	vst v63  }
0x49: {  	v7 =	vld [tilespmem:$0x30];
	_ =	sdelay $0x4  }
0x4a: {  	v8 =	vshll.u32 v7, $0x1  }
0x4b: {  	v7 =	vand.u32 $0x7, v7;
	v8 =	vand.u32 $0xFFFFFFF0, v8  }
0x4c: {  	v7 =	vor.u32 v7, v8  }
0x4d: {  	v8 =	vperm.xlane v7, v0;
	_ =	sdelay $0x1  }
0x4e: {  	v7 =	vperm.xlane v7, v3;
	v8 =	vadd.s32 v2, v8;
	_ =	sdelay $0x1  }
0x4f: {  	v7 =	vadd.s32 v2, v7;
	_ =	sdelay $0x1  }
0x50: {  	s18 =	simm.s32 $0x3600  }
0x51: {  	[tilespmem:s18], [sflag:$0x1] =	stream.indirect_vreg.gather [hbm4b:s1+s4], $0x80, v8, vm0, $0xb8;
	[tilespmem:$0x19800] =	vst v63  }
0x52: {  	s19 =	simm.s32 $0x3E00  }
0x53: {  	[tilespmem:s19], [sflag:$0x1] =	stream.indirect_vreg.gather [hbm4b:s1+s4], $0x80, v7, vm0, $0xb8;
	[tilespmem:$0x19800] =	vst v63  }
0x54: {  	v7 =	vld [tilespmem:$0x200];
	_ =	sdelay $0x4  }
0x55: {  	v8 =	vshll.u32 v7, $0x1  }
0x56: {  	v7 =	vand.u32 $0x7, v7;
	v8 =	vand.u32 $0xFFFFFFF0, v8  }
0x57: {  	v7 =	vor.u32 v7, v8  }
0x58: {  	v8 =	vperm.xlane v7, v0;
	_ =	sdelay $0x1  }
0x59: {  	v7 =	vperm.xlane v7, v3;
	v8 =	vadd.s32 v2, v8;
	_ =	sdelay $0x1  }
0x5a: {  	v7 =	vadd.s32 v2, v7;
	_ =	sdelay $0x1  }
0x5b: {  	s20 =	simm.s32 $0x8600  }
0x5c: {  	[tilespmem:s20], [sflag:$0x2] =	stream.indirect_vreg.gather [hbm4b:s2+s4], $0x80, v8, vm0, $0xb8;
	[tilespmem:$0x19800] =	vst v63  }
0x5d: {  	s22 =	simm.s32 $0x8E00  }
0x5e: {  	[tilespmem:s22], [sflag:$0x2] =	stream.indirect_vreg.gather [hbm4b:s2+s4], $0x80, v7, vm0, $0xb8;
	[tilespmem:$0x19800] =	vst v63  }
0x5f: {  	v7 =	vld [tilespmem:$0x210];
	_ =	sdelay $0x4  }
0x60: {  	v8 =	vshll.u32 v7, $0x1  }
0x61: {  	v7 =	vand.u32 $0x7, v7;
	v8 =	vand.u32 $0xFFFFFFF0, v8  }
0x62: {  	v7 =	vor.u32 v7, v8  }
0x63: {  	v8 =	vperm.xlane v7, v0;
	_ =	sdelay $0x1  }
0x64: {  	v7 =	vperm.xlane v7, v3;
	v8 =	vadd.s32 v2, v8;
	_ =	sdelay $0x1  }
0x65: {  	v7 =	vadd.s32 v2, v7;
	_ =	sdelay $0x1  }
0x66: {  	s23 =	simm.s32 $0x9600  }
0x67: {  	[tilespmem:s23], [sflag:$0x2] =	stream.indirect_vreg.gather [hbm4b:s2+s4], $0x80, v8, vm0, $0xb8;
	[tilespmem:$0x19800] =	vst v63  }
0x68: {  	s24 =	simm.s32 $0x9E00  }
0x69: {  	[tilespmem:s24], [sflag:$0x2] =	stream.indirect_vreg.gather [hbm4b:s2+s4], $0x80, v7, vm0, $0xb8;
	[tilespmem:$0x19800] =	vst v63  }
0x6a: {  	v7 =	vld [tilespmem:$0x220];
	_ =	sdelay $0x4  }
0x6b: {  	v8 =	vshll.u32 v7, $0x1  }
0x6c: {  	v7 =	vand.u32 $0x7, v7;
	v8 =	vand.u32 $0xFFFFFFF0, v8  }
0x6d: {  	v7 =	vor.u32 v7, v8  }
0x6e: {  	v8 =	vperm.xlane v7, v0;
	_ =	sdelay $0x1  }
0x6f: {  	v7 =	vperm.xlane v7, v3;
	v8 =	vadd.s32 v2, v8;
	_ =	sdelay $0x1  }
0x70: {  	v7 =	vadd.s32 v2, v7;
	_ =	sdelay $0x1  }
0x71: {  	s25 =	simm.s32 $0xA600  }
0x72: {  	[tilespmem:s25], [sflag:$0x2] =	stream.indirect_vreg.gather [hbm4b:s2+s4], $0x80, v8, vm0, $0xb8;
	[tilespmem:$0x19800] =	vst v63  }
0x73: {  	s26 =	simm.s32 $0xAE00  }
0x74: {  	[tilespmem:s26], [sflag:$0x2] =	stream.indirect_vreg.gather [hbm4b:s2+s4], $0x80, v7, vm0, $0xb8;
	[tilespmem:$0x19800] =	vst v63  }
0x75: {  	v7 =	vld [tilespmem:$0x230];
	_ =	sdelay $0x4  }
0x76: {  	v8 =	vshll.u32 v7, $0x1  }
0x77: {  	v7 =	vand.u32 $0x7, v7;
	v8 =	vand.u32 $0xFFFFFFF0, v8  }
0x78: {  	v7 =	vor.u32 v7, v8  }
0x79: {  	v8 =	vperm.xlane v7, v0;
	_ =	sdelay $0x1  }
0x7a: {  	v7 =	vperm.xlane v7, v3;
	v8 =	vadd.s32 v2, v8;
	_ =	sdelay $0x1  }
0x7b: {  	v7 =	vadd.s32 v2, v7;
	_ =	sdelay $0x1  }
0x7c: {  	s16 =	simm.s32 $0xB600  }
0x7d: {  	[tilespmem:s16], [sflag:$0x2] =	stream.indirect_vreg.gather [hbm4b:s2+s4], $0x80, v8, vm0, $0xb8;
	[tilespmem:$0x19800] =	vst v63  }
0x7e: {  	s17 =	simm.s32 $0xBE00  }
0x7f: {  	[tilespmem:s17], [sflag:$0x2] =	stream.indirect_vreg.gather [hbm4b:s2+s4], $0x80, v7, vm0, $0xb8;
	[tilespmem:$0x19800] =	vst v63  }
0x80: {  	v7 =	vld [tilespmem:$0x400];
	_ =	sdelay $0x4  }
0x81: {  	v8 =	vshll.u32 v7, $0x1  }
0x82: {  	v7 =	vand.u32 $0x7, v7;
	v8 =	vand.u32 $0xFFFFFFF0, v8  }
0x83: {  	v7 =	vor.u32 v7, v8  }
0x84: {  	v8 =	vperm.xlane v7, v0;
	_ =	sdelay $0x1  }
0x85: {  	v7 =	vperm.xlane v7, v3;
	v8 =	vadd.s32 v2, v8;
	_ =	sdelay $0x1  }
0x86: {  	v7 =	vadd.s32 v2, v7;
	_ =	sdelay $0x1  }
0x87: {  	s18 =	simm.s32 $0x10600  }
0x88: {  	[tilespmem:s18], [sflag:$0x3] =	stream.indirect_vreg.gather [hbm4b:s1+s4], $0x80, v8, vm0, $0xb8;
	[tilespmem:$0x19800] =	vst v63  }
0x89: {  	s19 =	simm.s32 $0x10E00  }
0x8a: {  	[tilespmem:s19], [sflag:$0x3] =	stream.indirect_vreg.gather [hbm4b:s1+s4], $0x80, v7, vm0, $0xb8;
	[tilespmem:$0x19800] =	vst v63  }
0x8b: {  	v7 =	vld [tilespmem:$0x410];
	_ =	sdelay $0x4  }
0x8c: {  	v8 =	vshll.u32 v7, $0x1  }
0x8d: {  	v7 =	vand.u32 $0x7, v7;
	v8 =	vand.u32 $0xFFFFFFF0, v8  }
0x8e: {  	v7 =	vor.u32 v7, v8  }
0x8f: {  	v8 =	vperm.xlane v7, v0;
	_ =	sdelay $0x1  }
0x90: {  	v7 =	vperm.xlane v7, v3;
	v8 =	vadd.s32 v2, v8;
	_ =	sdelay $0x1  }
0x91: {  	v7 =	vadd.s32 v2, v7;
	_ =	sdelay $0x1  }
0x92: {  	s20 =	simm.s32 $0x11600  }
0x93: {  	[tilespmem:s20], [sflag:$0x3] =	stream.indirect_vreg.gather [hbm4b:s1+s4], $0x80, v8, vm0, $0xb8;
	[tilespmem:$0x19800] =	vst v63  }
0x94: {  	s22 =	simm.s32 $0x11E00  }
0x95: {  	[tilespmem:s22], [sflag:$0x3] =	stream.indirect_vreg.gather [hbm4b:s1+s4], $0x80, v7, vm0, $0xb8;
	[tilespmem:$0x19800] =	vst v63  }
0x96: {  	v7 =	vld [tilespmem:$0x420];
	_ =	sdelay $0x4  }
0x97: {  	v8 =	vshll.u32 v7, $0x1  }
0x98: {  	v7 =	vand.u32 $0x7, v7;
	v8 =	vand.u32 $0xFFFFFFF0, v8  }
0x99: {  	v7 =	vor.u32 v7, v8  }
0x9a: {  	v8 =	vperm.xlane v7, v0;
	_ =	sdelay $0x1  }
0x9b: {  	v7 =	vperm.xlane v7, v3;
	v8 =	vadd.s32 v2, v8;
	_ =	sdelay $0x1  }
0x9c: {  	v7 =	vadd.s32 v2, v7;
	_ =	sdelay $0x1  }
0x9d: {  	s23 =	simm.s32 $0x12600  }
0x9e: {  	[tilespmem:s23], [sflag:$0x3] =	stream.indirect_vreg.gather [hbm4b:s1+s4], $0x80, v8, vm0, $0xb8;
	[tilespmem:$0x19800] =	vst v63  }
0x9f: {  	s24 =	simm.s32 $0x12E00  }
0xa0: {  	[tilespmem:s24], [sflag:$0x3] =	stream.indirect_vreg.gather [hbm4b:s1+s4], $0x80, v7, vm0, $0xb8;
	[tilespmem:$0x19800] =	vst v63  }
0xa1: {  	v7 =	vld [tilespmem:$0x430];
	_ =	sdelay $0x4  }
0xa2: {  	v8 =	vshll.u32 v7, $0x1  }
0xa3: {  	v7 =	vand.u32 $0x7, v7;
	v8 =	vand.u32 $0xFFFFFFF0, v8  }
0xa4: {  	v7 =	vor.u32 v7, v8  }
0xa5: {  	v8 =	vperm.xlane v7, v0;
	_ =	sdelay $0x1  }
0xa6: {  	v7 =	vperm.xlane v7, v3;
	v8 =	vadd.s32 v2, v8;
	_ =	sdelay $0x1  }
0xa7: {  	v7 =	vadd.s32 v2, v7;
	_ =	sdelay $0x1  }
0xa8: {  	s15 =	simm.s32 $0x19640;
	s25 =	simm.s32 $0x13600  }
0xa9: {  	[tilespmem:s25], [sflag:$0x3] =	stream.indirect_vreg.gather [hbm4b:s1+s4], $0x80, v8, vm0, $0xb8;
	[tilespmem:$0x19800] =	vst v63  }
0xaa: {  	s26 =	simm.s32 $0x13E00;
	s16 =	simm.s32 $0x19600;
	s17 =	simm.s32 $0x0  }
0xab: {  	[tilespmem:s26], [sflag:$0x3] =	stream.indirect_vreg.gather [hbm4b:s1+s4], $0x80, v7, vm0, $0xb8;
	[tilespmem:$0x19800] =	vst v63  }
.LBB2_2:
0xac: {  	s18 =	sshll.u32 s17, $0x7  }
0xad: {  	v7 =	vld [tilespmem:s18+$0x40];
	_ =	sdelay $0x2  }
0xae: {  	v0 =	vld [tilespmem:$0x1FFE0];
	_ =	sdelay $0x1  }
0xaf: {  	v3 =	vld [tilespmem:$0x1FFF0];
	v8 =	vshll.u32 v7, $0x1  }
0xb0: {  	v7 =	vand.u32 $0x7, v7;
	v8 =	vand.u32 $0xFFFFFFF0, v8  }
0xb1: {  	v7 =	vor.u32 v7, v8  }
0xb2: {  	v8 =	vperm.xlane v7, v0;
	_ =	sdelay $0x1  }
0xb3: {  	v7 =	vperm.xlane v7, v3;
	v8 =	vadd.s32 v2, v8;
	_ =	sdelay $0x1  }
0xb4: {  	v7 =	vadd.s32 v2, v7;
	_ =	sdelay $0x1  }
0xb5: {  	s19 =	simm.s32 $0x0;
	s20 =	simm.s32 $0x4600  }
0xb6: {  	[tilespmem:s20], [sflag:$0x4] =	stream.indirect_vreg.gather [hbm4b:s1+s19], $0x80, v8, vm0, $0xb8;
	[tilespmem:$0x19800] =	vst v63  }
0xb7: {  	s22 =	simm.s32 $0x4E00  }
0xb8: {  	[tilespmem:s22], [sflag:$0x4] =	stream.indirect_vreg.gather [hbm4b:s1+s19], $0x80, v7, vm0, $0xb8;
	[tilespmem:$0x19800] =	vst v63  }
0xb9: {  	v7 =	vld [tilespmem:s18+$0x50];
	_ =	sdelay $0x4  }
0xba: {  	v8 =	vshll.u32 v7, $0x1  }
0xbb: {  	v7 =	vand.u32 $0x7, v7;
	v8 =	vand.u32 $0xFFFFFFF0, v8  }
0xbc: {  	v7 =	vor.u32 v7, v8  }
0xbd: {  	v8 =	vperm.xlane v7, v0;
	_ =	sdelay $0x1  }
0xbe: {  	v7 =	vperm.xlane v7, v3;
	v8 =	vadd.s32 v2, v8;
	_ =	sdelay $0x1  }
0xbf: {  	v7 =	vadd.s32 v2, v7;
	_ =	sdelay $0x1  }
0xc0: {  	s23 =	simm.s32 $0x5600  }
0xc1: {  	[tilespmem:s23], [sflag:$0x4] =	stream.indirect_vreg.gather [hbm4b:s1+s19], $0x80, v8, vm0, $0xb8;
	[tilespmem:$0x19800] =	vst v63  }
0xc2: {  	s24 =	simm.s32 $0x5E00  }
0xc3: {  	[tilespmem:s24], [sflag:$0x4] =	stream.indirect_vreg.gather [hbm4b:s1+s19], $0x80, v7, vm0, $0xb8;
	[tilespmem:$0x19800] =	vst v63  }
0xc4: {  	v7 =	vld [tilespmem:s18+$0x60];
	_ =	sdelay $0x4  }
0xc5: {  	v8 =	vshll.u32 v7, $0x1  }
0xc6: {  	v7 =	vand.u32 $0x7, v7;
	v8 =	vand.u32 $0xFFFFFFF0, v8  }
0xc7: {  	v7 =	vor.u32 v7, v8  }
0xc8: {  	v8 =	vperm.xlane v7, v0;
	_ =	sdelay $0x1  }
0xc9: {  	v7 =	vperm.xlane v7, v3;
	v8 =	vadd.s32 v2, v8;
	_ =	sdelay $0x1  }
0xca: {  	v7 =	vadd.s32 v2, v7;
	_ =	sdelay $0x1  }
0xcb: {  	s25 =	simm.s32 $0x6600  }
0xcc: {  	[tilespmem:s25], [sflag:$0x4] =	stream.indirect_vreg.gather [hbm4b:s1+s19], $0x80, v8, vm0, $0xb8;
	[tilespmem:$0x19800] =	vst v63  }
0xcd: {  	s26 =	simm.s32 $0x6E00  }
0xce: {  	[tilespmem:s26], [sflag:$0x4] =	stream.indirect_vreg.gather [hbm4b:s1+s19], $0x80, v7, vm0, $0xb8;
	[tilespmem:$0x19800] =	vst v63  }
0xcf: {  	v7 =	vld [tilespmem:s18+$0x70];
	_ =	sdelay $0x4  }
0xd0: {  	v8 =	vshll.u32 v7, $0x1  }
0xd1: {  	v7 =	vand.u32 $0x7, v7;
	v8 =	vand.u32 $0xFFFFFFF0, v8  }
0xd2: {  	v7 =	vor.u32 v7, v8  }
0xd3: {  	v8 =	vperm.xlane v7, v0;
	_ =	sdelay $0x1  }
0xd4: {  	v7 =	vperm.xlane v7, v3;
	v8 =	vadd.s32 v2, v8;
	_ =	sdelay $0x1  }
0xd5: {  	v7 =	vadd.s32 v2, v7;
	_ =	sdelay $0x1  }
0xd6: {  	s22 =	simm.s32 $0x7600  }
0xd7: {  	[tilespmem:s22], [sflag:$0x4] =	stream.indirect_vreg.gather [hbm4b:s1+s19], $0x80, v8, vm0, $0xb8;
	[tilespmem:$0x19800] =	vst v63  }
0xd8: {  	s23 =	simm.s32 $0x7E00  }
0xd9: {  	[tilespmem:s23], [sflag:$0x4] =	stream.indirect_vreg.gather [hbm4b:s1+s19], $0x80, v7, vm0, $0xb8;
	[tilespmem:$0x19800] =	vst v63  }
0xda: {  	v7 =	vld [tilespmem:s18+$0x240];
	_ =	sdelay $0x4  }
0xdb: {  	v8 =	vshll.u32 v7, $0x1  }
0xdc: {  	v7 =	vand.u32 $0x7, v7;
	v8 =	vand.u32 $0xFFFFFFF0, v8  }
0xdd: {  	v7 =	vor.u32 v7, v8  }
0xde: {  	v8 =	vperm.xlane v7, v0;
	_ =	sdelay $0x1  }
0xdf: {  	v7 =	vperm.xlane v7, v3;
	v8 =	vadd.s32 v2, v8;
	_ =	sdelay $0x1  }
0xe0: {  	v7 =	vadd.s32 v2, v7;
	_ =	sdelay $0x1  }
0xe1: {  	s24 =	simm.s32 $0xC600  }
0xe2: {  	[tilespmem:s24], [sflag:$0x5] =	stream.indirect_vreg.gather [hbm4b:s2+s19], $0x80, v8, vm0, $0xb8;
	[tilespmem:$0x19800] =	vst v63  }
0xe3: {  	s25 =	simm.s32 $0xCE00  }
0xe4: {  	[tilespmem:s25], [sflag:$0x5] =	stream.indirect_vreg.gather [hbm4b:s2+s19], $0x80, v7, vm0, $0xb8;
	[tilespmem:$0x19800] =	vst v63  }
0xe5: {  	v7 =	vld [tilespmem:s18+$0x250];
	_ =	sdelay $0x4  }
0xe6: {  	v8 =	vshll.u32 v7, $0x1  }
0xe7: {  	v7 =	vand.u32 $0x7, v7;
	v8 =	vand.u32 $0xFFFFFFF0, v8  }
0xe8: {  	v7 =	vor.u32 v7, v8  }
0xe9: {  	v8 =	vperm.xlane v7, v0;
	_ =	sdelay $0x1  }
0xea: {  	v7 =	vperm.xlane v7, v3;
	v8 =	vadd.s32 v2, v8;
	_ =	sdelay $0x1  }
0xeb: {  	v7 =	vadd.s32 v2, v7;
	_ =	sdelay $0x1  }
0xec: {  	s26 =	simm.s32 $0xD600  }
0xed: {  	[tilespmem:s26], [sflag:$0x5] =	stream.indirect_vreg.gather [hbm4b:s2+s19], $0x80, v8, vm0, $0xb8;
	[tilespmem:$0x19800] =	vst v63  }
0xee: {  	s22 =	simm.s32 $0xDE00  }
0xef: {  	[tilespmem:s22], [sflag:$0x5] =	stream.indirect_vreg.gather [hbm4b:s2+s19], $0x80, v7, vm0, $0xb8;
	[tilespmem:$0x19800] =	vst v63  }
0xf0: {  	v7 =	vld [tilespmem:s18+$0x260];
	_ =	sdelay $0x4  }
0xf1: {  	v8 =	vshll.u32 v7, $0x1  }
0xf2: {  	v7 =	vand.u32 $0x7, v7;
	v8 =	vand.u32 $0xFFFFFFF0, v8  }
0xf3: {  	v7 =	vor.u32 v7, v8  }
0xf4: {  	v8 =	vperm.xlane v7, v0;
	_ =	sdelay $0x1  }
0xf5: {  	v7 =	vperm.xlane v7, v3;
	v8 =	vadd.s32 v2, v8;
	_ =	sdelay $0x1  }
0xf6: {  	v7 =	vadd.s32 v2, v7;
	_ =	sdelay $0x1  }
0xf7: {  	s23 =	simm.s32 $0xE600  }
0xf8: {  	[tilespmem:s23], [sflag:$0x5] =	stream.indirect_vreg.gather [hbm4b:s2+s19], $0x80, v8, vm0, $0xb8;
	[tilespmem:$0x19800] =	vst v63  }
0xf9: {  	_ = 	snop  }
0xfa: {  	[tilespmem:s28], [sflag:$0x5] =	stream.indirect_vreg.gather [hbm4b:s2+s19], $0x80, v7, vm0, $0xb8;
	[tilespmem:$0x19800] =	vst v63  }
0xfb: {  	v7 =	vld [tilespmem:s18+$0x270];
	_ =	sdelay $0x4  }
0xfc: {  	v8 =	vshll.u32 v7, $0x1  }
0xfd: {  	v7 =	vand.u32 $0x7, v7;
	v8 =	vand.u32 $0xFFFFFFF0, v8  }
0xfe: {  	v7 =	vor.u32 v7, v8  }
0xff: {  	v8 =	vperm.xlane v7, v0;
	_ =	sdelay $0x1  }
0x100: {  	v7 =	vperm.xlane v7, v3;
	v8 =	vadd.s32 v2, v8;
	_ =	sdelay $0x1  }
0x101: {  	v7 =	vadd.s32 v2, v7;
	_ =	sdelay $0x2  }
0x102: {  	[tilespmem:s29], [sflag:$0x5] =	stream.indirect_vreg.gather [hbm4b:s2+s19], $0x80, v8, vm0, $0xb8;
	[tilespmem:$0x19800] =	vst v63  }
0x103: {  	_ = 	snop  }
0x104: {  	[tilespmem:s30], [sflag:$0x5] =	stream.indirect_vreg.gather [hbm4b:s2+s19], $0x80, v7, vm0, $0xb8;
	[tilespmem:$0x19800] =	vst v63  }
0x105: {  	v7 =	vld [tilespmem:s18+$0x440];
	_ =	sdelay $0x4  }
0x106: {  	v8 =	vshll.u32 v7, $0x1  }
0x107: {  	v7 =	vand.u32 $0x7, v7;
	v8 =	vand.u32 $0xFFFFFFF0, v8  }
0x108: {  	v7 =	vor.u32 v7, v8  }
0x109: {  	v8 =	vperm.xlane v7, v0;
	_ =	sdelay $0x1  }
0x10a: {  	v7 =	vperm.xlane v7, v3;
	v8 =	vadd.s32 v2, v8;
	_ =	sdelay $0x1  }
0x10b: {  	v7 =	vadd.s32 v2, v7;
	_ =	sdelay $0x2  }
0x10c: {  	[tilespmem:s31], [sflag:$0x6] =	stream.indirect_vreg.gather [hbm4b:s1+s19], $0x80, v8, vm0, $0xb8;
	[tilespmem:$0x19800] =	vst v63  }
0x10d: {  	_ = 	snop  }
0x10e: {  	[tilespmem:s0], [sflag:$0x6] =	stream.indirect_vreg.gather [hbm4b:s1+s19], $0x80, v7, vm0, $0xb8;
	[tilespmem:$0x19800] =	vst v63  }
0x10f: {  	v7 =	vld [tilespmem:s18+$0x450];
	_ =	sdelay $0x4  }
0x110: {  	v8 =	vshll.u32 v7, $0x1  }
0x111: {  	v7 =	vand.u32 $0x7, v7;
	v8 =	vand.u32 $0xFFFFFFF0, v8  }
0x112: {  	v7 =	vor.u32 v7, v8  }
0x113: {  	v8 =	vperm.xlane v7, v0;
	_ =	sdelay $0x1  }
0x114: {  	v7 =	vperm.xlane v7, v3;
	v8 =	vadd.s32 v2, v8;
	_ =	sdelay $0x1  }
0x115: {  	v7 =	vadd.s32 v2, v7;
	_ =	sdelay $0x2  }
0x116: {  	[tilespmem:s3], [sflag:$0x6] =	stream.indirect_vreg.gather [hbm4b:s1+s19], $0x80, v8, vm0, $0xb8;
	[tilespmem:$0x19800] =	vst v63  }
0x117: {  	_ = 	snop  }
0x118: {  	[tilespmem:s10], [sflag:$0x6] =	stream.indirect_vreg.gather [hbm4b:s1+s19], $0x80, v7, vm0, $0xb8;
	[tilespmem:$0x19800] =	vst v63  }
0x119: {  	v7 =	vld [tilespmem:s18+$0x460];
	_ =	sdelay $0x4  }
0x11a: {  	v8 =	vshll.u32 v7, $0x1  }
0x11b: {  	v7 =	vand.u32 $0x7, v7;
	v8 =	vand.u32 $0xFFFFFFF0, v8  }
0x11c: {  	v7 =	vor.u32 v7, v8  }
0x11d: {  	v8 =	vperm.xlane v7, v0;
	_ =	sdelay $0x1  }
0x11e: {  	v7 =	vperm.xlane v7, v3;
	v8 =	vadd.s32 v2, v8;
	_ =	sdelay $0x1  }
0x11f: {  	v7 =	vadd.s32 v2, v7;
	_ =	sdelay $0x2  }
0x120: {  	[tilespmem:s11], [sflag:$0x6] =	stream.indirect_vreg.gather [hbm4b:s1+s19], $0x80, v8, vm0, $0xb8;
	[tilespmem:$0x19800] =	vst v63  }
0x121: {  	_ = 	snop  }
0x122: {  	[tilespmem:s5], [sflag:$0x6] =	stream.indirect_vreg.gather [hbm4b:s1+s19], $0x80, v7, vm0, $0xb8;
	[tilespmem:$0x19800] =	vst v63  }
0x123: {  	v7 =	vld [tilespmem:s18+$0x470];
	_ =	sdelay $0x4  }
0x124: {  	v8 =	vshll.u32 v7, $0x1  }
0x125: {  	v7 =	vand.u32 $0x7, v7;
	v8 =	vand.u32 $0xFFFFFFF0, v8  }
0x126: {  	v7 =	vor.u32 v7, v8  }
0x127: {  	v8 =	vperm.xlane v7, v0;
	_ =	sdelay $0x1  }
0x128: {  	v7 =	vperm.xlane v7, v3;
	v8 =	vadd.s32 v2, v8;
	_ =	sdelay $0x1  }
0x129: {  	v7 =	vadd.s32 v2, v7;
	_ =	sdelay $0x2  }
0x12a: {  	[tilespmem:s6], [sflag:$0x6] =	stream.indirect_vreg.gather [hbm4b:s1+s19], $0x80, v8, vm0, $0xb8;
	[tilespmem:$0x19800] =	vst v63  }
0x12b: {  	_ = 	snop  }
0x12c: {  	[tilespmem:s7], [sflag:$0x6] =	stream.indirect_vreg.gather [hbm4b:s1+s19], $0x80, v7, vm0, $0xb8;
	[tilespmem:$0x19800] =	vst v63  }
0x12d: {  	_ =	swait.ge [sflag:s12], $0x4000  }
0x12e: {  	[sflag:s12] =	ssyncset.done $0x0  }
0x12f: {  	s24 =	simm.s32 $0x0;
	[sflag:s12] =	ssyncadd.s32 $0xFFFFC000  }
0x130: {  	s20 =	sand.u32 $0x20000000, s24;
	_ =	swait.ge [sflag:s13], $0x4000  }
0x131: {  	s22 =	simm.s32 $0x0;
	s23 =	simm.s32 $0x0;
	[sflag:s13] =	ssyncset.done $0x0  }
0x132: {  	s20 =	sor.u32 s20, s22;
	s25 =	sand.u32 $0x40000000, s23;
	[sflag:s13] =	ssyncadd.s32 $0xFFFFC000  }
0x133: {  	s20 =	sor.u32 s20, s25;
	_ =	swait.ge [sflag:s21], $0x4000  }
0x134: {  	s26 =	sand.u32 $0x3000, s19;
	s20 =	sshrl.u32 s20, $0x16;
	[sflag:s21] =	ssyncset.done $0x0  }
0x135: {  	s20 =	sor.u32 s26, s20;
	[sflag:s21] =	ssyncadd.s32 $0xFFFFC000  }
0x136: {  	v7 =	vld [tilespmem:s20+$0x8670]  }
0x137: {  	v8 =	vld [tilespmem:s20+$0x8A70]  }
0x138: {  	v11 =	vld [tilespmem:s20+$0x8660]  }
0x139: {  	v12 =	vld [tilespmem:s20+$0x8A60]  }
0x13a: {  	v13 =	vld [tilespmem:s20+$0x8650]  }
0x13b: {  	v15 =	vld [tilespmem:s20+$0x8A50]  }
0x13c: {  	v18 =	vld [tilespmem:s20+$0x8640]  }
0x13d: {  	v19 =	vld [tilespmem:s20+$0x8A40]  }
0x13e: {  	v20 =	vld [tilespmem:s20+$0x8630]  }
0x13f: {  	v21 =	vld [tilespmem:s20+$0x8A30]  }
0x140: {  	v16 =	vld [tilespmem:s20+$0x8620]  }
0x141: {  	v17 =	vld [tilespmem:s20+$0x8A20]  }
0x142: {  	v22 =	vld [tilespmem:s20+$0x10670]  }
0x143: {  	v23 =	vld [tilespmem:s20+$0x670]  }
0x144: {  	v24 =	vld [tilespmem:s20+$0x10A70]  }
0x145: {  	v25 =	vld [tilespmem:s20+$0xA70]  }
0x146: {  	v26 =	vld [tilespmem:s20+$0x10E70]  }
0x147: {  	v27 =	vld [tilespmem:s20+$0xE70]  }
0x148: {  	v28 =	vld [tilespmem:s20+$0x11270]  }
0x149: {  	v29 =	vld [tilespmem:s20+$0x1270]  }
0x14a: {  	v14 =	vld [tilespmem:s20+$0x8610]  }
0x14b: {  	v10 =	vld [tilespmem:s20+$0x8A10]  }
0x14c: {  	v30 =	vld [tilespmem:s20+$0x10660]  }
0x14d: {  	v31 =	vld [tilespmem:s20+$0x660]  }
0x14e: {  	v32 =	vld [tilespmem:s20+$0x10A60]  }
0x14f: {  	v33 =	vld [tilespmem:s20+$0xA60]  }
0x150: {  	v9 =	vld [tilespmem:s20+$0x8E10]  }
0x151: {  	v34 =	vld [tilespmem:s20+$0x10E60]  }
0x152: {  	v35 =	vld [tilespmem:s20+$0xE60]  }
0x153: {  	v36 =	vld [tilespmem:s20+$0x11260]  }
0x154: {  	v37 =	vld [tilespmem:s20+$0x1260]  }
0x155: {  	v38 =	vld [tilespmem:s20+$0x10650]  }
0x156: {  	v39 =	vld [tilespmem:s20+$0x650]  }
0x157: {  	v40 =	vld [tilespmem:s20+$0x10A50]  }
0x158: {  	v41 =	vld [tilespmem:s20+$0xA50]  }
0x159: {  	v42 =	vld [tilespmem:s20+$0x10E50]  }
0x15a: {  	v43 =	vld [tilespmem:s20+$0xE50]  }
0x15b: {  	v44 =	vld [tilespmem:s20+$0x11250]  }
0x15c: {  	v45 =	vld [tilespmem:s20+$0x1250]  }
0x15d: {  	v46 =	vld [tilespmem:s20+$0x10640]  }
0x15e: {  	v47 =	vld [tilespmem:s20+$0x640]  }
0x15f: {  	v48 =	vld [tilespmem:s20+$0x10A40]  }
0x160: {  	v49 =	vld [tilespmem:s20+$0xA40]  }
0x161: {  	v52 =	vld [tilespmem:s20+$0x10E40]  }
0x162: {  	v53 =	vld [tilespmem:s20+$0xE40];
	v50 =	vmul.f32 v22, v23  }
0x163: {  	v54 =	vld [tilespmem:s20+$0x10630];
	v51 =	vmul.f32 v24, v25;
	v23 =	vmul.f32 v24, v23  }
0x164: {  	v55 =	vld [tilespmem:s20+$0x10A30];
	v22 =	vmul.f32 v22, v25;
	v24 =	vmul.f32 v30, v31  }
0x165: {  	v57 =	vld [tilespmem:s20+$0x10E30];
	v63 =	vmul.f32 v32, v33;
	v56 =	vmul.f32 v26, v27  }
0x166: {  	v60 =	vld [tilespmem:s20+$0xE30];
	v31 =	vmul.f32 v32, v31;
	v30 =	vmul.f32 v30, v33  }
0x167: {  	v62 =	vld [tilespmem:s20+$0x11230];
	v58 =	vmul.f32 v28, v29;
	v59 =	vmul.f32 v28, v27  }
0x168: {  	v0 =	vld [tilespmem:s20+$0x10A20];
	v61 =	vmul.f32 v26, v29;
	v26 =	vmul.f32 v38, v39  }
0x169: {  	v3 =	vld [tilespmem:s20+$0xA20];
	v28 =	vmul.f32 v40, v41;
	v29 =	vmul.f32 v40, v39  }
0x16a: {  	v25 =	vld [tilespmem:s20+$0x11240];
	v40 =	vmul.f32 v46, v47;
	v47 =	vmul.f32 v48, v47  }
0x16b: {  	v32 =	vld [tilespmem:s20+$0x10620];
	v39 =	vmul.f32 v44, v45;
	v50 =	vadd.f32 v51, v50;
	v22 =	vsub.f32 v23, v22  }
0x16c: {  	v33 =	vld [tilespmem:s20+$0x11220];
	v27 =	vsub.f32 v31, v30;
	v30 =	vmul.f32 v38, v41;
	v41 =	vmul.f32 v48, v49  }
0x16d: {  	v51 =	vld [tilespmem:s20+$0x1240];
	v24 =	vadd.f32 v63, v24;
	v31 =	vmul.f32 v42, v43;
	v48 =	vmul.f32 v46, v49  }
0x16e: {  	v23 =	vld [tilespmem:s20+$0x630];
	v7 =	vmul.f32 v50, v7;
	v8 =	vmul.f32 v22, v8  }
0x16f: {  	v63 =	vld [tilespmem:s20+$0x1230];
	v11 =	vmul.f32 v24, v11;
	v12 =	vmul.f32 v27, v12  }
0x170: {  	v38 =	vld [tilespmem:s20+$0x10610];
	v24 =	vmul.f32 v34, v35;
	v27 =	vadd.f32 v28, v26;
	v28 =	vmul.f32 v36, v37  }
0x171: {  	v46 =	vld [tilespmem:s20+$0xE10];
	v26 =	vmul.f32 v36, v35;
	v30 =	vsub.f32 v29, v30;
	v29 =	vmul.f32 v34, v37  }
0x172: {  	v22 =	vld [tilespmem:s20+$0xA30];
	v34 =	vadd.f32 v41, v40;
	v37 =	vmul.f32 v25, v53;
	v13 =	vmul.f32 v27, v13  }
0x173: {  	v50 =	vld [tilespmem:s20+$0x620];
	v36 =	vsub.f32 v47, v48;
	v15 =	vmul.f32 v30, v15;
	v30 =	vmul.f32 v44, v43  }
0x174: {  	v35 =	vld [tilespmem:s20+$0xE20];
	v18 =	vmul.f32 v34, v18;
	v34 =	vmul.f32 v42, v45  }
0x175: {  	v40 =	vld [tilespmem:s20+$0x1220];
	v19 =	vmul.f32 v36, v19;
	v36 =	vmul.f32 v52, v53  }
0x176: {  	v47 =	vld [tilespmem:s20+$0x10600];
	v49 =	vmul.f32 v54, v23;
	v41 =	vmul.f32 v25, v51  }
0x177: {  	v27 =	vld [tilespmem:s20+$0x10E20];
	v23 =	vmul.f32 v55, v23;
	v43 =	vmul.f32 v52, v51  }
0x178: {  	v42 =	vld [tilespmem:s20+$0x610];
	v52 =	vmul.f32 v62, v63;
	v48 =	vmul.f32 v55, v22  }
0x179: {  	v44 =	vld [tilespmem:s20+$0x10A10];
	v54 =	vmul.f32 v54, v22;
	v55 =	vmul.f32 v32, v50  }
0x17a: {  	v45 =	vld [tilespmem:s20+$0xA10];
	v51 =	vmul.f32 v0, v50;
	v0 =	vmul.f32 v0, v3;
	v49 =	vadd.f32 v48, v49  }
0x17b: {  	v53 =	vld [tilespmem:s20+$0x600];
	v3 =	vmul.f32 v32, v3;
	v48 =	vmul.f32 v57, v60  }
0x17c: {  	v25 =	vld [tilespmem:s20+$0x10E10];
	v22 =	vmul.f32 v49, v20;
	v20 =	vsub.f32 v23, v54;
	v54 =	vadd.f32 v0, v55  }
0x17d: {  	v50 =	vld [tilespmem:s20+$0x11210];
	v55 =	vsub.f32 v51, v3;
	v49 =	vmul.f32 v62, v60;
	v51 =	vmul.f32 v57, v63  }
0x17e: {  	s24 =	simm.s32 $0x0;
	s22 =	simm.s32 $0x0;
	s23 =	simm.s32 $0x1;
	v32 =	vld [tilespmem:s20+$0x1210];
	v23 =	vmul.f32 v20, v21;
	v20 =	vadd.f32 v58, v56;
	v21 =	vsub.f32 v59, v61  }
.LBB2_3:
0x17f: {  	p0 =	sne.s32 s23, $0x1F;
	v0 =	vld [tilespmem:s20+$0x10A00];
	v3 =	vmul.f32 v54, v16;
	v16 =	vmul.f32 v55, v17;
	v17 =	vadd.f32 v28, v24  }
0x180: {  	v28 =	vmul.f32 v38, v42;
	v54 =	vmul.f32 v44, v45;
	v26 =	vsub.f32 v26, v29;
	v24 =	vld [tilespmem:s20+$0xA00]  }
0x181: {  	v55 =	vmul.f32 v27, v35;
	v35 =	vmul.f32 v33, v35;
	v31 =	vadd.f32 v39, v31;
	v29 =	vld [tilespmem:s20+$0x10E00]  }
0x182: {  	v33 =	vmul.f32 v33, v40;
	v27 =	vmul.f32 v27, v40;
	v28 =	vadd.f32 v54, v28;
	v39 =	vld [tilespmem:s20+$0xE00]  }
0x183: {  	v40 =	vmul.f32 v44, v42;
	v38 =	vmul.f32 v38, v45;
	v30 =	vsub.f32 v30, v34;
	v42 =	vld [tilespmem:s20+$0x11200]  }
0x184: {  	v34 =	vmul.f32 v25, v46;
	v36 =	vadd.f32 v41, v36;
	v14 =	vmul.f32 v28, v14;
	v28 =	vld [tilespmem:s20+$0x1200]  }
0x185: {  	v37 =	vsub.f32 v37, v43;
	v45 =	vmul.f32 v50, v46;
	v44 =	vmul.f32 v50, v32;
	v41 =	vld [tilespmem:s20+$0x8600]  }
0x186: {  	v48 =	vadd.f32 v52, v48;
	v43 =	vmul.f32 v47, v53;
	v46 =	vmul.f32 v0, v53;
	v50 =	vld [tilespmem:s20+$0x8A00]  }
0x187: {  	v49 =	vsub.f32 v49, v51;
	v0 =	vmul.f32 v0, v24;
	v24 =	vmul.f32 v47, v24;
	v47 =	vld [tilespmem:s20+$0x8E00]  }
0x188: {  	v38 =	vsub.f32 v40, v38;
	v40 =	vmul.f32 v29, v39;
	v39 =	vmul.f32 v42, v39;
	v51 =	vld [tilespmem:s20+$0x9200]  }
0x189: {  	v42 =	vmul.f32 v42, v28;
	v28 =	vmul.f32 v29, v28;
	v29 =	vadd.f32 v44, v34;
	v34 =	vld [tilespmem:s20+$0x9210]  }
0x18a: {  	v25 =	vmul.f32 v25, v32;
	v0 =	vadd.f32 v0, v43;
	v24 =	vsub.f32 v46, v24;
	v32 =	vld [tilespmem:s20+$0x8E20]  }
0x18b: {  	v10 =	vmul.f32 v38, v10;
	v38 =	vadd.f32 v42, v40;
	v28 =	vsub.f32 v39, v28;
	v39 =	vld [tilespmem:s20+$0x9220]  }
0x18c: {  	v25 =	vsub.f32 v45, v25;
	v0 =	vmul.f32 v0, v41;
	v24 =	vmul.f32 v24, v50;
	v40 =	vld [tilespmem:s20+$0x8E30]  }
0x18d: {  	v33 =	vadd.f32 v33, v55;
	v38 =	vmul.f32 v38, v47;
	v28 =	vmul.f32 v28, v51;
	v41 =	vld [tilespmem:s20+$0x9230]  }
0x18e: {  	v27 =	vsub.f32 v35, v27;
	v9 =	vmul.f32 v29, v9;
	v25 =	vmul.f32 v25, v34;
	v29 =	vld [tilespmem:s20+$0x8E40]  }
0x18f: {  	v0 =	vadd.f32 v24, v0;
	v24 =	vadd.f32 v28, v38;
	v28 =	vmul.f32 v33, v32;
	v32 =	vld [tilespmem:s20+$0x9240]  }
0x190: {  	v10 =	vadd.f32 v10, v14;
	v9 =	vadd.f32 v25, v9;
	v14 =	vmul.f32 v27, v39;
	v25 =	vld [tilespmem:s20+$0x8E50]  }
0x191: {  	v0 =	vadd.f32 $0.0e+00, v0;
	v24 =	vadd.f32 $0.0e+00, v24;
	v27 =	vmul.f32 v48, v40;
	v33 =	vld [tilespmem:s20+$0x9250]  }
0x192: {  	v3 =	vadd.f32 v16, v3;
	v14 =	vadd.f32 v14, v28;
	v16 =	vmul.f32 v49, v41;
	v28 =	vld [tilespmem:s20+$0x8E60]  }
0x193: {  	v0 =	vadd.f32 v10, v0;
	v9 =	vadd.f32 v9, v24;
	v10 =	vmul.f32 v36, v29;
	v24 =	vld [tilespmem:s20+$0x9260]  }
0x194: {  	v22 =	vadd.f32 v23, v22;
	v16 =	vadd.f32 v16, v27;
	v23 =	vmul.f32 v37, v32;
	v27 =	vld [tilespmem:s20+$0x8E70]  }
0x195: {  	v0 =	vadd.f32 v3, v0;
	v3 =	vadd.f32 v14, v9;
	v9 =	vmul.f32 v31, v25;
	v14 =	vld [tilespmem:s20+$0x9270]  }
0x196: {  	v18 =	vadd.f32 v19, v18;
	v10 =	vadd.f32 v23, v10;
	v19 =	vmul.f32 v30, v33  }
0x197: {  	v0 =	vadd.f32 v22, v0;
	v3 =	vadd.f32 v16, v3;
	v16 =	vmul.f32 v17, v28  }
0x198: {  	v13 =	vadd.f32 v15, v13;
	v9 =	vadd.f32 v19, v9;
	v15 =	vmul.f32 v26, v24  }
0x199: {  	v0 =	vadd.f32 v18, v0;
	v3 =	vadd.f32 v10, v3;
	v10 =	vmul.f32 v20, v27  }
0x19a: {  	v11 =	vadd.f32 v12, v11;
	v12 =	vadd.f32 v15, v16;
	v14 =	vmul.f32 v21, v14  }
0x19b: {  	v0 =	vadd.f32 v13, v0;
	v3 =	vadd.f32 v9, v3  }
0x19c: {  	v7 =	vadd.f32 v8, v7;
	v8 =	vadd.f32 v14, v10  }
0x19d: {  	v0 =	vadd.f32 v11, v0;
	v3 =	vadd.f32 v12, v3;
	_ =	sdelay $0x1  }
0x19e: {  	v0 =	vadd.f32 v7, v0;
	v3 =	vadd.f32 v8, v3;
	_ =	sdelay $0x1  }
0x19f: {  	s20 =	sshll.u32 s23, $0x1B;
	v7 =	vperm.xlane v0, v1;
	v8 =	vperm.xlane v3, v1  }
0x1a0: {  	s25 =	sshll.u32 s23, $0x1F;
	s26 =	sshll.u32 s23, $0x1D;
	s20 =	sand.u32 $0x20000000, s20  }
0x1a1: {  	s20 =	sor.u32 s20, s25;
	s25 =	sand.u32 $0x40000000, s26;
	v0 =	vadd.f32 v7, v0;
	v3 =	vadd.f32 v3, v8  }
0x1a2: {  	s24 =	sadd.s32 $0x200, s24;
	s20 =	sor.u32 s20, s25  }
0x1a3: {  	s22 =	sshra.s32 s22, $0x2;
	s25 =	sand.u32 $0x3000, s24;
	s20 =	sshrl.u32 s20, $0x16;
	v0 =	vsel vm3, v0, v3  }
0x1a4: {  	s20 =	sor.u32 s25, s20;
	[tilespmem:s22+$0x18600] =	vst v0;
	s22 =	smov.u32 s24  }
0x1a5: {  	v0 =	vld [tilespmem:s20+$0x8670]  }
0x1a6: {  	v3 =	vld [tilespmem:s20+$0x8A70]  }
0x1a7: {  	v11 =	vld [tilespmem:s20+$0x8660]  }
0x1a8: {  	v12 =	vld [tilespmem:s20+$0x8A60]  }
0x1a9: {  	v13 =	vld [tilespmem:s20+$0x8650]  }
0x1aa: {  	v15 =	vld [tilespmem:s20+$0x8A50]  }
0x1ab: {  	v18 =	vld [tilespmem:s20+$0x8640]  }
0x1ac: {  	v19 =	vld [tilespmem:s20+$0x8A40]  }
0x1ad: {  	v21 =	vld [tilespmem:s20+$0x8630]  }
0x1ae: {  	v20 =	vld [tilespmem:s20+$0x8A30]  }
0x1af: {  	v16 =	vld [tilespmem:s20+$0x8620]  }
0x1b0: {  	v17 =	vld [tilespmem:s20+$0x8A20]  }
0x1b1: {  	v7 =	vld [tilespmem:s20+$0x10670]  }
0x1b2: {  	v8 =	vld [tilespmem:s20+$0x670]  }
0x1b3: {  	v22 =	vld [tilespmem:s20+$0x10A70]  }
0x1b4: {  	v23 =	vld [tilespmem:s20+$0xA70]  }
0x1b5: {  	v24 =	vld [tilespmem:s20+$0x10E70]  }
0x1b6: {  	v25 =	vld [tilespmem:s20+$0xE70]  }
0x1b7: {  	v26 =	vld [tilespmem:s20+$0x11270]  }
0x1b8: {  	v27 =	vld [tilespmem:s20+$0x1270]  }
0x1b9: {  	v14 =	vld [tilespmem:s20+$0x8610]  }
0x1ba: {  	v10 =	vld [tilespmem:s20+$0x8A10]  }
0x1bb: {  	v28 =	vld [tilespmem:s20+$0x10660]  }
0x1bc: {  	v29 =	vld [tilespmem:s20+$0x660]  }
0x1bd: {  	v30 =	vld [tilespmem:s20+$0x10A60]  }
0x1be: {  	v31 =	vld [tilespmem:s20+$0xA60]  }
0x1bf: {  	v9 =	vld [tilespmem:s20+$0x8E10]  }
0x1c0: {  	v32 =	vld [tilespmem:s20+$0x10E60]  }
0x1c1: {  	v33 =	vld [tilespmem:s20+$0xE60]  }
0x1c2: {  	v34 =	vld [tilespmem:s20+$0x11260]  }
0x1c3: {  	v35 =	vld [tilespmem:s20+$0x1260]  }
0x1c4: {  	v36 =	vld [tilespmem:s20+$0x10650]  }
0x1c5: {  	v37 =	vld [tilespmem:s20+$0x650]  }
0x1c6: {  	v38 =	vld [tilespmem:s20+$0x10A50]  }
0x1c7: {  	v39 =	vld [tilespmem:s20+$0xA50]  }
0x1c8: {  	v41 =	vld [tilespmem:s20+$0x10E50]  }
0x1c9: {  	v40 =	vld [tilespmem:s20+$0xE50]  }
0x1ca: {  	v42 =	vld [tilespmem:s20+$0x11250]  }
0x1cb: {  	v43 =	vld [tilespmem:s20+$0x1250]  }
0x1cc: {  	v44 =	vld [tilespmem:s20+$0x10640]  }
0x1cd: {  	v45 =	vld [tilespmem:s20+$0x640]  }
0x1ce: {  	v46 =	vld [tilespmem:s20+$0x10A40]  }
0x1cf: {  	v47 =	vld [tilespmem:s20+$0xA40]  }
0x1d0: {  	v48 =	vmul.f32 v7, v8;
	v49 =	vmul.f32 v22, v23;
	v50 =	vld [tilespmem:s20+$0x10E40]  }
0x1d1: {  	v51 =	vld [tilespmem:s20+$0xE40]  }
0x1d2: {  	v8 =	vmul.f32 v22, v8;
	v7 =	vmul.f32 v7, v23;
	v48 =	vadd.f32 v49, v48;
	v22 =	vld [tilespmem:s20+$0x11240]  }
0x1d3: {  	v23 =	vld [tilespmem:s20+$0x1240]  }
0x1d4: {  	v8 =	vsub.f32 v8, v7;
	v7 =	vmul.f32 v48, v0;
	v49 =	vld [tilespmem:s20+$0x10630]  }
0x1d5: {  	v48 =	vmul.f32 v28, v29;
	v52 =	vmul.f32 v30, v31;
	v0 =	vld [tilespmem:s20+$0x630]  }
0x1d6: {  	v8 =	vmul.f32 v8, v3;
	v3 =	vmul.f32 v24, v25;
	v53 =	vld [tilespmem:s20+$0x10A30]  }
0x1d7: {  	v29 =	vmul.f32 v30, v29;
	v28 =	vmul.f32 v28, v31;
	v48 =	vadd.f32 v52, v48;
	v54 =	vld [tilespmem:s20+$0xA30]  }
0x1d8: {  	v57 =	vmul.f32 v26, v25;
	v52 =	vmul.f32 v26, v27;
	v56 =	vld [tilespmem:s20+$0x10E30]  }
0x1d9: {  	v59 =	vmul.f32 v24, v27;
	v25 =	vsub.f32 v29, v28;
	v11 =	vmul.f32 v48, v11;
	v58 =	vld [tilespmem:s20+$0xE30]  }
0x1da: {  	v26 =	vmul.f32 v36, v37;
	v27 =	vmul.f32 v38, v39;
	v60 =	vld [tilespmem:s20+$0x11230]  }
0x1db: {  	v24 =	vmul.f32 v32, v33;
	v12 =	vmul.f32 v25, v12;
	v61 =	vld [tilespmem:s20+$0x1230]  }
0x1dc: {  	v29 =	vmul.f32 v36, v39;
	v25 =	vadd.f32 v27, v26;
	v27 =	vmul.f32 v38, v37;
	v48 =	vld [tilespmem:s20+$0x10620]  }
0x1dd: {  	v28 =	vmul.f32 v34, v35;
	v26 =	vmul.f32 v34, v33;
	v55 =	vld [tilespmem:s20+$0x620]  }
0x1de: {  	v27 =	vsub.f32 v27, v29;
	v13 =	vmul.f32 v25, v13;
	v29 =	vmul.f32 v32, v35;
	v62 =	vld [tilespmem:s20+$0x10A20]  }
0x1df: {  	v25 =	vmul.f32 v44, v45;
	v30 =	vmul.f32 v46, v47;
	v32 =	vld [tilespmem:s20+$0xA20]  }
0x1e0: {  	v31 =	vmul.f32 v41, v40;
	v15 =	vmul.f32 v27, v15;
	v27 =	vld [tilespmem:s20+$0x10E20]  }
0x1e1: {  	v34 =	vmul.f32 v46, v45;
	v36 =	vmul.f32 v44, v47;
	v25 =	vadd.f32 v30, v25;
	v35 =	vld [tilespmem:s20+$0xE20]  }
0x1e2: {  	v39 =	vmul.f32 v42, v43;
	v30 =	vmul.f32 v42, v40;
	v33 =	vld [tilespmem:s20+$0x11220]  }
0x1e3: {  	v36 =	vsub.f32 v34, v36;
	v34 =	vmul.f32 v41, v43;
	v18 =	vmul.f32 v25, v18;
	v40 =	vld [tilespmem:s20+$0x1220]  }
0x1e4: {  	v25 =	vmul.f32 v49, v0;
	v37 =	vmul.f32 v53, v54;
	v38 =	vld [tilespmem:s20+$0x10610]  }
0x1e5: {  	v19 =	vmul.f32 v36, v19;
	v36 =	vmul.f32 v50, v51;
	v42 =	vld [tilespmem:s20+$0x610]  }
0x1e6: {  	v41 =	vmul.f32 v22, v23;
	v25 =	vadd.f32 v37, v25;
	v37 =	vmul.f32 v22, v51;
	v44 =	vld [tilespmem:s20+$0x10A10]  }
0x1e7: {  	v0 =	vmul.f32 v53, v0;
	v46 =	vmul.f32 v49, v54;
	v45 =	vld [tilespmem:s20+$0xA10]  }
0x1e8: {  	v43 =	vmul.f32 v50, v23;
	v22 =	vmul.f32 v25, v21;
	v25 =	vld [tilespmem:s20+$0x10E10]  }
.Ltmp0:
0x1e9: {  	v0 =	vsub.f32 v0, v46;
	v21 =	vmul.f32 v48, v55;
	v49 =	vmul.f32 v62, v55;
	v46 =	vld [tilespmem:s20+$0xE10];
	(pc) =	sbr.rel @p0 .LBB2_3-.Ltmp0, $4  }
0x1ea: {  	v51 =	vmul.f32 v62, v32;
	v53 =	vmul.f32 v48, v32;
	v50 =	vld [tilespmem:s20+$0x11210]  }
0x1eb: {  	v23 =	vmul.f32 v0, v20;
	v20 =	vadd.f32 v52, v3;
	v48 =	vmul.f32 v56, v58;
	v32 =	vld [tilespmem:s20+$0x1210]  }
0x1ec: {  	v54 =	vadd.f32 v51, v21;
	v55 =	vsub.f32 v49, v53;
	v49 =	vmul.f32 v60, v58;
	v47 =	vld [tilespmem:s20+$0x10600]  }
0x1ed: {  	s23 =	sadd.s32 $0x1, s23;
	v52 =	vmul.f32 v60, v61;
	v51 =	vmul.f32 v56, v61;
	v21 =	vsub.f32 v57, v59;
	v53 =	vld [tilespmem:s20+$0x600]  }
0x1ee: {  	v3 =	vmul.f32 v54, v16;
	v16 =	vmul.f32 v55, v17;
	v17 =	vadd.f32 v28, v24  }
0x1ef: {  	v63 =	vmul.f32 v38, v42;
	v57 =	vmul.f32 v44, v45;
	v26 =	vsub.f32 v26, v29  }
0x1f0: {  	v0 =	vld [tilespmem:s20+$0x10A00];
	v55 =	vmul.f32 v27, v35;
	v35 =	vmul.f32 v33, v35;
	v31 =	vadd.f32 v39, v31  }
0x1f1: {  	v24 =	vld [tilespmem:s20+$0xA00];
	v33 =	vmul.f32 v33, v40;
	v27 =	vmul.f32 v27, v40;
	v30 =	vsub.f32 v30, v34  }
0x1f2: {  	v29 =	vld [tilespmem:s20+$0x10E00];
	v58 =	vmul.f32 v44, v42;
	v36 =	vadd.f32 v41, v36;
	v37 =	vsub.f32 v37, v43  }
0x1f3: {  	v39 =	vld [tilespmem:s20+$0xE00];
	v59 =	vmul.f32 v38, v45;
	v22 =	vadd.f32 v23, v22;
	v18 =	vadd.f32 v19, v18  }
0x1f4: {  	v42 =	vld [tilespmem:s20+$0x11200];
	v61 =	vmul.f32 v25, v46;
	v13 =	vadd.f32 v15, v13;
	v28 =	vadd.f32 v57, v63  }
0x1f5: {  	v60 =	vld [tilespmem:s20+$0x1200];
	v11 =	vadd.f32 v12, v11;
	v45 =	vmul.f32 v50, v46;
	v48 =	vadd.f32 v52, v48  }
0x1f6: {  	v41 =	vld [tilespmem:s20+$0x8600];
	v49 =	vsub.f32 v49, v51;
	v62 =	vmul.f32 v50, v32;
	v14 =	vmul.f32 v28, v14  }
0x1f7: {  	v56 =	vld [tilespmem:s20+$0x8A00];
	v38 =	vsub.f32 v58, v59;
	v63 =	vmul.f32 v47, v53;
	v54 =	vmul.f32 v0, v53  }
0x1f8: {  	v57 =	vld [tilespmem:s20+$0x8E00];
	v33 =	vadd.f32 v33, v55;
	v0 =	vmul.f32 v0, v24;
	v24 =	vmul.f32 v47, v24  }
0x1f9: {  	v59 =	vld [tilespmem:s20+$0x9200];
	v27 =	vsub.f32 v35, v27;
	v58 =	vmul.f32 v29, v39;
	v39 =	vmul.f32 v42, v39  }
0x1fa: {  	v42 =	vmul.f32 v42, v60;
	v28 =	vmul.f32 v29, v60;
	v60 =	vadd.f32 v62, v61;
	v61 =	vld [tilespmem:s20+$0x9210]  }
0x1fb: {  	v46 =	vld [tilespmem:s20+$0x9220];
	v62 =	vmul.f32 v25, v32;
	v0 =	vadd.f32 v0, v63;
	v24 =	vsub.f32 v54, v24  }
0x1fc: {  	v10 =	vmul.f32 v38, v10;
	v63 =	vld [tilespmem:s20+$0x8E20];
	v44 =	vadd.f32 v42, v58;
	v28 =	vsub.f32 v39, v28  }
0x1fd: {  	v51 =	vld [tilespmem:s20+$0x9230];
	v25 =	vsub.f32 v45, v62;
	v0 =	vmul.f32 v0, v41;
	v24 =	vmul.f32 v24, v56  }
0x1fe: {  	v50 =	vld [tilespmem:s20+$0x8E30];
	v3 =	vadd.f32 v16, v3;
	v38 =	vmul.f32 v44, v57;
	v28 =	vmul.f32 v28, v59  }
0x1ff: {  	v52 =	vld [tilespmem:s20+$0x8E40];
	v10 =	vadd.f32 v10, v14;
	v9 =	vmul.f32 v60, v9;
	v25 =	vmul.f32 v25, v61  }
0x200: {  	v55 =	vld [tilespmem:s20+$0x9240];
	v0 =	vadd.f32 v24, v0;
	v53 =	vadd.f32 v28, v38  }
0x201: {  	v14 =	vmul.f32 v27, v46;
	v58 =	vld [tilespmem:s20+$0x9250];
	v54 =	vmul.f32 v33, v63;
	v9 =	vadd.f32 v25, v9  }
0x202: {  	v56 =	vld [tilespmem:s20+$0x8E50];
	v0 =	vadd.f32 $0.0e+00, v0;
	v24 =	vadd.f32 $0.0e+00, v53  }
0x203: {  	v16 =	vmul.f32 v49, v51;
	v60 =	vld [tilespmem:s20+$0x9260];
	v57 =	vmul.f32 v48, v50;
	v14 =	vadd.f32 v14, v54  }
0x204: {  	v59 =	vld [tilespmem:s20+$0x8E60];
	v0 =	vadd.f32 v10, v0;
	v9 =	vadd.f32 v9, v24  }
0x205: {  	v62 =	vld [tilespmem:s20+$0x8E70];
	v61 =	vmul.f32 v37, v55;
	v16 =	vadd.f32 v16, v57;
	v10 =	vmul.f32 v36, v52  }
0x206: {  	v0 =	vadd.f32 v3, v0;
	v3 =	vadd.f32 v14, v9;
	v14 =	vld [tilespmem:s20+$0x9270]  }
0x207: {  	v63 =	vmul.f32 v30, v58;
	v9 =	vmul.f32 v31, v56;
	v10 =	vadd.f32 v61, v10  }
0x208: {  	v0 =	vadd.f32 v22, v0;
	v3 =	vadd.f32 v16, v3  }
0x209: {  	v15 =	vmul.f32 v26, v60;
	v16 =	vmul.f32 v17, v59;
	v9 =	vadd.f32 v63, v9  }
0x20a: {  	v0 =	vadd.f32 v18, v0;
	v3 =	vadd.f32 v10, v3  }
0x20b: {  	v10 =	vmul.f32 v20, v62;
	v12 =	vadd.f32 v15, v16;
	v14 =	vmul.f32 v21, v14  }
0x20c: {  	v0 =	vadd.f32 v13, v0;
	v3 =	vadd.f32 v9, v3  }
0x20d: {  	v7 =	vadd.f32 v8, v7;
	v8 =	vadd.f32 v14, v10  }
0x20e: {  	v0 =	vadd.f32 v11, v0;
	v3 =	vadd.f32 v12, v3;
	_ =	sdelay $0x1  }
0x20f: {  	v0 =	vadd.f32 v7, v0;
	v3 =	vadd.f32 v8, v3;
	_ =	sdelay $0x1  }
0x210: {  	v7 =	vperm.xlane v0, v1;
	v8 =	vperm.xlane v3, v1;
	_ =	sdelay $0x1  }
0x211: {  	v0 =	vadd.f32 v7, v0;
	v3 =	vadd.f32 v3, v8;
	_ =	sdelay $0x1  }
0x212: {  	s26 =	sshra.s32 s22, $0x2;
	v0 =	vsel vm3, v0, v3  }
0x213: {  	s20 =	simm.s32 $0x18800;
	[tilespmem:s26+$0x18600] =	vst v0  }
0x214: {  	v14 =	vld [tilespmem:s20+$0xFFFFFE00]  }
0x215: {  	v15 =	vld [tilespmem:s20+$0xFFFFFE80]  }
0x216: {  	v13 =	vld [tilespmem:s20+$0xFFFFFF00]  }
0x217: {  	v12 =	vld [tilespmem:s20+$0xFFFFFF80]  }
0x218: {  	v9 =	vld [tilespmem:s20+$0x0]  }
0x219: {  	v10 =	vld [tilespmem:s20+$0x80]  }
0x21a: {  	v8 =	vld [tilespmem:s20+$0x100]  }
0x21b: {  	s22 =	simm.s32 $0x40;
	v7 =	vmov s16;
	v11 =	vld [tilespmem:s20+$0x180]  }
.LBB2_5:
0x21c: {  	p0 =	sne.s32 s22, $0xC0;
	v0 =	vperm.xlane v14, v4;
	v3 =	vperm.xlane v15, v4  }
0x21d: {  	v16 =	vperm.xlane v13, v4  }
0x21e: {  	v0 =	vadd.f32 v0, v14;
	v3 =	vadd.f32 v3, v15;
	v14 =	vperm.xlane v12, v4  }
0x21f: {  	v13 =	vadd.f32 v16, v13;
	v15 =	vperm.xlane v9, v4;
	v16 =	vperm.xlane v10, v4  }
0x220: {  	v12 =	vadd.f32 v14, v12;
	v14 =	vperm.xlane v8, v4;
	v17 =	vperm.xlane v11, v4  }
0x221: {  	v9 =	vadd.f32 v15, v9;
	v10 =	vadd.f32 v16, v10  }
0x222: {  	v0 =	vsel vm1, v0, v3;
	v3 =	vadd.f32 v14, v8;
	v8 =	vadd.f32 v17, v11  }
0x223: {  	v11 =	vsel vm1, v13, v12;
	v12 =	vperm.xlane v0, v5  }
0x224: {  	v9 =	vsel vm1, v9, v10;
	v3 =	vsel vm1, v3, v8;
	v8 =	vperm.xlane v11, v5  }
0x225: {  	v10 =	vperm.xlane v9, v5;
	v13 =	vperm.xlane v3, v5  }
0x226: {  	v0 =	vadd.f32 v12, v0;
	v8 =	vadd.f32 v8, v11  }
0x227: {  	v9 =	vadd.f32 v10, v9;
	v3 =	vadd.f32 v13, v3;
	_ =	sdelay $0x1  }
0x228: {  	v0 =	vsel vm2, v0, v8;
	v3 =	vsel vm2, v9, v3  }
0x229: {  	v8 =	vperm.xlane v0, v6;
	v9 =	vperm.xlane v3, v6;
	_ =	sdelay $0x1  }
0x22a: {  	v0 =	vadd.f32 v8, v0;
	v3 =	vadd.f32 v9, v3;
	_ =	sdelay $0x1  }
0x22b: {  	s23 =	sshra.s32 s19, $0x2;
	s19 =	smov.u32 s22;
	v0 =	vsel vm4, v0, v3  }
0x22c: {  	s20 =	sadd.s32 $0x400, s20;
	[tilespmem:v7+s23+$0x0 ss:$0x1] =	vst.idx.msk $0xffff, v0  }
0x22d: {  	v14 =	vld [tilespmem:s20+$0xFFFFFE00]  }
0x22e: {  	v15 =	vld [tilespmem:s20+$0xFFFFFE80]  }
0x22f: {  	v13 =	vld [tilespmem:s20+$0xFFFFFF00]  }
.Ltmp1:
0x230: {  	v12 =	vld [tilespmem:s20+$0xFFFFFF80];
	(pc) =	sbr.rel @p0 .LBB2_5-.Ltmp1, $4  }
0x231: {  	v9 =	vld [tilespmem:s20+$0x0]  }
0x232: {  	v10 =	vld [tilespmem:s20+$0x80]  }
0x233: {  	v8 =	vld [tilespmem:s20+$0x100]  }
0x234: {  	s22 =	sadd.s32 $0x40, s22;
	v11 =	vld [tilespmem:s20+$0x180]  }
0x235: {  	v0 =	vperm.xlane v14, v4  }
0x236: {  	v3 =	vperm.xlane v15, v4;
	v16 =	vperm.xlane v13, v4  }
0x237: {  	v57 =	vperm.xlane v12, v4;
	v58 =	vperm.xlane v9, v4;
	v0 =	vadd.f32 v0, v14  }
0x238: {  	v3 =	vadd.f32 v3, v15;
	v13 =	vadd.f32 v16, v13;
	v59 =	vperm.xlane v10, v4  }
0x239: {  	v12 =	vadd.f32 v57, v12;
	v60 =	vperm.xlane v8, v4;
	v17 =	vperm.xlane v11, v4  }
0x23a: {  	v9 =	vadd.f32 v58, v9;
	v10 =	vadd.f32 v59, v10  }
0x23b: {  	v0 =	vsel vm1, v0, v3;
	v3 =	vadd.f32 v60, v8;
	v8 =	vadd.f32 v17, v11  }
0x23c: {  	v61 =	vsel vm1, v13, v12;
	v9 =	vsel vm1, v9, v10  }
0x23d: {  	v62 =	vperm.xlane v0, v5;
	v10 =	vperm.xlane v9, v5;
	v3 =	vsel vm1, v3, v8  }
0x23e: {  	v8 =	vperm.xlane v61, v5;
	v63 =	vperm.xlane v3, v5  }
0x23f: {  	v0 =	vadd.f32 v62, v0;
	v9 =	vadd.f32 v10, v9  }
0x240: {  	v8 =	vadd.f32 v8, v61;
	v3 =	vadd.f32 v63, v3;
	_ =	sdelay $0x1  }
0x241: {  	v0 =	vsel vm2, v0, v8;
	v3 =	vsel vm2, v9, v3  }
0x242: {  	p0 =	seq.s32 s17, $0x3;
	v8 =	vperm.xlane v0, v6;
	v9 =	vperm.xlane v3, v6  }
.Ltmp2:
0x243: {  	_ = 	snop;
	(pc) =	sbr.rel @p0 .LBB2_8-.Ltmp2, $3  }
0x244: {  	v0 =	vadd.f32 v8, v0;
	v3 =	vadd.f32 v9, v3;
	_ =	sdelay $0x1  }
0x245: {  	s19 =	sshra.s32 s19, $0x2;
	v0 =	vsel vm4, v0, v3  }
0x246: {  	[tilespmem:v7+s19+$0x0 ss:$0x1] =	vst.idx.msk $0xffff, v0  }
0x247: {  	v0 =	vld [tilespmem:s18+$0x80];
	_ =	sdelay $0x2  }
0x248: {  	v7 =	vld [tilespmem:$0x1FFE0];
	_ =	sdelay $0x1  }
0x249: {  	v8 =	vld [tilespmem:$0x1FFF0];
	v3 =	vshll.u32 v0, $0x1  }
0x24a: {  	v0 =	vand.u32 $0x7, v0;
	v3 =	vand.u32 $0xFFFFFFF0, v3  }
0x24b: {  	v0 =	vor.u32 v0, v3  }
0x24c: {  	v3 =	vperm.xlane v0, v7;
	_ =	sdelay $0x1  }
0x24d: {  	v0 =	vperm.xlane v0, v8;
	v3 =	vadd.s32 v2, v3;
	_ =	sdelay $0x1  }
0x24e: {  	v0 =	vadd.s32 v2, v0;
	_ =	sdelay $0x1  }
0x24f: {  	s19 =	simm.s32 $0x600  }
0x250: {  	[tilespmem:s19], [sflag:$0x1] =	stream.indirect_vreg.gather [hbm4b:s1+s4], $0x80, v3, vm0, $0xb8;
	[tilespmem:$0x19800] =	vst v63  }
0x251: {  	s22 =	simm.s32 $0xE00  }
0x252: {  	[tilespmem:s22], [sflag:$0x1] =	stream.indirect_vreg.gather [hbm4b:s1+s4], $0x80, v0, vm0, $0xb8;
	[tilespmem:$0x19800] =	vst v63  }
0x253: {  	v0 =	vld [tilespmem:s18+$0x90];
	_ =	sdelay $0x4  }
0x254: {  	v3 =	vshll.u32 v0, $0x1  }
0x255: {  	v0 =	vand.u32 $0x7, v0;
	v3 =	vand.u32 $0xFFFFFFF0, v3  }
0x256: {  	v0 =	vor.u32 v0, v3  }
0x257: {  	v3 =	vperm.xlane v0, v7;
	_ =	sdelay $0x1  }
0x258: {  	v0 =	vperm.xlane v0, v8;
	v3 =	vadd.s32 v2, v3;
	_ =	sdelay $0x1  }
0x259: {  	v0 =	vadd.s32 v2, v0;
	_ =	sdelay $0x1  }
0x25a: {  	s23 =	simm.s32 $0x1600  }
0x25b: {  	[tilespmem:s23], [sflag:$0x1] =	stream.indirect_vreg.gather [hbm4b:s1+s4], $0x80, v3, vm0, $0xb8;
	[tilespmem:$0x19800] =	vst v63  }
0x25c: {  	s24 =	simm.s32 $0x1E00  }
0x25d: {  	[tilespmem:s24], [sflag:$0x1] =	stream.indirect_vreg.gather [hbm4b:s1+s4], $0x80, v0, vm0, $0xb8;
	[tilespmem:$0x19800] =	vst v63  }
0x25e: {  	v0 =	vld [tilespmem:s18+$0xA0];
	_ =	sdelay $0x4  }
0x25f: {  	v3 =	vshll.u32 v0, $0x1  }
0x260: {  	v0 =	vand.u32 $0x7, v0;
	v3 =	vand.u32 $0xFFFFFFF0, v3  }
0x261: {  	v0 =	vor.u32 v0, v3  }
0x262: {  	v3 =	vperm.xlane v0, v7;
	_ =	sdelay $0x1  }
0x263: {  	v0 =	vperm.xlane v0, v8;
	v3 =	vadd.s32 v2, v3;
	_ =	sdelay $0x1  }
0x264: {  	v0 =	vadd.s32 v2, v0;
	_ =	sdelay $0x1  }
0x265: {  	s25 =	simm.s32 $0x2600  }
0x266: {  	[tilespmem:s25], [sflag:$0x1] =	stream.indirect_vreg.gather [hbm4b:s1+s4], $0x80, v3, vm0, $0xb8;
	[tilespmem:$0x19800] =	vst v63  }
0x267: {  	s26 =	simm.s32 $0x2E00  }
0x268: {  	[tilespmem:s26], [sflag:$0x1] =	stream.indirect_vreg.gather [hbm4b:s1+s4], $0x80, v0, vm0, $0xb8;
	[tilespmem:$0x19800] =	vst v63  }
0x269: {  	v0 =	vld [tilespmem:s18+$0xB0];
	_ =	sdelay $0x4  }
0x26a: {  	v3 =	vshll.u32 v0, $0x1  }
0x26b: {  	v0 =	vand.u32 $0x7, v0;
	v3 =	vand.u32 $0xFFFFFFF0, v3  }
0x26c: {  	v0 =	vor.u32 v0, v3  }
0x26d: {  	v3 =	vperm.xlane v0, v7;
	_ =	sdelay $0x1  }
0x26e: {  	v0 =	vperm.xlane v0, v8;
	v3 =	vadd.s32 v2, v3;
	_ =	sdelay $0x1  }
0x26f: {  	v0 =	vadd.s32 v2, v0;
	_ =	sdelay $0x1  }
0x270: {  	s20 =	simm.s32 $0x3600  }
0x271: {  	[tilespmem:s20], [sflag:$0x1] =	stream.indirect_vreg.gather [hbm4b:s1+s4], $0x80, v3, vm0, $0xb8;
	[tilespmem:$0x19800] =	vst v63  }
0x272: {  	s22 =	simm.s32 $0x3E00  }
0x273: {  	[tilespmem:s22], [sflag:$0x1] =	stream.indirect_vreg.gather [hbm4b:s1+s4], $0x80, v0, vm0, $0xb8;
	[tilespmem:$0x19800] =	vst v63  }
0x274: {  	v0 =	vld [tilespmem:s18+$0x280];
	_ =	sdelay $0x4  }
0x275: {  	v3 =	vshll.u32 v0, $0x1  }
0x276: {  	v0 =	vand.u32 $0x7, v0;
	v3 =	vand.u32 $0xFFFFFFF0, v3  }
0x277: {  	v0 =	vor.u32 v0, v3  }
0x278: {  	v3 =	vperm.xlane v0, v7;
	_ =	sdelay $0x1  }
0x279: {  	v0 =	vperm.xlane v0, v8;
	v3 =	vadd.s32 v2, v3;
	_ =	sdelay $0x1  }
0x27a: {  	v0 =	vadd.s32 v2, v0;
	_ =	sdelay $0x1  }
0x27b: {  	s23 =	simm.s32 $0x8600  }
0x27c: {  	[tilespmem:s23], [sflag:$0x2] =	stream.indirect_vreg.gather [hbm4b:s2+s4], $0x80, v3, vm0, $0xb8;
	[tilespmem:$0x19800] =	vst v63  }
0x27d: {  	s24 =	simm.s32 $0x8E00  }
0x27e: {  	[tilespmem:s24], [sflag:$0x2] =	stream.indirect_vreg.gather [hbm4b:s2+s4], $0x80, v0, vm0, $0xb8;
	[tilespmem:$0x19800] =	vst v63  }
0x27f: {  	v0 =	vld [tilespmem:s18+$0x290];
	_ =	sdelay $0x4  }
0x280: {  	v3 =	vshll.u32 v0, $0x1  }
0x281: {  	v0 =	vand.u32 $0x7, v0;
	v3 =	vand.u32 $0xFFFFFFF0, v3  }
0x282: {  	v0 =	vor.u32 v0, v3  }
0x283: {  	v3 =	vperm.xlane v0, v7;
	_ =	sdelay $0x1  }
0x284: {  	v0 =	vperm.xlane v0, v8;
	v3 =	vadd.s32 v2, v3;
	_ =	sdelay $0x1  }
0x285: {  	v0 =	vadd.s32 v2, v0;
	_ =	sdelay $0x1  }
0x286: {  	s25 =	simm.s32 $0x9600  }
0x287: {  	[tilespmem:s25], [sflag:$0x2] =	stream.indirect_vreg.gather [hbm4b:s2+s4], $0x80, v3, vm0, $0xb8;
	[tilespmem:$0x19800] =	vst v63  }
0x288: {  	s26 =	simm.s32 $0x9E00  }
0x289: {  	[tilespmem:s26], [sflag:$0x2] =	stream.indirect_vreg.gather [hbm4b:s2+s4], $0x80, v0, vm0, $0xb8;
	[tilespmem:$0x19800] =	vst v63  }
0x28a: {  	v0 =	vld [tilespmem:s18+$0x2A0];
	_ =	sdelay $0x4  }
0x28b: {  	v3 =	vshll.u32 v0, $0x1  }
0x28c: {  	v0 =	vand.u32 $0x7, v0;
	v3 =	vand.u32 $0xFFFFFFF0, v3  }
0x28d: {  	v0 =	vor.u32 v0, v3  }
0x28e: {  	v3 =	vperm.xlane v0, v7;
	_ =	sdelay $0x1  }
0x28f: {  	v0 =	vperm.xlane v0, v8;
	v3 =	vadd.s32 v2, v3;
	_ =	sdelay $0x1  }
0x290: {  	v0 =	vadd.s32 v2, v0;
	_ =	sdelay $0x1  }
0x291: {  	s20 =	simm.s32 $0xA600  }
0x292: {  	[tilespmem:s20], [sflag:$0x2] =	stream.indirect_vreg.gather [hbm4b:s2+s4], $0x80, v3, vm0, $0xb8;
	[tilespmem:$0x19800] =	vst v63  }
0x293: {  	s22 =	simm.s32 $0xAE00  }
0x294: {  	[tilespmem:s22], [sflag:$0x2] =	stream.indirect_vreg.gather [hbm4b:s2+s4], $0x80, v0, vm0, $0xb8;
	[tilespmem:$0x19800] =	vst v63  }
0x295: {  	v0 =	vld [tilespmem:s18+$0x2B0];
	_ =	sdelay $0x4  }
0x296: {  	v3 =	vshll.u32 v0, $0x1  }
0x297: {  	v0 =	vand.u32 $0x7, v0;
	v3 =	vand.u32 $0xFFFFFFF0, v3  }
0x298: {  	v0 =	vor.u32 v0, v3  }
0x299: {  	v3 =	vperm.xlane v0, v7;
	_ =	sdelay $0x1  }
0x29a: {  	v0 =	vperm.xlane v0, v8;
	v3 =	vadd.s32 v2, v3;
	_ =	sdelay $0x1  }
0x29b: {  	v0 =	vadd.s32 v2, v0;
	_ =	sdelay $0x1  }
0x29c: {  	s23 =	simm.s32 $0xB600  }
0x29d: {  	[tilespmem:s23], [sflag:$0x2] =	stream.indirect_vreg.gather [hbm4b:s2+s4], $0x80, v3, vm0, $0xb8;
	[tilespmem:$0x19800] =	vst v63  }
0x29e: {  	s24 =	simm.s32 $0xBE00  }
0x29f: {  	[tilespmem:s24], [sflag:$0x2] =	stream.indirect_vreg.gather [hbm4b:s2+s4], $0x80, v0, vm0, $0xb8;
	[tilespmem:$0x19800] =	vst v63  }
0x2a0: {  	v0 =	vld [tilespmem:s18+$0x480];
	_ =	sdelay $0x4  }
0x2a1: {  	v3 =	vshll.u32 v0, $0x1  }
0x2a2: {  	v0 =	vand.u32 $0x7, v0;
	v3 =	vand.u32 $0xFFFFFFF0, v3  }
0x2a3: {  	v0 =	vor.u32 v0, v3  }
0x2a4: {  	v3 =	vperm.xlane v0, v7;
	_ =	sdelay $0x1  }
0x2a5: {  	v0 =	vperm.xlane v0, v8;
	v3 =	vadd.s32 v2, v3;
	_ =	sdelay $0x1  }
0x2a6: {  	v0 =	vadd.s32 v2, v0;
	_ =	sdelay $0x1  }
0x2a7: {  	s25 =	simm.s32 $0x10600  }
0x2a8: {  	[tilespmem:s25], [sflag:$0x3] =	stream.indirect_vreg.gather [hbm4b:s1+s4], $0x80, v3, vm0, $0xb8;
	[tilespmem:$0x19800] =	vst v63  }
0x2a9: {  	s26 =	simm.s32 $0x10E00  }
0x2aa: {  	[tilespmem:s26], [sflag:$0x3] =	stream.indirect_vreg.gather [hbm4b:s1+s4], $0x80, v0, vm0, $0xb8;
	[tilespmem:$0x19800] =	vst v63  }
0x2ab: {  	v0 =	vld [tilespmem:s18+$0x490];
	_ =	sdelay $0x4  }
0x2ac: {  	v3 =	vshll.u32 v0, $0x1  }
0x2ad: {  	v0 =	vand.u32 $0x7, v0;
	v3 =	vand.u32 $0xFFFFFFF0, v3  }
0x2ae: {  	v0 =	vor.u32 v0, v3  }
0x2af: {  	v3 =	vperm.xlane v0, v7;
	_ =	sdelay $0x1  }
0x2b0: {  	v0 =	vperm.xlane v0, v8;
	v3 =	vadd.s32 v2, v3;
	_ =	sdelay $0x1  }
0x2b1: {  	v0 =	vadd.s32 v2, v0;
	_ =	sdelay $0x1  }
0x2b2: {  	s20 =	simm.s32 $0x11600  }
0x2b3: {  	[tilespmem:s20], [sflag:$0x3] =	stream.indirect_vreg.gather [hbm4b:s1+s4], $0x80, v3, vm0, $0xb8;
	[tilespmem:$0x19800] =	vst v63  }
0x2b4: {  	s22 =	simm.s32 $0x11E00  }
0x2b5: {  	[tilespmem:s22], [sflag:$0x3] =	stream.indirect_vreg.gather [hbm4b:s1+s4], $0x80, v0, vm0, $0xb8;
	[tilespmem:$0x19800] =	vst v63  }
0x2b6: {  	v0 =	vld [tilespmem:s18+$0x4A0];
	_ =	sdelay $0x4  }
0x2b7: {  	v3 =	vshll.u32 v0, $0x1  }
0x2b8: {  	v0 =	vand.u32 $0x7, v0;
	v3 =	vand.u32 $0xFFFFFFF0, v3  }
0x2b9: {  	v0 =	vor.u32 v0, v3  }
0x2ba: {  	v3 =	vperm.xlane v0, v7;
	_ =	sdelay $0x1  }
0x2bb: {  	v0 =	vperm.xlane v0, v8;
	v3 =	vadd.s32 v2, v3;
	_ =	sdelay $0x1  }
0x2bc: {  	v0 =	vadd.s32 v2, v0;
	_ =	sdelay $0x1  }
0x2bd: {  	s23 =	simm.s32 $0x12600  }
0x2be: {  	[tilespmem:s23], [sflag:$0x3] =	stream.indirect_vreg.gather [hbm4b:s1+s4], $0x80, v3, vm0, $0xb8;
	[tilespmem:$0x19800] =	vst v63  }
0x2bf: {  	s24 =	simm.s32 $0x12E00  }
0x2c0: {  	[tilespmem:s24], [sflag:$0x3] =	stream.indirect_vreg.gather [hbm4b:s1+s4], $0x80, v0, vm0, $0xb8;
	[tilespmem:$0x19800] =	vst v63  }
0x2c1: {  	v0 =	vld [tilespmem:s18+$0x4B0];
	_ =	sdelay $0x4  }
0x2c2: {  	v3 =	vshll.u32 v0, $0x1  }
0x2c3: {  	v0 =	vand.u32 $0x7, v0;
	v3 =	vand.u32 $0xFFFFFFF0, v3  }
0x2c4: {  	v0 =	vor.u32 v0, v3  }
0x2c5: {  	v3 =	vperm.xlane v0, v7;
	_ =	sdelay $0x1  }
0x2c6: {  	v0 =	vperm.xlane v0, v8;
	v3 =	vadd.s32 v2, v3;
	_ =	sdelay $0x1  }
0x2c7: {  	v0 =	vadd.s32 v2, v0;
	_ =	sdelay $0x1  }
0x2c8: {  	s25 =	simm.s32 $0x13600  }
0x2c9: {  	[tilespmem:s25], [sflag:$0x3] =	stream.indirect_vreg.gather [hbm4b:s1+s4], $0x80, v3, vm0, $0xb8;
	[tilespmem:$0x19800] =	vst v63  }
0x2ca: {  	s26 =	simm.s32 $0x13E00  }
0x2cb: {  	[tilespmem:s26], [sflag:$0x3] =	stream.indirect_vreg.gather [hbm4b:s1+s4], $0x80, v0, vm0, $0xb8;
	[tilespmem:$0x19800] =	vst v63  }
.LBB2_8:
0x2cc: {  	_ =	swait.ge [sflag:s8], $0x4000  }
0x2cd: {  	[sflag:s8] =	ssyncset.done $0x0  }
0x2ce: {  	[sflag:s8] =	ssyncadd.s32 $0xFFFFC000  }
0x2cf: {  	s18 =	simm.s32 $0x0;
	s19 =	simm.s32 $0x0;
	_ =	swait.ge [sflag:s9], $0x4000  }
0x2d0: {  	s20 =	simm.s32 $0x0;
	s18 =	sand.u32 $0x20000000, s18;
	[sflag:s9] =	ssyncset.done $0x0  }
0x2d1: {  	s20 =	sand.u32 $0x40000000, s20;
	s19 =	sor.u32 s18, s19;
	[sflag:s9] =	ssyncadd.s32 $0xFFFFC000  }
0x2d2: {  	s18 =	simm.s32 $0x0;
	s19 =	sor.u32 s19, s20;
	_ =	swait.ge [sflag:s14], $0x4000  }
0x2d3: {  	s26 =	sand.u32 $0x3000, s18;
	s19 =	sshrl.u32 s19, $0x16;
	[sflag:s14] =	ssyncset.done $0x0  }
0x2d4: {  	s19 =	sor.u32 s26, s19;
	[sflag:s14] =	ssyncadd.s32 $0xFFFFC000  }
0x2d5: {  	v0 =	vld [tilespmem:s19+$0xC670]  }
0x2d6: {  	v3 =	vld [tilespmem:s19+$0xCA70]  }
0x2d7: {  	v11 =	vld [tilespmem:s19+$0xC660]  }
0x2d8: {  	v12 =	vld [tilespmem:s19+$0xCA60]  }
0x2d9: {  	v13 =	vld [tilespmem:s19+$0xC650]  }
0x2da: {  	v15 =	vld [tilespmem:s19+$0xCA50]  }
0x2db: {  	v18 =	vld [tilespmem:s19+$0xC640]  }
0x2dc: {  	v19 =	vld [tilespmem:s19+$0xCA40]  }
0x2dd: {  	v20 =	vld [tilespmem:s19+$0xC630]  }
0x2de: {  	v21 =	vld [tilespmem:s19+$0xCA30]  }
0x2df: {  	v16 =	vld [tilespmem:s19+$0xC620]  }
0x2e0: {  	v17 =	vld [tilespmem:s19+$0xCA20]  }
0x2e1: {  	v7 =	vld [tilespmem:s19+$0x14670]  }
0x2e2: {  	v8 =	vld [tilespmem:s19+$0x4670]  }
0x2e3: {  	v22 =	vld [tilespmem:s19+$0x14A70]  }
0x2e4: {  	v23 =	vld [tilespmem:s19+$0x4A70]  }
0x2e5: {  	v24 =	vld [tilespmem:s19+$0x14E70]  }
0x2e6: {  	v25 =	vld [tilespmem:s19+$0x4E70]  }
0x2e7: {  	v26 =	vld [tilespmem:s19+$0x15270]  }
0x2e8: {  	v27 =	vld [tilespmem:s19+$0x5270]  }
0x2e9: {  	v14 =	vld [tilespmem:s19+$0xC610]  }
0x2ea: {  	v10 =	vld [tilespmem:s19+$0xCA10]  }
0x2eb: {  	v28 =	vld [tilespmem:s19+$0x14660]  }
0x2ec: {  	v29 =	vld [tilespmem:s19+$0x4660]  }
0x2ed: {  	v30 =	vld [tilespmem:s19+$0x14A60]  }
0x2ee: {  	v31 =	vld [tilespmem:s19+$0x4A60]  }
0x2ef: {  	v9 =	vld [tilespmem:s19+$0xCE10]  }
0x2f0: {  	v32 =	vld [tilespmem:s19+$0x14E60]  }
0x2f1: {  	v33 =	vld [tilespmem:s19+$0x4E60]  }
0x2f2: {  	v34 =	vld [tilespmem:s19+$0x15260]  }
0x2f3: {  	v35 =	vld [tilespmem:s19+$0x5260]  }
0x2f4: {  	v36 =	vld [tilespmem:s19+$0x14650]  }
0x2f5: {  	v37 =	vld [tilespmem:s19+$0x4650]  }
0x2f6: {  	v38 =	vld [tilespmem:s19+$0x14A50]  }
0x2f7: {  	v39 =	vld [tilespmem:s19+$0x4A50]  }
0x2f8: {  	v41 =	vld [tilespmem:s19+$0x14E50]  }
0x2f9: {  	v40 =	vld [tilespmem:s19+$0x4E50]  }
0x2fa: {  	v42 =	vld [tilespmem:s19+$0x15250]  }
0x2fb: {  	v43 =	vld [tilespmem:s19+$0x5250]  }
0x2fc: {  	v44 =	vld [tilespmem:s19+$0x14640]  }
0x2fd: {  	v45 =	vld [tilespmem:s19+$0x4640]  }
0x2fe: {  	v46 =	vld [tilespmem:s19+$0x14A40]  }
0x2ff: {  	v47 =	vld [tilespmem:s19+$0x4A40]  }
0x300: {  	v50 =	vld [tilespmem:s19+$0x14E40]  }
0x301: {  	v51 =	vld [tilespmem:s19+$0x4E40]  }
0x302: {  	v53 =	vld [tilespmem:s19+$0x14A30];
	v48 =	vmul.f32 v7, v8  }
0x303: {  	v54 =	vld [tilespmem:s19+$0x4A30];
	v49 =	vmul.f32 v22, v23;
	v8 =	vmul.f32 v22, v8  }
0x304: {  	v56 =	vld [tilespmem:s19+$0x14E30];
	v7 =	vmul.f32 v7, v23;
	v63 =	vmul.f32 v28, v29  }
0x305: {  	v58 =	vld [tilespmem:s19+$0x4E30];
	v52 =	vmul.f32 v30, v31;
	v29 =	vmul.f32 v30, v29  }
0x306: {  	v60 =	vld [tilespmem:s19+$0x15230];
	v28 =	vmul.f32 v28, v31;
	v57 =	vmul.f32 v26, v25  }
0x307: {  	v61 =	vld [tilespmem:s19+$0x5230];
	v59 =	vmul.f32 v24, v27;
	v30 =	vmul.f32 v46, v47;
	v48 =	vadd.f32 v49, v48  }
0x308: {  	v55 =	vld [tilespmem:s19+$0x4620];
	v31 =	vmul.f32 v41, v40;
	v46 =	vmul.f32 v46, v45;
	v8 =	vsub.f32 v8, v7  }
0x309: {  	v62 =	vld [tilespmem:s19+$0x14A20];
	v47 =	vmul.f32 v44, v47;
	v7 =	vmul.f32 v48, v0  }
0x30a: {  	v22 =	vld [tilespmem:s19+$0x15240];
	v8 =	vmul.f32 v8, v3;
	v3 =	vmul.f32 v24, v25  }
0x30b: {  	v23 =	vld [tilespmem:s19+$0x5240];
	v48 =	vadd.f32 v52, v63;
	v52 =	vmul.f32 v26, v27;
	v26 =	vmul.f32 v36, v37  }
0x30c: {  	v49 =	vld [tilespmem:s19+$0x14630];
	v27 =	vmul.f32 v38, v39;
	v24 =	vmul.f32 v32, v33  }
0x30d: {  	v0 =	vld [tilespmem:s19+$0x4630];
	v25 =	vsub.f32 v29, v28;
	v29 =	vmul.f32 v36, v39;
	v28 =	vmul.f32 v34, v35  }
0x30e: {  	v39 =	vmul.f32 v42, v43;
	v36 =	vsub.f32 v46, v47;
	v63 =	vmul.f32 v53, v54;
	v46 =	vld [tilespmem:s19+$0x4E10]  }
0x30f: {  	v47 =	vld [tilespmem:s19+$0x14600];
	v11 =	vmul.f32 v48, v11;
	v12 =	vmul.f32 v25, v12  }
0x310: {  	v48 =	vld [tilespmem:s19+$0x14620];
	v25 =	vadd.f32 v27, v26;
	v27 =	vmul.f32 v38, v37;
	v26 =	vmul.f32 v34, v33  }
0x311: {  	v33 =	vld [tilespmem:s19+$0x15220];
	v34 =	vmul.f32 v41, v43;
	v19 =	vmul.f32 v36, v19  }
0x312: {  	v38 =	vld [tilespmem:s19+$0x14610];
	v36 =	vmul.f32 v50, v51;
	v43 =	vmul.f32 v50, v23  }
0x313: {  	v50 =	vld [tilespmem:s19+$0x15210];
	v13 =	vmul.f32 v25, v13;
	v25 =	vmul.f32 v44, v45  }
0x314: {  	v41 =	vmul.f32 v22, v23;
	v27 =	vsub.f32 v27, v29;
	v29 =	vmul.f32 v32, v35;
	v32 =	vld [tilespmem:s19+$0x4A20]  }
0x315: {  	v37 =	vmul.f32 v22, v51;
	v51 =	vmul.f32 v62, v55;
	v35 =	vld [tilespmem:s19+$0x4E20];
	v25 =	vadd.f32 v30, v25  }
0x316: {  	v54 =	vmul.f32 v49, v54;
	v44 =	vld [tilespmem:s19+$0x14A10];
	v15 =	vmul.f32 v27, v15  }
0x317: {  	v45 =	vld [tilespmem:s19+$0x4A10];
	v18 =	vmul.f32 v25, v18;
	v25 =	vmul.f32 v49, v0  }
0x318: {  	v27 =	vld [tilespmem:s19+$0x14E20];
	v30 =	vmul.f32 v42, v40;
	v0 =	vmul.f32 v53, v0  }
0x319: {  	v40 =	vld [tilespmem:s19+$0x5220];
	v49 =	vmul.f32 v48, v55;
	v62 =	vmul.f32 v62, v32;
	v25 =	vadd.f32 v63, v25  }
0x31a: {  	v42 =	vld [tilespmem:s19+$0x4610];
	v0 =	vsub.f32 v0, v54;
	v63 =	vmul.f32 v48, v32;
	v48 =	vmul.f32 v56, v58  }
0x31b: {  	v53 =	vld [tilespmem:s19+$0x4600];
	v54 =	vadd.f32 v62, v49;
	v49 =	vmul.f32 v60, v58;
	v22 =	vmul.f32 v25, v20  }
0x31c: {  	v32 =	vld [tilespmem:s19+$0x5210];
	v23 =	vmul.f32 v0, v21;
	v20 =	vadd.f32 v52, v3;
	v55 =	vsub.f32 v51, v63  }
0x31d: {  	s22 =	simm.s32 $0x1;
	s23 =	simm.s32 $0x0;
	s20 =	simm.s32 $0x0;
	v25 =	vld [tilespmem:s19+$0x14E10];
	v52 =	vmul.f32 v60, v61;
	v51 =	vmul.f32 v56, v61;
	v21 =	vsub.f32 v57, v59  }
.LBB2_9:
0x31e: {  	p0 =	sne.s32 s22, $0x1F;
	v0 =	vld [tilespmem:s19+$0x14A00];
	v3 =	vmul.f32 v54, v16;
	v16 =	vmul.f32 v55, v17;
	v17 =	vadd.f32 v28, v24  }
0x31f: {  	v28 =	vmul.f32 v38, v42;
	v54 =	vmul.f32 v44, v45;
	v26 =	vsub.f32 v26, v29;
	v24 =	vld [tilespmem:s19+$0x4A00]  }
0x320: {  	v55 =	vmul.f32 v27, v35;
	v35 =	vmul.f32 v33, v35;
	v31 =	vadd.f32 v39, v31;
	v29 =	vld [tilespmem:s19+$0x14E00]  }
0x321: {  	v33 =	vmul.f32 v33, v40;
	v27 =	vmul.f32 v27, v40;
	v28 =	vadd.f32 v54, v28;
	v39 =	vld [tilespmem:s19+$0x4E00]  }
0x322: {  	v40 =	vmul.f32 v44, v42;
	v38 =	vmul.f32 v38, v45;
	v30 =	vsub.f32 v30, v34;
	v42 =	vld [tilespmem:s19+$0x15200]  }
0x323: {  	v34 =	vmul.f32 v25, v46;
	v36 =	vadd.f32 v41, v36;
	v14 =	vmul.f32 v28, v14;
	v28 =	vld [tilespmem:s19+$0x5200]  }
0x324: {  	v37 =	vsub.f32 v37, v43;
	v45 =	vmul.f32 v50, v46;
	v44 =	vmul.f32 v50, v32;
	v41 =	vld [tilespmem:s19+$0xC600]  }
0x325: {  	v48 =	vadd.f32 v52, v48;
	v43 =	vmul.f32 v47, v53;
	v46 =	vmul.f32 v0, v53;
	v50 =	vld [tilespmem:s19+$0xCA00]  }
0x326: {  	v49 =	vsub.f32 v49, v51;
	v0 =	vmul.f32 v0, v24;
	v24 =	vmul.f32 v47, v24;
	v47 =	vld [tilespmem:s19+$0xCE00]  }
0x327: {  	v38 =	vsub.f32 v40, v38;
	v40 =	vmul.f32 v29, v39;
	v39 =	vmul.f32 v42, v39;
	v51 =	vld [tilespmem:s19+$0xD200]  }
0x328: {  	v42 =	vmul.f32 v42, v28;
	v28 =	vmul.f32 v29, v28;
	v29 =	vadd.f32 v44, v34;
	v34 =	vld [tilespmem:s19+$0xD210]  }
0x329: {  	v25 =	vmul.f32 v25, v32;
	v0 =	vadd.f32 v0, v43;
	v24 =	vsub.f32 v46, v24;
	v32 =	vld [tilespmem:s19+$0xCE20]  }
0x32a: {  	v10 =	vmul.f32 v38, v10;
	v38 =	vadd.f32 v42, v40;
	v28 =	vsub.f32 v39, v28;
	v39 =	vld [tilespmem:s19+$0xD220]  }
0x32b: {  	v25 =	vsub.f32 v45, v25;
	v0 =	vmul.f32 v0, v41;
	v24 =	vmul.f32 v24, v50;
	v40 =	vld [tilespmem:s19+$0xCE30]  }
0x32c: {  	v33 =	vadd.f32 v33, v55;
	v38 =	vmul.f32 v38, v47;
	v28 =	vmul.f32 v28, v51;
	v41 =	vld [tilespmem:s19+$0xD230]  }
0x32d: {  	v27 =	vsub.f32 v35, v27;
	v9 =	vmul.f32 v29, v9;
	v25 =	vmul.f32 v25, v34;
	v29 =	vld [tilespmem:s19+$0xCE40]  }
0x32e: {  	v0 =	vadd.f32 v24, v0;
	v24 =	vadd.f32 v28, v38;
	v28 =	vmul.f32 v33, v32;
	v32 =	vld [tilespmem:s19+$0xD240]  }
0x32f: {  	v10 =	vadd.f32 v10, v14;
	v9 =	vadd.f32 v25, v9;
	v14 =	vmul.f32 v27, v39;
	v25 =	vld [tilespmem:s19+$0xCE50]  }
0x330: {  	v0 =	vadd.f32 $0.0e+00, v0;
	v24 =	vadd.f32 $0.0e+00, v24;
	v27 =	vmul.f32 v48, v40;
	v33 =	vld [tilespmem:s19+$0xD250]  }
0x331: {  	v3 =	vadd.f32 v16, v3;
	v14 =	vadd.f32 v14, v28;
	v16 =	vmul.f32 v49, v41;
	v28 =	vld [tilespmem:s19+$0xCE60]  }
0x332: {  	v0 =	vadd.f32 v10, v0;
	v9 =	vadd.f32 v9, v24;
	v10 =	vmul.f32 v36, v29;
	v24 =	vld [tilespmem:s19+$0xD260]  }
0x333: {  	v22 =	vadd.f32 v23, v22;
	v16 =	vadd.f32 v16, v27;
	v23 =	vmul.f32 v37, v32;
	v27 =	vld [tilespmem:s19+$0xCE70]  }
0x334: {  	v0 =	vadd.f32 v3, v0;
	v3 =	vadd.f32 v14, v9;
	v9 =	vmul.f32 v31, v25;
	v14 =	vld [tilespmem:s19+$0xD270]  }
0x335: {  	v18 =	vadd.f32 v19, v18;
	v10 =	vadd.f32 v23, v10;
	v19 =	vmul.f32 v30, v33  }
0x336: {  	v0 =	vadd.f32 v22, v0;
	v3 =	vadd.f32 v16, v3;
	v16 =	vmul.f32 v17, v28  }
0x337: {  	v13 =	vadd.f32 v15, v13;
	v9 =	vadd.f32 v19, v9;
	v15 =	vmul.f32 v26, v24  }
0x338: {  	v0 =	vadd.f32 v18, v0;
	v3 =	vadd.f32 v10, v3;
	v10 =	vmul.f32 v20, v27  }
0x339: {  	v11 =	vadd.f32 v12, v11;
	v12 =	vadd.f32 v15, v16;
	v14 =	vmul.f32 v21, v14  }
0x33a: {  	v0 =	vadd.f32 v13, v0;
	v3 =	vadd.f32 v9, v3  }
0x33b: {  	v7 =	vadd.f32 v8, v7;
	v8 =	vadd.f32 v14, v10  }
0x33c: {  	v0 =	vadd.f32 v11, v0;
	v3 =	vadd.f32 v12, v3;
	_ =	sdelay $0x1  }
0x33d: {  	v0 =	vadd.f32 v7, v0;
	v3 =	vadd.f32 v8, v3;
	_ =	sdelay $0x1  }
0x33e: {  	s19 =	sshll.u32 s22, $0x1B;
	v7 =	vperm.xlane v0, v1;
	v8 =	vperm.xlane v3, v1  }
0x33f: {  	s24 =	sshll.u32 s22, $0x1F;
	s25 =	sshll.u32 s22, $0x1D;
	s19 =	sand.u32 $0x20000000, s19  }
0x340: {  	s19 =	sor.u32 s19, s24;
	s24 =	sand.u32 $0x40000000, s25;
	v0 =	vadd.f32 v7, v0;
	v3 =	vadd.f32 v3, v8  }
0x341: {  	s23 =	sadd.s32 $0x200, s23;
	s19 =	sor.u32 s19, s24  }
0x342: {  	s20 =	sshra.s32 s20, $0x2;
	s24 =	sand.u32 $0x3000, s23;
	s19 =	sshrl.u32 s19, $0x16;
	v0 =	vsel vm3, v0, v3  }
0x343: {  	s19 =	sor.u32 s24, s19;
	[tilespmem:s20+$0x18600] =	vst v0;
	s20 =	smov.u32 s23  }
0x344: {  	v0 =	vld [tilespmem:s19+$0xC670]  }
0x345: {  	v3 =	vld [tilespmem:s19+$0xCA70]  }
0x346: {  	v11 =	vld [tilespmem:s19+$0xC660]  }
0x347: {  	v12 =	vld [tilespmem:s19+$0xCA60]  }
0x348: {  	v13 =	vld [tilespmem:s19+$0xC650]  }
0x349: {  	v15 =	vld [tilespmem:s19+$0xCA50]  }
0x34a: {  	v18 =	vld [tilespmem:s19+$0xC640]  }
0x34b: {  	v19 =	vld [tilespmem:s19+$0xCA40]  }
0x34c: {  	v21 =	vld [tilespmem:s19+$0xC630]  }
0x34d: {  	v20 =	vld [tilespmem:s19+$0xCA30]  }
0x34e: {  	v16 =	vld [tilespmem:s19+$0xC620]  }
0x34f: {  	v17 =	vld [tilespmem:s19+$0xCA20]  }
0x350: {  	v7 =	vld [tilespmem:s19+$0x14670]  }
0x351: {  	v8 =	vld [tilespmem:s19+$0x4670]  }
0x352: {  	v22 =	vld [tilespmem:s19+$0x14A70]  }
0x353: {  	v23 =	vld [tilespmem:s19+$0x4A70]  }
0x354: {  	v24 =	vld [tilespmem:s19+$0x14E70]  }
0x355: {  	v25 =	vld [tilespmem:s19+$0x4E70]  }
0x356: {  	v26 =	vld [tilespmem:s19+$0x15270]  }
0x357: {  	v27 =	vld [tilespmem:s19+$0x5270]  }
0x358: {  	v14 =	vld [tilespmem:s19+$0xC610]  }
0x359: {  	v10 =	vld [tilespmem:s19+$0xCA10]  }
0x35a: {  	v28 =	vld [tilespmem:s19+$0x14660]  }
0x35b: {  	v29 =	vld [tilespmem:s19+$0x4660]  }
0x35c: {  	v30 =	vld [tilespmem:s19+$0x14A60]  }
0x35d: {  	v31 =	vld [tilespmem:s19+$0x4A60]  }
0x35e: {  	v9 =	vld [tilespmem:s19+$0xCE10]  }
0x35f: {  	v32 =	vld [tilespmem:s19+$0x14E60]  }
0x360: {  	v33 =	vld [tilespmem:s19+$0x4E60]  }
0x361: {  	v34 =	vld [tilespmem:s19+$0x15260]  }
0x362: {  	v35 =	vld [tilespmem:s19+$0x5260]  }
0x363: {  	v36 =	vld [tilespmem:s19+$0x14650]  }
0x364: {  	v37 =	vld [tilespmem:s19+$0x4650]  }
0x365: {  	v38 =	vld [tilespmem:s19+$0x14A50]  }
0x366: {  	v39 =	vld [tilespmem:s19+$0x4A50]  }
0x367: {  	v41 =	vld [tilespmem:s19+$0x14E50]  }
0x368: {  	v40 =	vld [tilespmem:s19+$0x4E50]  }
0x369: {  	v42 =	vld [tilespmem:s19+$0x15250]  }
0x36a: {  	v43 =	vld [tilespmem:s19+$0x5250]  }
0x36b: {  	v44 =	vld [tilespmem:s19+$0x14640]  }
0x36c: {  	v45 =	vld [tilespmem:s19+$0x4640]  }
0x36d: {  	v46 =	vld [tilespmem:s19+$0x14A40]  }
0x36e: {  	v47 =	vld [tilespmem:s19+$0x4A40]  }
0x36f: {  	v48 =	vmul.f32 v7, v8;
	v49 =	vmul.f32 v22, v23;
	v50 =	vld [tilespmem:s19+$0x14E40]  }
0x370: {  	v51 =	vld [tilespmem:s19+$0x4E40]  }
0x371: {  	v8 =	vmul.f32 v22, v8;
	v7 =	vmul.f32 v7, v23;
	v48 =	vadd.f32 v49, v48;
	v22 =	vld [tilespmem:s19+$0x15240]  }
0x372: {  	v23 =	vld [tilespmem:s19+$0x5240]  }
0x373: {  	v8 =	vsub.f32 v8, v7;
	v7 =	vmul.f32 v48, v0;
	v49 =	vld [tilespmem:s19+$0x14630]  }
0x374: {  	v48 =	vmul.f32 v28, v29;
	v52 =	vmul.f32 v30, v31;
	v0 =	vld [tilespmem:s19+$0x4630]  }
0x375: {  	v8 =	vmul.f32 v8, v3;
	v3 =	vmul.f32 v24, v25;
	v53 =	vld [tilespmem:s19+$0x14A30]  }
0x376: {  	v29 =	vmul.f32 v30, v29;
	v28 =	vmul.f32 v28, v31;
	v48 =	vadd.f32 v52, v48;
	v54 =	vld [tilespmem:s19+$0x4A30]  }
0x377: {  	v57 =	vmul.f32 v26, v25;
	v52 =	vmul.f32 v26, v27;
	v56 =	vld [tilespmem:s19+$0x14E30]  }
0x378: {  	v59 =	vmul.f32 v24, v27;
	v25 =	vsub.f32 v29, v28;
	v11 =	vmul.f32 v48, v11;
	v58 =	vld [tilespmem:s19+$0x4E30]  }
0x379: {  	v26 =	vmul.f32 v36, v37;
	v27 =	vmul.f32 v38, v39;
	v60 =	vld [tilespmem:s19+$0x15230]  }
0x37a: {  	v24 =	vmul.f32 v32, v33;
	v12 =	vmul.f32 v25, v12;
	v61 =	vld [tilespmem:s19+$0x5230]  }
0x37b: {  	v29 =	vmul.f32 v36, v39;
	v25 =	vadd.f32 v27, v26;
	v27 =	vmul.f32 v38, v37;
	v48 =	vld [tilespmem:s19+$0x14620]  }
0x37c: {  	v28 =	vmul.f32 v34, v35;
	v26 =	vmul.f32 v34, v33;
	v55 =	vld [tilespmem:s19+$0x4620]  }
0x37d: {  	v27 =	vsub.f32 v27, v29;
	v13 =	vmul.f32 v25, v13;
	v29 =	vmul.f32 v32, v35;
	v62 =	vld [tilespmem:s19+$0x14A20]  }
0x37e: {  	v25 =	vmul.f32 v44, v45;
	v30 =	vmul.f32 v46, v47;
	v32 =	vld [tilespmem:s19+$0x4A20]  }
0x37f: {  	v31 =	vmul.f32 v41, v40;
	v15 =	vmul.f32 v27, v15;
	v27 =	vld [tilespmem:s19+$0x14E20]  }
0x380: {  	v34 =	vmul.f32 v46, v45;
	v36 =	vmul.f32 v44, v47;
	v25 =	vadd.f32 v30, v25;
	v35 =	vld [tilespmem:s19+$0x4E20]  }
0x381: {  	v39 =	vmul.f32 v42, v43;
	v30 =	vmul.f32 v42, v40;
	v33 =	vld [tilespmem:s19+$0x15220]  }
0x382: {  	v36 =	vsub.f32 v34, v36;
	v34 =	vmul.f32 v41, v43;
	v18 =	vmul.f32 v25, v18;
	v40 =	vld [tilespmem:s19+$0x5220]  }
0x383: {  	v25 =	vmul.f32 v49, v0;
	v37 =	vmul.f32 v53, v54;
	v38 =	vld [tilespmem:s19+$0x14610]  }
0x384: {  	v19 =	vmul.f32 v36, v19;
	v36 =	vmul.f32 v50, v51;
	v42 =	vld [tilespmem:s19+$0x4610]  }
0x385: {  	v41 =	vmul.f32 v22, v23;
	v25 =	vadd.f32 v37, v25;
	v37 =	vmul.f32 v22, v51;
	v44 =	vld [tilespmem:s19+$0x14A10]  }
0x386: {  	v0 =	vmul.f32 v53, v0;
	v46 =	vmul.f32 v49, v54;
	v45 =	vld [tilespmem:s19+$0x4A10]  }
0x387: {  	v43 =	vmul.f32 v50, v23;
	v22 =	vmul.f32 v25, v21;
	v25 =	vld [tilespmem:s19+$0x14E10]  }
.Ltmp3:
0x388: {  	v0 =	vsub.f32 v0, v46;
	v21 =	vmul.f32 v48, v55;
	v49 =	vmul.f32 v62, v55;
	v46 =	vld [tilespmem:s19+$0x4E10];
	(pc) =	sbr.rel @p0 .LBB2_9-.Ltmp3, $4  }
0x389: {  	v51 =	vmul.f32 v62, v32;
	v53 =	vmul.f32 v48, v32;
	v50 =	vld [tilespmem:s19+$0x15210]  }
0x38a: {  	v23 =	vmul.f32 v0, v20;
	v20 =	vadd.f32 v52, v3;
	v48 =	vmul.f32 v56, v58;
	v32 =	vld [tilespmem:s19+$0x5210]  }
0x38b: {  	v54 =	vadd.f32 v51, v21;
	v55 =	vsub.f32 v49, v53;
	v49 =	vmul.f32 v60, v58;
	v47 =	vld [tilespmem:s19+$0x14600]  }
0x38c: {  	s22 =	sadd.s32 $0x1, s22;
	v52 =	vmul.f32 v60, v61;
	v51 =	vmul.f32 v56, v61;
	v21 =	vsub.f32 v57, v59;
	v53 =	vld [tilespmem:s19+$0x4600]  }
0x38d: {  	v3 =	vmul.f32 v54, v16;
	v16 =	vmul.f32 v55, v17;
	v17 =	vadd.f32 v28, v24  }
0x38e: {  	v63 =	vmul.f32 v38, v42;
	v57 =	vmul.f32 v44, v45;
	v26 =	vsub.f32 v26, v29  }
0x38f: {  	v0 =	vld [tilespmem:s19+$0x14A00];
	v55 =	vmul.f32 v27, v35;
	v35 =	vmul.f32 v33, v35;
	v31 =	vadd.f32 v39, v31  }
0x390: {  	v24 =	vld [tilespmem:s19+$0x4A00];
	v33 =	vmul.f32 v33, v40;
	v27 =	vmul.f32 v27, v40;
	v30 =	vsub.f32 v30, v34  }
0x391: {  	v29 =	vld [tilespmem:s19+$0x14E00];
	v58 =	vmul.f32 v44, v42;
	v36 =	vadd.f32 v41, v36;
	v37 =	vsub.f32 v37, v43  }
0x392: {  	v39 =	vld [tilespmem:s19+$0x4E00];
	v59 =	vmul.f32 v38, v45;
	v22 =	vadd.f32 v23, v22;
	v18 =	vadd.f32 v19, v18  }
0x393: {  	v42 =	vld [tilespmem:s19+$0x15200];
	v61 =	vmul.f32 v25, v46;
	v13 =	vadd.f32 v15, v13;
	v28 =	vadd.f32 v57, v63  }
0x394: {  	v60 =	vld [tilespmem:s19+$0x5200];
	v11 =	vadd.f32 v12, v11;
	v45 =	vmul.f32 v50, v46;
	v48 =	vadd.f32 v52, v48  }
0x395: {  	v41 =	vld [tilespmem:s19+$0xC600];
	v49 =	vsub.f32 v49, v51;
	v62 =	vmul.f32 v50, v32;
	v14 =	vmul.f32 v28, v14  }
0x396: {  	v56 =	vld [tilespmem:s19+$0xCA00];
	v38 =	vsub.f32 v58, v59;
	v63 =	vmul.f32 v47, v53;
	v54 =	vmul.f32 v0, v53  }
0x397: {  	v57 =	vld [tilespmem:s19+$0xCE00];
	v33 =	vadd.f32 v33, v55;
	v0 =	vmul.f32 v0, v24;
	v24 =	vmul.f32 v47, v24  }
0x398: {  	v59 =	vld [tilespmem:s19+$0xD200];
	v27 =	vsub.f32 v35, v27;
	v58 =	vmul.f32 v29, v39;
	v39 =	vmul.f32 v42, v39  }
0x399: {  	v42 =	vmul.f32 v42, v60;
	v28 =	vmul.f32 v29, v60;
	v60 =	vadd.f32 v62, v61;
	v61 =	vld [tilespmem:s19+$0xD210]  }
0x39a: {  	v46 =	vld [tilespmem:s19+$0xD220];
	v62 =	vmul.f32 v25, v32;
	v0 =	vadd.f32 v0, v63;
	v24 =	vsub.f32 v54, v24  }
0x39b: {  	v10 =	vmul.f32 v38, v10;
	v63 =	vld [tilespmem:s19+$0xCE20];
	v44 =	vadd.f32 v42, v58;
	v28 =	vsub.f32 v39, v28  }
0x39c: {  	v51 =	vld [tilespmem:s19+$0xD230];
	v25 =	vsub.f32 v45, v62;
	v0 =	vmul.f32 v0, v41;
	v24 =	vmul.f32 v24, v56  }
0x39d: {  	v50 =	vld [tilespmem:s19+$0xCE30];
	v3 =	vadd.f32 v16, v3;
	v38 =	vmul.f32 v44, v57;
	v28 =	vmul.f32 v28, v59  }
0x39e: {  	v52 =	vld [tilespmem:s19+$0xCE40];
	v10 =	vadd.f32 v10, v14;
	v9 =	vmul.f32 v60, v9;
	v25 =	vmul.f32 v25, v61  }
0x39f: {  	v55 =	vld [tilespmem:s19+$0xD240];
	v0 =	vadd.f32 v24, v0;
	v53 =	vadd.f32 v28, v38  }
0x3a0: {  	v14 =	vmul.f32 v27, v46;
	v58 =	vld [tilespmem:s19+$0xD250];
	v54 =	vmul.f32 v33, v63;
	v9 =	vadd.f32 v25, v9  }
0x3a1: {  	v56 =	vld [tilespmem:s19+$0xCE50];
	v0 =	vadd.f32 $0.0e+00, v0;
	v24 =	vadd.f32 $0.0e+00, v53  }
0x3a2: {  	v16 =	vmul.f32 v49, v51;
	v60 =	vld [tilespmem:s19+$0xD260];
	v57 =	vmul.f32 v48, v50;
	v14 =	vadd.f32 v14, v54  }
0x3a3: {  	v59 =	vld [tilespmem:s19+$0xCE60];
	v0 =	vadd.f32 v10, v0;
	v9 =	vadd.f32 v9, v24  }
0x3a4: {  	v62 =	vld [tilespmem:s19+$0xCE70];
	v61 =	vmul.f32 v37, v55;
	v16 =	vadd.f32 v16, v57;
	v10 =	vmul.f32 v36, v52  }
0x3a5: {  	v0 =	vadd.f32 v3, v0;
	v3 =	vadd.f32 v14, v9;
	v14 =	vld [tilespmem:s19+$0xD270]  }
0x3a6: {  	v63 =	vmul.f32 v30, v58;
	v9 =	vmul.f32 v31, v56;
	v10 =	vadd.f32 v61, v10  }
0x3a7: {  	v0 =	vadd.f32 v22, v0;
	v3 =	vadd.f32 v16, v3  }
0x3a8: {  	v15 =	vmul.f32 v26, v60;
	v16 =	vmul.f32 v17, v59;
	v9 =	vadd.f32 v63, v9  }
0x3a9: {  	v0 =	vadd.f32 v18, v0;
	v3 =	vadd.f32 v10, v3  }
0x3aa: {  	v10 =	vmul.f32 v20, v62;
	v12 =	vadd.f32 v15, v16;
	v14 =	vmul.f32 v21, v14  }
0x3ab: {  	v0 =	vadd.f32 v13, v0;
	v3 =	vadd.f32 v9, v3  }
0x3ac: {  	v7 =	vadd.f32 v8, v7;
	v8 =	vadd.f32 v14, v10  }
0x3ad: {  	v0 =	vadd.f32 v11, v0;
	v3 =	vadd.f32 v12, v3;
	_ =	sdelay $0x1  }
0x3ae: {  	v0 =	vadd.f32 v7, v0;
	v3 =	vadd.f32 v8, v3;
	_ =	sdelay $0x1  }
0x3af: {  	v7 =	vperm.xlane v0, v1;
	v8 =	vperm.xlane v3, v1;
	_ =	sdelay $0x1  }
0x3b0: {  	v0 =	vadd.f32 v7, v0;
	v3 =	vadd.f32 v3, v8;
	_ =	sdelay $0x1  }
0x3b1: {  	s26 =	sshra.s32 s20, $0x2;
	v0 =	vsel vm3, v0, v3  }
0x3b2: {  	s19 =	simm.s32 $0x18800;
	[tilespmem:s26+$0x18600] =	vst v0  }
0x3b3: {  	v14 =	vld [tilespmem:s19+$0xFFFFFE00]  }
0x3b4: {  	v15 =	vld [tilespmem:s19+$0xFFFFFE80]  }
0x3b5: {  	v13 =	vld [tilespmem:s19+$0xFFFFFF00]  }
0x3b6: {  	v12 =	vld [tilespmem:s19+$0xFFFFFF80]  }
0x3b7: {  	v9 =	vld [tilespmem:s19+$0x0]  }
0x3b8: {  	v10 =	vld [tilespmem:s19+$0x80]  }
0x3b9: {  	v8 =	vld [tilespmem:s19+$0x100]  }
0x3ba: {  	s20 =	simm.s32 $0x40;
	v7 =	vmov s15;
	v11 =	vld [tilespmem:s19+$0x180]  }
.LBB2_11:
0x3bb: {  	p0 =	sne.s32 s20, $0xC0;
	v0 =	vperm.xlane v14, v4;
	v3 =	vperm.xlane v15, v4  }
0x3bc: {  	v16 =	vperm.xlane v13, v4  }
0x3bd: {  	v0 =	vadd.f32 v0, v14;
	v3 =	vadd.f32 v3, v15;
	v14 =	vperm.xlane v12, v4  }
0x3be: {  	v13 =	vadd.f32 v16, v13;
	v15 =	vperm.xlane v9, v4;
	v16 =	vperm.xlane v10, v4  }
0x3bf: {  	v12 =	vadd.f32 v14, v12;
	v14 =	vperm.xlane v8, v4;
	v17 =	vperm.xlane v11, v4  }
0x3c0: {  	v9 =	vadd.f32 v15, v9;
	v10 =	vadd.f32 v16, v10  }
0x3c1: {  	v0 =	vsel vm1, v0, v3;
	v3 =	vadd.f32 v14, v8;
	v8 =	vadd.f32 v17, v11  }
0x3c2: {  	v11 =	vsel vm1, v13, v12;
	v12 =	vperm.xlane v0, v5  }
0x3c3: {  	v9 =	vsel vm1, v9, v10;
	v3 =	vsel vm1, v3, v8;
	v8 =	vperm.xlane v11, v5  }
0x3c4: {  	v10 =	vperm.xlane v9, v5;
	v13 =	vperm.xlane v3, v5  }
0x3c5: {  	v0 =	vadd.f32 v12, v0;
	v8 =	vadd.f32 v8, v11  }
0x3c6: {  	v9 =	vadd.f32 v10, v9;
	v3 =	vadd.f32 v13, v3;
	_ =	sdelay $0x1  }
0x3c7: {  	v0 =	vsel vm2, v0, v8;
	v3 =	vsel vm2, v9, v3  }
0x3c8: {  	v8 =	vperm.xlane v0, v6;
	v9 =	vperm.xlane v3, v6;
	_ =	sdelay $0x1  }
0x3c9: {  	v0 =	vadd.f32 v8, v0;
	v3 =	vadd.f32 v9, v3;
	_ =	sdelay $0x1  }
0x3ca: {  	s22 =	sshra.s32 s18, $0x2;
	s18 =	smov.u32 s20;
	v0 =	vsel vm4, v0, v3  }
0x3cb: {  	s19 =	sadd.s32 $0x400, s19;
	[tilespmem:v7+s22+$0x0 ss:$0x1] =	vst.idx.msk $0xffff, v0  }
0x3cc: {  	v14 =	vld [tilespmem:s19+$0xFFFFFE00]  }
0x3cd: {  	v15 =	vld [tilespmem:s19+$0xFFFFFE80]  }
0x3ce: {  	v13 =	vld [tilespmem:s19+$0xFFFFFF00]  }
.Ltmp4:
0x3cf: {  	v12 =	vld [tilespmem:s19+$0xFFFFFF80];
	(pc) =	sbr.rel @p0 .LBB2_11-.Ltmp4, $4  }
0x3d0: {  	v9 =	vld [tilespmem:s19+$0x0]  }
0x3d1: {  	v10 =	vld [tilespmem:s19+$0x80]  }
0x3d2: {  	v8 =	vld [tilespmem:s19+$0x100]  }
0x3d3: {  	s20 =	sadd.s32 $0x40, s20;
	v11 =	vld [tilespmem:s19+$0x180]  }
0x3d4: {  	v0 =	vperm.xlane v14, v4  }
0x3d5: {  	v3 =	vperm.xlane v15, v4;
	v16 =	vperm.xlane v13, v4  }
0x3d6: {  	v57 =	vperm.xlane v12, v4;
	v58 =	vperm.xlane v9, v4;
	v0 =	vadd.f32 v0, v14  }
0x3d7: {  	v3 =	vadd.f32 v3, v15;
	v13 =	vadd.f32 v16, v13;
	v59 =	vperm.xlane v10, v4  }
0x3d8: {  	v12 =	vadd.f32 v57, v12;
	v60 =	vperm.xlane v8, v4;
	v17 =	vperm.xlane v11, v4  }
0x3d9: {  	v9 =	vadd.f32 v58, v9;
	v10 =	vadd.f32 v59, v10  }
0x3da: {  	v0 =	vsel vm1, v0, v3;
	v3 =	vadd.f32 v60, v8;
	v8 =	vadd.f32 v17, v11  }
0x3db: {  	v61 =	vsel vm1, v13, v12;
	v9 =	vsel vm1, v9, v10  }
0x3dc: {  	v62 =	vperm.xlane v0, v5;
	v10 =	vperm.xlane v9, v5;
	v3 =	vsel vm1, v3, v8  }
0x3dd: {  	v8 =	vperm.xlane v61, v5;
	v63 =	vperm.xlane v3, v5  }
0x3de: {  	v0 =	vadd.f32 v62, v0;
	v9 =	vadd.f32 v10, v9  }
0x3df: {  	v8 =	vadd.f32 v8, v61;
	v3 =	vadd.f32 v63, v3;
	_ =	sdelay $0x1  }
0x3e0: {  	s17 =	sadd.s32 $0x1, s17;
	v0 =	vsel vm2, v0, v8;
	v3 =	vsel vm2, v9, v3  }
0x3e1: {  	p0 =	sne.s32 s17, $0x4;
	v8 =	vperm.xlane v0, v6;
	v9 =	vperm.xlane v3, v6  }
.Ltmp5:
0x3e2: {  	_ = 	snop;
	(pc) =	sbr.rel @p0 .LBB2_2-.Ltmp5, $3  }
0x3e3: {  	v0 =	vadd.f32 v8, v0;
	v3 =	vadd.f32 v9, v3;
	_ =	sdelay $0x1  }
0x3e4: {  	s18 =	sshra.s32 s18, $0x2;
	v0 =	vsel vm4, v0, v3  }
0x3e5: {  	s16 =	sadd.s32 $0x80, s16;
	s15 =	sadd.s32 $0x80, s15;
	[tilespmem:v7+s18+$0x0 ss:$0x1] =	vst.idx.msk $0xffff, v0  }
0x3e6: {  	s15 =	rddreg [dreg:$0xa];
	s16 =	simm.s32 $0x19600;
	s25 =	simm.s32 $0x7  }
0x3e7: {  	[hbm4b:s15+s4] =	stream.linear.scatter [tilespmem:s16], [sflag:$0x7], $0x200, $0x38;
	[tilespmem:$0x19800] =	vst v63  }
0x3e8: {  	_ =	swait.ge [sflag:s25], $0x200  }
0x3e9: {  	s17 =	rddreg [dreg:$0xc]  }
0x3ea: {  	s26 =	rddreg [dreg:$0xb];
	s17 =	sadd.s32 $0x1, s17  }
0x3eb: {  	p0 =	sne.s32 s17, s26  }
.Ltmp6:
0x3ec: {  	_ = 	snop;
	(pc) =	sbr.rel @p0 .LBB2_1-.Ltmp6, $3  }
0x3ed: {  	_ =	sdelay $0x1  }
0x3ee: {  	[sflag:s25] =	ssyncset.done $0x0  }
0x3ef: {  	[sflag:s25] =	ssyncadd.s32 $0xFFFFFE00  }
0x3f0: {  	_ =	sfence.sel $0x180000  }
0x3f1: {  	[bflag:$0x0] =	sbarrier.arrive $0xFFFF  }
0x3f2: {  	_ =	strace $0x90000047  }
0x3f3: {  	s0 =	stileid.u32;
	[bflag:$0x2] =	sbarrier.arrive $0xFFFF  }
0x3f4: {  	p0 =	sne.s32 s0, $0x0;
	s0 =	rddreg [dreg:$0x6]  }
0x3f5: {  	s0 =	sadd.s32 @!p0 $0x100000, s0  }
0x3f6: {  	[sflag:s0] =	ssyncadd.tile.s32 @!p0 $0x1;
	_ =	shalt  }
.Lfunc_end2:
_tile_overlayer_lowered:
.L_overlay_start_2:
0x3f7: {  	(tag) =	ssettag $0x2  }
0x3f8: {  	s0 =	rddreg [dreg:$0x0];
	s2 =	stileid.u32  }
0x3f9: {  	s1 =	rddreg [dreg:$0x1];
	p0 =	sne.s32 s2, $0x0  }
0x3fa: {  	s3 =	rddreg [dreg:$0x2];
	[bflag:$0x3] =	sbarrier.arrive $0xFFFF;
	s2 =	simm.s32 @!p0 $0x1C07  }
0x3fb: {  	[timem:s3], [sflag:s2] =	dma.local @!p0 [hbm:s0], s1  }
0x3fc: {  	s0 =	simm.s32 @!p0 $0x7  }
0x3fd: {  	_ =	swait.ge @!p0 [sflag:s0], s1  }
0x3fe: {  	s1 =	ssub.s32 @!p0 $0x0, s1;
	[sflag:s0] =	ssyncset.done @!p0 $0x0  }
0x3ff: {  	[sflag:s0] =	ssyncadd.s32 @!p0 s1  }
0x400: {  	[bflag:$0x3] =	sbarrier.arrive $0xFFFF  }
0x401: {  	_ =	shalt  }

</sc_bundles>
